<compile_context>
chip_gen: v7x
topology: tpu7x:2x2x1
jax: 0.10.2.dev20260603
libtpu: 0.0.44.dev20260713+nightly
codegen_flags: <defaults>
</compile_context>

<pallas_src>
import functools

import jax
import jax.numpy as jnp
from jax import lax
from jax.experimental import pallas as pl
from jax.experimental.pallas import tpu as pltpu
from jax.experimental.pallas import tpu_sc as plsc

N = 10000
E = 320000
B = 64
ND = 128
ED = 16
GD = 64

NC = 2
NS = 16
NW = NC * NS

PT = 10240
EP = NW * PT
KI = 8
STEP = KI * 128
HALF = STEP // 2
QTR = STEP // 4
ACCR = 10240
RPT = ACCR // NS

BE = 2560
GE = EP // BE
REAL = E // BE
BN = 2000
GN = N // BN

_sc_cache = {}


def _mesh():
    return plsc.VectorSubcoreMesh(
        core_axis_name="c", subcore_axis_name="s",
        num_cores=NC, num_subcores=NS,
    )


def _stage_x(x_hbm, xsp, s):
    @pl.when(s < NS - 1)
    def _():
        pltpu.sync_copy(x_hbm.at[pl.ds(s * 640, 640)],
                        xsp.at[pl.ds(s * 640, 640)])

    @pl.when(s == NS - 1)
    def _():
        pltpu.sync_copy(x_hbm.at[pl.ds(9600, 400)],
                        xsp.at[pl.ds(9600, 400)])


def _row_phase(idx2, out_hbm, xsp, idx_v, rows_v, gsem, osem, rowbase, ebase):
    def group(g, _):
        pltpu.sync_copy(idx2.at[pl.ds(rowbase + g * KI, KI)], idx_v)
        gd = [None, None]
        outs = [None, None]
        for c8 in range(KI):
            b = c8 % 2
            if outs[b] is not None:
                outs[b].wait()
            gd[b] = pltpu.async_copy(
                xsp.at[idx_v.at[c8]], rows_v.at[b], gsem[b]
            )
            if c8 >= 1:
                pb = 1 - b
                gd[pb].wait()
                outs[pb] = pltpu.async_copy(
                    rows_v.at[pb],
                    out_hbm.at[pl.ds(ebase + g * STEP + (c8 - 1) * 128, 128)],
                    osem[pb],
                )
        lb = (KI - 1) % 2
        gd[lb].wait()
        outs[lb] = pltpu.async_copy(
            rows_v.at[lb],
            out_hbm.at[pl.ds(ebase + g * STEP + (KI - 1) * 128, 128)],
            osem[lb],
        )
        outs[0].wait()
        outs[1].wait()
        return 0

    lax.fori_loop(0, PT // STEP, group, 0)


def _sc_gather_body(x_hbm, src2, dst2, srcb2, batch_ext, xsrc_out, xdst_out,
                    bsrc_out, xsp, bsp, idx_v, rows_v, bvals_v,
                    gsem0, gsem1, osem0, osem1):
    c = lax.axis_index("c")
    s = lax.axis_index("s")
    wid = s * NC + c
    rowbase = wid * (PT // 128)
    ebase = wid * PT
    _stage_x(x_hbm, xsp, s)

    @pl.when(s == 0)
    def _():
        pltpu.sync_copy(batch_ext, bsp)

    plsc.subcore_barrier()
    _row_phase(src2, xsrc_out, xsp, idx_v, rows_v, [gsem0, gsem1],
               [osem0, osem1], rowbase, ebase)
    _row_phase(dst2, xdst_out, xsp, idx_v, rows_v, [gsem0, gsem1],
               [osem0, osem1], rowbase, ebase)

    def bgroup(g, _):
        pltpu.sync_copy(srcb2.at[pl.ds(rowbase + g * KI, KI)], idx_v)
        descs = [
            pltpu.async_copy(
                bsp.at[idx_v.at[j]],
                bvals_v.at[pl.ds(j * 128, 128)],
                gsem0,
            )
            for j in range(KI)
        ]
        for d in descs:
            d.wait()
        pltpu.sync_copy(bvals_v, bsrc_out.at[pl.ds(ebase + g * STEP, STEP)])
        return 0

    lax.fori_loop(0, PT // STEP, bgroup, 0)


def _sc_gather(*args):
    if "gather" not in _sc_cache:
        _sc_cache["gather"] = pl.kernel(
            _sc_gather_body,
            out_type=(
                jax.ShapeDtypeStruct((EP, ND), jnp.float32),
                jax.ShapeDtypeStruct((EP, ND), jnp.float32),
                jax.ShapeDtypeStruct((EP,), jnp.int32),
            ),
            mesh=_mesh(),
            scratch_types=[
                pltpu.VMEM_SHARED((N, ND), jnp.float32),
                pltpu.VMEM_SHARED((N + 8,), jnp.int32),
                pltpu.VMEM((KI, 128), jnp.int32),
                pltpu.VMEM((2, 128, ND), jnp.float32),
                pltpu.VMEM((STEP,), jnp.int32),
                pltpu.SemaphoreType.DMA,
                pltpu.SemaphoreType.DMA,
                pltpu.SemaphoreType.DMA,
                pltpu.SemaphoreType.DMA,
            ],
        )
    return _sc_cache["gather"](*args)


def _sc_scatter_body(msg_hbm, dst2, zeros_hbm, out_hbm, acc, idx_v, rows_v,
                     sem):
    c = lax.axis_index("c")
    s = lax.axis_index("s")
    wid = s * NC + c
    rowbase = wid * (PT // 128)
    ebase = wid * PT

    pltpu.sync_copy(zeros_hbm, acc.at[pl.ds(s * RPT, RPT)])
    plsc.subcore_barrier()

    def step(o, _):
        pltpu.sync_copy(dst2.at[pl.ds(rowbase + o * KI, KI)], idx_v)
        for h in range(4):
            pltpu.sync_copy(
                msg_hbm.at[pl.ds(ebase + o * STEP + h * QTR, QTR)], rows_v
            )
            for j in range(2):
                pltpu.sync_copy(
                    rows_v.at[pl.ds(j * 128, 128)],
                    acc.at[idx_v.at[h * 2 + j]],
                    add=True,
                )
        return 0

    lax.fori_loop(0, PT // STEP, step, 0)
    plsc.subcore_barrier()
    pltpu.sync_copy(
        acc.at[pl.ds(s * RPT, RPT)], out_hbm.at[c, pl.ds(s * RPT, RPT)]
    )


def _sc_scatter(*args):
    if "scatter" not in _sc_cache:
        _sc_cache["scatter"] = pl.kernel(
            _sc_scatter_body,
            out_type=jax.ShapeDtypeStruct((NC, ACCR, ND), jnp.float32),
            mesh=_mesh(),
            scratch_types=[
                pltpu.VMEM_SHARED((ACCR, ND), jnp.float32),
                pltpu.VMEM((KI, 128), jnp.int32),
                pltpu.VMEM((QTR, ND), jnp.float32),
                pltpu.SemaphoreType.DMA,
            ],
        )
    return _sc_cache["scatter"](*args)


def _edge_body(bsrc_ref, xs_ref, xd_ref, ea_ref, g_ref, wm1x_ref, wm1e_ref,
               bm1_ref, wm2_ref, bm2_ref, we1e_ref, we1s_ref, we1d_ref,
               we1g_ref, be1_ref, we2_ref, be2_ref, msg_ref, eu_ref,
               agge_ref):
    i = pl.program_id(0)
    xs = xs_ref[...]
    xd = xd_ref[...]
    ea = ea_ref[...]
    f32 = jnp.float32

    h1 = jax.nn.relu(
        jnp.dot(xs, wm1x_ref[...], preferred_element_type=f32)
        + jnp.dot(ea, wm1e_ref[...], preferred_element_type=f32)
        + bm1_ref[...]
    )
    msg_ref[...] = (
        jnp.dot(h1, wm2_ref[...], preferred_element_type=f32) + bm2_ref[...]
    )

    b = bsrc_ref[0, 0, :]
    onehot = (
        b[:, None] == lax.broadcasted_iota(jnp.int32, (BE, B), 1)
    ).astype(f32)
    geff = jnp.dot(g_ref[...], we1g_ref[...], preferred_element_type=f32)
    h2 = jax.nn.relu(
        jnp.dot(ea, we1e_ref[...], preferred_element_type=f32)
        + jnp.dot(xs, we1s_ref[...], preferred_element_type=f32)
        + jnp.dot(xd, we1d_ref[...], preferred_element_type=f32)
        + jnp.dot(onehot, geff, preferred_element_type=f32)
        + be1_ref[...]
    )
    eu = jnp.dot(h2, we2_ref[...], preferred_element_type=f32) + be2_ref[...]
    eu_ref[...] = eu

    @pl.when(i == 0)
    def _():
        agge_ref[...] = jnp.zeros_like(agge_ref)

    agge_ref[...] += lax.dot_general(
        onehot, eu, (((0,), (0,)), ((), ())), preferred_element_type=f32
    )


def _node_body(batch_ref, x_ref, aggp_ref, g_ref, wn1x_ref, wn1m_ref,
               wn1g_ref, bn1_ref, wn2_ref, bn2_ref, xu_ref, aggn_ref):
    i = pl.program_id(0)
    f32 = jnp.float32
    x = x_ref[...]
    agg = aggp_ref[0] + aggp_ref[1]
    b = batch_ref[0, 0, :]
    onehot = (
        b[:, None] == lax.broadcasted_iota(jnp.int32, (BN, B), 1)
    ).astype(f32)
    gg = jnp.dot(g_ref[...], wn1g_ref[...], preferred_element_type=f32)
    h = jax.nn.relu(
        jnp.dot(x, wn1x_ref[...], preferred_element_type=f32)
        + jnp.dot(agg, wn1m_ref[...], preferred_element_type=f32)
        + jnp.dot(onehot, gg, preferred_element_type=f32)
        + bn1_ref[...]
    )
    xu = jnp.dot(h, wn2_ref[...], preferred_element_type=f32) + bn2_ref[...]
    xu_ref[...] = xu

    @pl.when(i == 0)
    def _():
        aggn_ref[...] = jnp.zeros_like(aggn_ref)

    aggn_ref[...] += lax.dot_general(
        onehot, xu, (((0,), (0,)), ((), ())), preferred_element_type=f32
    )


def _global_body(g_ref, an_ref, ae_ref, wg1g_ref, wg1n_ref, wg1e_ref,
                 bg1_ref, wg2_ref, bg2_ref, gu_ref):
    f32 = jnp.float32
    h = jax.nn.relu(
        jnp.dot(g_ref[...], wg1g_ref[...], preferred_element_type=f32)
        + jnp.dot(an_ref[...], wg1n_ref[...], preferred_element_type=f32)
        + jnp.dot(ae_ref[...], wg1e_ref[...], preferred_element_type=f32)
        + bg1_ref[...]
    )
    gu_ref[...] = jnp.dot(h, wg2_ref[...], preferred_element_type=f32) + bg2_ref[...]


def _full(shape):
    return pl.BlockSpec(shape, lambda i: (0,) * len(shape))


def kernel(x, edge_index, edge_attr, global_context_vector, batch, Wm1, bm1,
           Wm2, bm2, Wn1, bn1, Wn2, bn2, We1, be1, We2, be2, Wg1, bg1, Wg2,
           bg2):
    f32 = jnp.float32
    i32 = jnp.int32
    src = edge_index[0]
    dst = edge_index[1]
    padn = EP - E

    src2 = jnp.concatenate([src, jnp.zeros((padn,), i32)]).reshape(-1, 128)
    dstg2 = jnp.concatenate([dst, jnp.zeros((padn,), i32)]).reshape(-1, 128)
    srcb2 = jnp.concatenate([src, jnp.full((padn,), N, i32)]).reshape(-1, 128)
    dstp2 = jnp.concatenate([dst, jnp.full((padn,), N, i32)]).reshape(-1, 128)
    batch_ext = jnp.concatenate([batch, jnp.full((8,), B, i32)])

    xsrc, xdst, bsrc = _sc_gather(x, src2, dstg2, srcb2, batch_ext)
    bsrc3 = bsrc.reshape(GE, 1, BE)

    g = global_context_vector
    bm1r = bm1.reshape(1, ND)
    bm2r = bm2.reshape(1, ND)
    be1r = be1.reshape(1, ED)
    be2r = be2.reshape(1, ED)
    bn1r = bn1.reshape(1, ND)
    bn2r = bn2.reshape(1, ND)
    bg1r = bg1.reshape(1, GD)
    bg2r = bg2.reshape(1, GD)

    def _rot(i):
        return (i + REAL) % GE

    def _rotc(i):
        return jnp.minimum(_rot(i), REAL - 1)

    msg, eu, agg_e = pl.pallas_call(
        _edge_body,
        grid=(GE,),
        in_specs=[
            pl.BlockSpec((1, 1, BE), lambda i: (_rot(i), 0, 0)),
            pl.BlockSpec((BE, ND), lambda i: (_rot(i), 0)),
            pl.BlockSpec((BE, ND), lambda i: (_rot(i), 0)),
            pl.BlockSpec((BE, ED), lambda i: (_rotc(i), 0)),
            _full((B, GD)),
            _full((ND, ND)), _full((ED, ND)), _full((1, ND)),
            _full((ND, ND)), _full((1, ND)),
            _full((ED, ED)), _full((ND, ED)), _full((ND, ED)),
            _full((GD, ED)), _full((1, ED)),
            _full((ED, ED)), _full((1, ED)),
        ],
        out_specs=[
            pl.BlockSpec((BE, ND), lambda i: (_rot(i), 0)),
            pl.BlockSpec((BE, ED), lambda i: (_rotc(i), 0)),
            pl.BlockSpec((B, ED), lambda i: (0, 0)),
        ],
        out_shape=[
            jax.ShapeDtypeStruct((EP, ND), f32),
            jax.ShapeDtypeStruct((E, ED), f32),
            jax.ShapeDtypeStruct((B, ED), f32),
        ],
    )(bsrc3, xsrc, xdst, edge_attr, g,
      Wm1[:ND], Wm1[ND:], bm1r, Wm2, bm2r,
      We1[:ED], We1[ED:ED + ND], We1[ED + ND:ED + 2 * ND],
      We1[ED + 2 * ND:], be1r, We2, be2r)

    zeros_blk = jnp.zeros((RPT, ND), f32)
    aggp = _sc_scatter(msg, dstp2, zeros_blk)

    batch3 = batch.reshape(GN, 1, BN)
    xu, agg_n = pl.pallas_call(
        _node_body,
        grid=(GN,),
        in_specs=[
            pl.BlockSpec((1, 1, BN), lambda i: (i, 0, 0)),
            pl.BlockSpec((BN, ND), lambda i: (i, 0)),
            pl.BlockSpec((NC, BN, ND), lambda i: (0, i, 0)),
            _full((B, GD)),
            _full((ND, ND)), _full((ND, ND)), _full((GD, ND)), _full((1, ND)),
            _full((ND, ND)), _full((1, ND)),
        ],
        out_specs=[
            pl.BlockSpec((BN, ND), lambda i: (i, 0)),
            pl.BlockSpec((B, ND), lambda i: (0, 0)),
        ],
        out_shape=[
            jax.ShapeDtypeStruct((N, ND), f32),
            jax.ShapeDtypeStruct((B, ND), f32),
        ],
    )(batch3, x, aggp, g,
      Wn1[:ND], Wn1[ND:2 * ND], Wn1[2 * ND:], bn1r, Wn2, bn2r)

    gu = pl.pallas_call(
        _global_body,
        grid=(1,),
        in_specs=[
            _full((B, GD)), _full((B, ND)), _full((B, ED)),
            _full((GD, GD)), _full((ND, GD)), _full((ED, GD)), _full((1, GD)),
            _full((GD, GD)), _full((1, GD)),
        ],
        out_specs=pl.BlockSpec((B, GD), lambda i: (0, 0)),
        out_shape=jax.ShapeDtypeStruct((B, GD), f32),
    )(g, agg_n, agg_e,
      Wg1[:GD], Wg1[GD:GD + ND], Wg1[GD + ND:], bg1r, Wg2, bg2r)

    return (xu, eu, gu)

# --- scband reference (transcript-rebuilt; emitter-appended) ---
"""Pipeline reference for scband-fruity-gnnlayer-69312182222993 (READ-ONLY COPY).

The authoritative reference and input builder live on the scoring server;
editing this copy changes nothing except your own understanding.
"""

import jax, jax.numpy as jnp
import numpy as np

N = 10000
E = 320000
B = 64
ND = 128
ED = 16
GD = 64


def _mlp(h, W1, b1, W2, b2):
    return jax.nn.relu(h @ W1 + b1) @ W2 + b2


def setup_inputs(seed: int = 0):
    key = jax.random.key(seed)
    ks = jax.random.split(key, 16)
    s = 0.05
    inp = {}
    inp["x"] = jax.random.normal(ks[0], (N, ND), dtype=jnp.float32)
    inp["edge_index"] = jax.random.randint(ks[1], (2, E), 0, N, dtype=jnp.int32)
    inp["edge_attr"] = jax.random.normal(ks[2], (E, ED), dtype=jnp.float32)
    inp["global_context_vector"] = jax.random.normal(ks[3], (B, GD), dtype=jnp.float32)
    inp["batch"] = jnp.sort(jax.random.randint(ks[4], (N,), 0, B, dtype=jnp.int32))
    inp["Wm1"] = jax.random.normal(ks[5], (ND + ED, ND), dtype=jnp.float32) * s
    inp["bm1"] = jnp.zeros((ND,), dtype=jnp.float32)
    inp["Wm2"] = jax.random.normal(ks[6], (ND, ND), dtype=jnp.float32) * s
    inp["bm2"] = jnp.zeros((ND,), dtype=jnp.float32)
    inp["Wn1"] = jax.random.normal(ks[7], (ND + ND + GD, ND), dtype=jnp.float32) * s
    inp["bn1"] = jnp.zeros((ND,), dtype=jnp.float32)
    inp["Wn2"] = jax.random.normal(ks[8], (ND, ND), dtype=jnp.float32) * s
    inp["bn2"] = jnp.zeros((ND,), dtype=jnp.float32)
    inp["We1"] = jax.random.normal(ks[9], (ED + 2 * ND + GD, ED), dtype=jnp.float32) * s
    inp["be1"] = jnp.zeros((ED,), dtype=jnp.float32)
    inp["We2"] = jax.random.normal(ks[10], (ED, ED), dtype=jnp.float32) * s
    inp["be2"] = jnp.zeros((ED,), dtype=jnp.float32)
    inp["Wg1"] = jax.random.normal(ks[11], (GD + ND + ED, GD), dtype=jnp.float32) * s
    inp["bg1"] = jnp.zeros((GD,), dtype=jnp.float32)
    inp["Wg2"] = jax.random.normal(ks[12], (GD, GD), dtype=jnp.float32) * s
    inp["bg2"] = jnp.zeros((GD,), dtype=jnp.float32)
    return inp


def reference(x, edge_index, edge_attr, global_context_vector, batch, Wm1, bm1, Wm2, bm2, Wn1, bn1, Wn2, bn2, We1, be1, We2, be2, Wg1, bg1, Wg2, bg2):
    src = edge_index[0]
    dst = edge_index[1]
    msg = _mlp(jnp.concatenate([x[src], edge_attr], axis=-1), Wm1, bm1, Wm2, bm2)
    agg_msg = jax.ops.segment_sum(msg, dst, num_segments=x.shape[0])
    global_per_node = global_context_vector[batch]
    x_updated = _mlp(jnp.concatenate([x, agg_msg, global_per_node], axis=-1), Wn1, bn1, Wn2, bn2)
    edge_global = global_context_vector[batch[src]]
    edge_updated = _mlp(jnp.concatenate([edge_attr, x[src], x[dst], edge_global], axis=-1), We1, be1, We2, be2)
    agg_nodes = jax.ops.segment_sum(x_updated, batch, num_segments=global_context_vector.shape[0])
    agg_edges = jax.ops.segment_sum(edge_updated, batch[src], num_segments=global_context_vector.shape[0])
    global_updated = _mlp(jnp.concatenate([global_context_vector, agg_nodes, agg_edges], axis=-1), Wg1, bg1, Wg2, bg2)
    return (x_updated, edge_updated, global_updated)

if __name__ == "__main__":
    import jax
    _d = setup_inputs()
    print(jax.jit(kernel)(*tuple(_d.values())))

</pallas_src>

<mosaic_0001>
#map = affine_map<(d0, d1) -> (0, 0)>
#map1 = affine_map<(d0, d1) -> (0, 0, 0)>
module attributes {stable_mosaic.version = 14 : i64} {
  func.func @_sc_scatter_body(%arg0: i32, %arg1: i32, %arg2: memref<327680x128xf32, #tpu.memory_space<hbm>>, %arg3: memref<2560x128xi32, #tpu.memory_space<hbm>>, %arg4: memref<640x128xf32, #tpu.memory_space<hbm>>, %arg5: memref<2x10240x128xf32, #tpu.memory_space<hbm>>, %arg6: memref<10240x128xf32, #tpu.memory_space<vmem_shared>>, %arg7: memref<8x128xi32, #tpu.memory_space<vmem>>, %arg8: memref<256x128xf32, #tpu.memory_space<vmem>>, %arg9: memref<!tpu.dma_semaphore, #tpu.memory_space<semaphore_mem>>) attributes {dimension_semantics = [#tpu.dimension_semantics<core_parallel>, #tpu.dimension_semantics<subcore_parallel>], iteration_bounds = array<i64: 2, 16>, scalar_prefetch = 0 : i64, scratch_operands = 4 : i64, tpu.core_type = #tpu.core_type<sc_vector_subcore>, window_params = [{transform_indices = #map}, {transform_indices = #map}, {transform_indices = #map}, {transform_indices = #map1}]} {
    %mul3A = arith.constant 2 : i32
    %mul3A_0 = arith.muli %arg1, %mul3A : i32
    %add3A = arith.addi %mul3A_0, %arg0 : i32
    %mul3A_1 = arith.constant 80 : i32
    %mul3A_2 = arith.muli %add3A, %mul3A_1 : i32
    %mul3A_3 = arith.constant 10240 : i32
    %mul3A_4 = arith.muli %add3A, %mul3A_3 : i32
    %mul3A_5 = arith.constant 640 : i32
    %mul3A_6 = arith.muli %arg1, %mul3A_5 : i32
    "tpu.region"() ({
      %run_scoped3A = tpu.sem_alloc : memref<!tpu.dma_semaphore, #tpu.memory_space<semaphore_mem>>
      %dma_start3A = arith.constant 0 : i32
      %dma_start3A_18 = tpu.memref_slice %arg6[%mul3A_6, %dma_start3A] : memref<10240x128xf32, #tpu.memory_space<vmem_shared>> -> memref<640x128xf32, #tpu.memory_space<vmem_shared>>
      tpu.enqueue_dma source(%arg4 : memref<640x128xf32, #tpu.memory_space<hbm>>) target(%dma_start3A_18 : memref<640x128xf32, #tpu.memory_space<vmem_shared>>) target_semaphore(%run_scoped3A : memref<!tpu.dma_semaphore, #tpu.memory_space<semaphore_mem>>)
      %dma_wait3A = arith.constant 0 : i32
      %dma_wait3A_19 = tpu.memref_slice %arg6[%mul3A_6, %dma_wait3A] : memref<10240x128xf32, #tpu.memory_space<vmem_shared>> -> memref<640x128xf32, #tpu.memory_space<vmem_shared>>
      tpu.wait_dma2 semaphore(%run_scoped3A : memref<!tpu.dma_semaphore, #tpu.memory_space<semaphore_mem>>) src(%arg4 : memref<640x128xf32, #tpu.memory_space<hbm>>) dst(%dma_wait3A_19 : memref<640x128xf32, #tpu.memory_space<vmem_shared>>)
      tpu.yield
    }) : () -> ()
    %barrier3A = arith.constant 0 : index
    tpu.barrier barrier_id(%barrier3A)
    %scan3A = arith.constant 0 : i32
    %scan3A_7 = arith.constant 0 : i32
    %scan3A_8 = arith.constant 10 : i32
    %scan3A_9 = arith.addi %scan3A_7, %scan3A_8 : i32
    %scan3A_10 = arith.constant 1 : i32
    %scan3A_11 = scf.for %scan3A_18 = %scan3A_7 to %scan3A_9 step %scan3A_10 iter_args(%scan3A_19 = %scan3A) -> (i32)  : i32 {
      %mul3A_20 = arith.constant 8 : i32
      %mul3A_21 = arith.muli %scan3A_18, %mul3A_20 : i32
      %add3A_22 = arith.addi %mul3A_2, %mul3A_21 : i32
      "tpu.region"() ({
        %run_scoped3A_51 = tpu.sem_alloc : memref<!tpu.dma_semaphore, #tpu.memory_space<semaphore_mem>>
        %dma_start3A = arith.constant 0 : i32
        %dma_start3A_52 = tpu.memref_slice %arg3[%add3A_22, %dma_start3A] : memref<2560x128xi32, #tpu.memory_space<hbm>> -> memref<8x128xi32, #tpu.memory_space<hbm>>
        %dma_start3A_53 = arith.constant 0 : i32
        %dma_start3A_54 = tpu.memref_slice %arg3[%add3A_22, %dma_start3A_53] : memref<2560x128xi32, #tpu.memory_space<hbm>> -> memref<8x128xi32, #tpu.memory_space<hbm>>
        tpu.enqueue_dma source(%dma_start3A_54 : memref<8x128xi32, #tpu.memory_space<hbm>>) target(%arg7 : memref<8x128xi32, #tpu.memory_space<vmem>>) target_semaphore(%run_scoped3A_51 : memref<!tpu.dma_semaphore, #tpu.memory_space<semaphore_mem>>)
        %dma_wait3A = arith.constant 0 : i32
        %dma_wait3A_55 = tpu.memref_slice %arg3[%add3A_22, %dma_wait3A] : memref<2560x128xi32, #tpu.memory_space<hbm>> -> memref<8x128xi32, #tpu.memory_space<hbm>>
        %dma_wait3A_56 = arith.constant 0 : i32
        %dma_wait3A_57 = tpu.memref_slice %arg3[%add3A_22, %dma_wait3A_56] : memref<2560x128xi32, #tpu.memory_space<hbm>> -> memref<8x128xi32, #tpu.memory_space<hbm>>
        tpu.wait_dma2 semaphore(%run_scoped3A_51 : memref<!tpu.dma_semaphore, #tpu.memory_space<semaphore_mem>>) src(%dma_wait3A_57 : memref<8x128xi32, #tpu.memory_space<hbm>>) dst(%arg7 : memref<8x128xi32, #tpu.memory_space<vmem>>)
        tpu.yield
      }) : () -> ()
      %mul3A_23 = arith.constant 1024 : i32
      %mul3A_24 = arith.muli %scan3A_18, %mul3A_23 : i32
      %add3A_25 = arith.addi %mul3A_4, %mul3A_24 : i32
      %add3A_26 = arith.constant 0 : i32
      %add3A_27 = arith.addi %add3A_25, %add3A_26 : i32
      "tpu.region"() ({
        %run_scoped3A_51 = tpu.sem_alloc : memref<!tpu.dma_semaphore, #tpu.memory_space<semaphore_mem>>
        %dma_start3A = arith.constant 0 : i32
        %dma_start3A_52 = tpu.memref_slice %arg2[%add3A_27, %dma_start3A] : memref<327680x128xf32, #tpu.memory_space<hbm>> -> memref<256x128xf32, #tpu.memory_space<hbm>>
        %dma_start3A_53 = arith.constant 0 : i32
        %dma_start3A_54 = tpu.memref_slice %arg2[%add3A_27, %dma_start3A_53] : memref<327680x128xf32, #tpu.memory_space<hbm>> -> memref<256x128xf32, #tpu.memory_space<hbm>>
        tpu.enqueue_dma source(%dma_start3A_54 : memref<256x128xf32, #tpu.memory_space<hbm>>) target(%arg8 : memref<256x128xf32, #tpu.memory_space<vmem>>) target_semaphore(%run_scoped3A_51 : memref<!tpu.dma_semaphore, #tpu.memory_space<semaphore_mem>>)
        %dma_wait3A = arith.constant 0 : i32
        %dma_wait3A_55 = tpu.memref_slice %arg2[%add3A_27, %dma_wait3A] : memref<327680x128xf32, #tpu.memory_space<hbm>> -> memref<256x128xf32, #tpu.memory_space<hbm>>
        %dma_wait3A_56 = arith.constant 0 : i32
        %dma_wait3A_57 = tpu.memref_slice %arg2[%add3A_27, %dma_wait3A_56] : memref<327680x128xf32, #tpu.memory_space<hbm>> -> memref<256x128xf32, #tpu.memory_space<hbm>>
        tpu.wait_dma2 semaphore(%run_scoped3A_51 : memref<!tpu.dma_semaphore, #tpu.memory_space<semaphore_mem>>) src(%dma_wait3A_57 : memref<256x128xf32, #tpu.memory_space<hbm>>) dst(%arg8 : memref<256x128xf32, #tpu.memory_space<vmem>>)
        tpu.yield
      }) : () -> ()
      %run_scoped3A = arith.constant 0 : i32
      "tpu.region"() ({
        %run_scoped3A_51 = tpu.sem_alloc : memref<!tpu.dma_semaphore, #tpu.memory_space<semaphore_mem>>
        %dma_start3A = arith.constant 0 : i32
        %dma_start3A_52 = arith.constant 0 : i32
        %dma_start3A_53 = tpu.memref_slice %arg8[%dma_start3A, %dma_start3A_52] : memref<256x128xf32, #tpu.memory_space<vmem>> -> memref<128x128xf32, #tpu.memory_space<vmem>>
        %dma_start3A_54 = arith.constant 0 : i32
        %dma_start3A_55 = tpu.memref_slice %arg7[%run_scoped3A, %dma_start3A_54] : memref<8x128xi32, #tpu.memory_space<vmem>> -> memref<1x128xi32, #tpu.memory_space<vmem>>
        %dma_start3A_56 = tpu.memref_squeeze %dma_start3A_55 : memref<1x128xi32, #tpu.memory_space<vmem>> -> memref<128xi32, #tpu.memory_space<vmem>>
        %dma_start3A_57 = arith.constant 0 : i32
        %dma_start3A_58 = arith.constant 0 : i32
        %dma_start3A_59 = tpu.memref_slice %arg6[%dma_start3A_57, %dma_start3A_58] : memref<10240x128xf32, #tpu.memory_space<vmem_shared>> -> memref<10240x128xf32, #tpu.memory_space<vmem_shared>>
        tpu.enqueue_indirect_dma source(%dma_start3A_53 : memref<128x128xf32, #tpu.memory_space<vmem>>) target(%dma_start3A_59 : memref<10240x128xf32, #tpu.memory_space<vmem_shared>>) offsets(%dma_start3A_56 : memref<128xi32, #tpu.memory_space<vmem>>) semaphore(%run_scoped3A_51 : memref<!tpu.dma_semaphore, #tpu.memory_space<semaphore_mem>>) {add = true}
        %dma_wait3A = arith.constant 0 : i32
        %dma_wait3A_60 = arith.constant 0 : i32
        %dma_wait3A_61 = tpu.memref_slice %arg8[%dma_wait3A, %dma_wait3A_60] : memref<256x128xf32, #tpu.memory_space<vmem>> -> memref<128x128xf32, #tpu.memory_space<vmem>>
        %dma_wait3A_62 = arith.constant 0 : i32
        %dma_wait3A_63 = tpu.memref_slice %arg7[%run_scoped3A, %dma_wait3A_62] : memref<8x128xi32, #tpu.memory_space<vmem>> -> memref<1x128xi32, #tpu.memory_space<vmem>>
        %dma_wait3A_64 = tpu.memref_squeeze %dma_wait3A_63 : memref<1x128xi32, #tpu.memory_space<vmem>> -> memref<128xi32, #tpu.memory_space<vmem>>
        %dma_wait3A_65 = arith.constant 0 : i32
        %dma_wait3A_66 = arith.constant 0 : i32
        %dma_wait3A_67 = tpu.memref_slice %arg6[%dma_wait3A_65, %dma_wait3A_66] : memref<10240x128xf32, #tpu.memory_space<vmem_shared>> -> memref<10240x128xf32, #tpu.memory_space<vmem_shared>>
        tpu.wait_indirect_dma semaphore(%run_scoped3A_51 : memref<!tpu.dma_semaphore, #tpu.memory_space<semaphore_mem>>) src(%dma_wait3A_61 : memref<128x128xf32, #tpu.memory_space<vmem>>) dst(%dma_wait3A_67 : memref<10240x128xf32, #tpu.memory_space<vmem_shared>>)
        tpu.yield
      }) : () -> ()
      %run_scoped3A_28 = arith.constant 1 : i32
      "tpu.region"() ({
        %run_scoped3A_51 = tpu.sem_alloc : memref<!tpu.dma_semaphore, #tpu.memory_space<semaphore_mem>>
        %dma_start3A = arith.constant 128 : i32
        %dma_start3A_52 = arith.constant 0 : i32
        %dma_start3A_53 = tpu.memref_slice %arg8[%dma_start3A, %dma_start3A_52] : memref<256x128xf32, #tpu.memory_space<vmem>> -> memref<128x128xf32, #tpu.memory_space<vmem>>
        %dma_start3A_54 = arith.constant 0 : i32
        %dma_start3A_55 = tpu.memref_slice %arg7[%run_scoped3A_28, %dma_start3A_54] : memref<8x128xi32, #tpu.memory_space<vmem>> -> memref<1x128xi32, #tpu.memory_space<vmem>>
        %dma_start3A_56 = tpu.memref_squeeze %dma_start3A_55 : memref<1x128xi32, #tpu.memory_space<vmem>> -> memref<128xi32, #tpu.memory_space<vmem>>
        %dma_start3A_57 = arith.constant 0 : i32
        %dma_start3A_58 = arith.constant 0 : i32
        %dma_start3A_59 = tpu.memref_slice %arg6[%dma_start3A_57, %dma_start3A_58] : memref<10240x128xf32, #tpu.memory_space<vmem_shared>> -> memref<10240x128xf32, #tpu.memory_space<vmem_shared>>
        tpu.enqueue_indirect_dma source(%dma_start3A_53 : memref<128x128xf32, #tpu.memory_space<vmem>>) target(%dma_start3A_59 : memref<10240x128xf32, #tpu.memory_space<vmem_shared>>) offsets(%dma_start3A_56 : memref<128xi32, #tpu.memory_space<vmem>>) semaphore(%run_scoped3A_51 : memref<!tpu.dma_semaphore, #tpu.memory_space<semaphore_mem>>) {add = true}
        %dma_wait3A = arith.constant 128 : i32
        %dma_wait3A_60 = arith.constant 0 : i32
        %dma_wait3A_61 = tpu.memref_slice %arg8[%dma_wait3A, %dma_wait3A_60] : memref<256x128xf32, #tpu.memory_space<vmem>> -> memref<128x128xf32, #tpu.memory_space<vmem>>
        %dma_wait3A_62 = arith.constant 0 : i32
        %dma_wait3A_63 = tpu.memref_slice %arg7[%run_scoped3A_28, %dma_wait3A_62] : memref<8x128xi32, #tpu.memory_space<vmem>> -> memref<1x128xi32, #tpu.memory_space<vmem>>
        %dma_wait3A_64 = tpu.memref_squeeze %dma_wait3A_63 : memref<1x128xi32, #tpu.memory_space<vmem>> -> memref<128xi32, #tpu.memory_space<vmem>>
        %dma_wait3A_65 = arith.constant 0 : i32
        %dma_wait3A_66 = arith.constant 0 : i32
        %dma_wait3A_67 = tpu.memref_slice %arg6[%dma_wait3A_65, %dma_wait3A_66] : memref<10240x128xf32, #tpu.memory_space<vmem_shared>> -> memref<10240x128xf32, #tpu.memory_space<vmem_shared>>
        tpu.wait_indirect_dma semaphore(%run_scoped3A_51 : memref<!tpu.dma_semaphore, #tpu.memory_space<semaphore_mem>>) src(%dma_wait3A_61 : memref<128x128xf32, #tpu.memory_space<vmem>>) dst(%dma_wait3A_67 : memref<10240x128xf32, #tpu.memory_space<vmem_shared>>)
        tpu.yield
      }) : () -> ()
      %mul3A_29 = arith.constant 1024 : i32
      %mul3A_30 = arith.muli %scan3A_18, %mul3A_29 : i32
      %add3A_31 = arith.addi %mul3A_4, %mul3A_30 : i32
      %add3A_32 = arith.constant 256 : i32
      %add3A_33 = arith.addi %add3A_31, %add3A_32 : i32
      "tpu.region"() ({
        %run_scoped3A_51 = tpu.sem_alloc : memref<!tpu.dma_semaphore, #tpu.memory_space<semaphore_mem>>
        %dma_start3A = arith.constant 0 : i32
        %dma_start3A_52 = tpu.memref_slice %arg2[%add3A_33, %dma_start3A] : memref<327680x128xf32, #tpu.memory_space<hbm>> -> memref<256x128xf32, #tpu.memory_space<hbm>>
        %dma_start3A_53 = arith.constant 0 : i32
        %dma_start3A_54 = tpu.memref_slice %arg2[%add3A_33, %dma_start3A_53] : memref<327680x128xf32, #tpu.memory_space<hbm>> -> memref<256x128xf32, #tpu.memory_space<hbm>>
        tpu.enqueue_dma source(%dma_start3A_54 : memref<256x128xf32, #tpu.memory_space<hbm>>) target(%arg8 : memref<256x128xf32, #tpu.memory_space<vmem>>) target_semaphore(%run_scoped3A_51 : memref<!tpu.dma_semaphore, #tpu.memory_space<semaphore_mem>>)
        %dma_wait3A = arith.constant 0 : i32
        %dma_wait3A_55 = tpu.memref_slice %arg2[%add3A_33, %dma_wait3A] : memref<327680x128xf32, #tpu.memory_space<hbm>> -> memref<256x128xf32, #tpu.memory_space<hbm>>
        %dma_wait3A_56 = arith.constant 0 : i32
        %dma_wait3A_57 = tpu.memref_slice %arg2[%add3A_33, %dma_wait3A_56] : memref<327680x128xf32, #tpu.memory_space<hbm>> -> memref<256x128xf32, #tpu.memory_space<hbm>>
        tpu.wait_dma2 semaphore(%run_scoped3A_51 : memref<!tpu.dma_semaphore, #tpu.memory_space<semaphore_mem>>) src(%dma_wait3A_57 : memref<256x128xf32, #tpu.memory_space<hbm>>) dst(%arg8 : memref<256x128xf32, #tpu.memory_space<vmem>>)
        tpu.yield
      }) : () -> ()
      %run_scoped3A_34 = arith.constant 2 : i32
      "tpu.region"() ({
        %run_scoped3A_51 = tpu.sem_alloc : memref<!tpu.dma_semaphore, #tpu.memory_space<semaphore_mem>>
        %dma_start3A = arith.constant 0 : i32
        %dma_start3A_52 = arith.constant 0 : i32
        %dma_start3A_53 = tpu.memref_slice %arg8[%dma_start3A, %dma_start3A_52] : memref<256x128xf32, #tpu.memory_space<vmem>> -> memref<128x128xf32, #tpu.memory_space<vmem>>
        %dma_start3A_54 = arith.constant 0 : i32
        %dma_start3A_55 = tpu.memref_slice %arg7[%run_scoped3A_34, %dma_start3A_54] : memref<8x128xi32, #tpu.memory_space<vmem>> -> memref<1x128xi32, #tpu.memory_space<vmem>>
        %dma_start3A_56 = tpu.memref_squeeze %dma_start3A_55 : memref<1x128xi32, #tpu.memory_space<vmem>> -> memref<128xi32, #tpu.memory_space<vmem>>
        %dma_start3A_57 = arith.constant 0 : i32
        %dma_start3A_58 = arith.constant 0 : i32
        %dma_start3A_59 = tpu.memref_slice %arg6[%dma_start3A_57, %dma_start3A_58] : memref<10240x128xf32, #tpu.memory_space<vmem_shared>> -> memref<10240x128xf32, #tpu.memory_space<vmem_shared>>
        tpu.enqueue_indirect_dma source(%dma_start3A_53 : memref<128x128xf32, #tpu.memory_space<vmem>>) target(%dma_start3A_59 : memref<10240x128xf32, #tpu.memory_space<vmem_shared>>) offsets(%dma_start3A_56 : memref<128xi32, #tpu.memory_space<vmem>>) semaphore(%run_scoped3A_51 : memref<!tpu.dma_semaphore, #tpu.memory_space<semaphore_mem>>) {add = true}
        %dma_wait3A = arith.constant 0 : i32
        %dma_wait3A_60 = arith.constant 0 : i32
        %dma_wait3A_61 = tpu.memref_slice %arg8[%dma_wait3A, %dma_wait3A_60] : memref<256x128xf32, #tpu.memory_space<vmem>> -> memref<128x128xf32, #tpu.memory_space<vmem>>
        %dma_wait3A_62 = arith.constant 0 : i32
        %dma_wait3A_63 = tpu.memref_slice %arg7[%run_scoped3A_34, %dma_wait3A_62] : memref<8x128xi32, #tpu.memory_space<vmem>> -> memref<1x128xi32, #tpu.memory_space<vmem>>
        %dma_wait3A_64 = tpu.memref_squeeze %dma_wait3A_63 : memref<1x128xi32, #tpu.memory_space<vmem>> -> memref<128xi32, #tpu.memory_space<vmem>>
        %dma_wait3A_65 = arith.constant 0 : i32
        %dma_wait3A_66 = arith.constant 0 : i32
        %dma_wait3A_67 = tpu.memref_slice %arg6[%dma_wait3A_65, %dma_wait3A_66] : memref<10240x128xf32, #tpu.memory_space<vmem_shared>> -> memref<10240x128xf32, #tpu.memory_space<vmem_shared>>
        tpu.wait_indirect_dma semaphore(%run_scoped3A_51 : memref<!tpu.dma_semaphore, #tpu.memory_space<semaphore_mem>>) src(%dma_wait3A_61 : memref<128x128xf32, #tpu.memory_space<vmem>>) dst(%dma_wait3A_67 : memref<10240x128xf32, #tpu.memory_space<vmem_shared>>)
        tpu.yield
      }) : () -> ()
      %run_scoped3A_35 = arith.constant 3 : i32
      "tpu.region"() ({
        %run_scoped3A_51 = tpu.sem_alloc : memref<!tpu.dma_semaphore, #tpu.memory_space<semaphore_mem>>
        %dma_start3A = arith.constant 128 : i32
        %dma_start3A_52 = arith.constant 0 : i32
        %dma_start3A_53 = tpu.memref_slice %arg8[%dma_start3A, %dma_start3A_52] : memref<256x128xf32, #tpu.memory_space<vmem>> -> memref<128x128xf32, #tpu.memory_space<vmem>>
        %dma_start3A_54 = arith.constant 0 : i32
        %dma_start3A_55 = tpu.memref_slice %arg7[%run_scoped3A_35, %dma_start3A_54] : memref<8x128xi32, #tpu.memory_space<vmem>> -> memref<1x128xi32, #tpu.memory_space<vmem>>
        %dma_start3A_56 = tpu.memref_squeeze %dma_start3A_55 : memref<1x128xi32, #tpu.memory_space<vmem>> -> memref<128xi32, #tpu.memory_space<vmem>>
        %dma_start3A_57 = arith.constant 0 : i32
        %dma_start3A_58 = arith.constant 0 : i32
        %dma_start3A_59 = tpu.memref_slice %arg6[%dma_start3A_57, %dma_start3A_58] : memref<10240x128xf32, #tpu.memory_space<vmem_shared>> -> memref<10240x128xf32, #tpu.memory_space<vmem_shared>>
        tpu.enqueue_indirect_dma source(%dma_start3A_53 : memref<128x128xf32, #tpu.memory_space<vmem>>) target(%dma_start3A_59 : memref<10240x128xf32, #tpu.memory_space<vmem_shared>>) offsets(%dma_start3A_56 : memref<128xi32, #tpu.memory_space<vmem>>) semaphore(%run_scoped3A_51 : memref<!tpu.dma_semaphore, #tpu.memory_space<semaphore_mem>>) {add = true}
        %dma_wait3A = arith.constant 128 : i32
        %dma_wait3A_60 = arith.constant 0 : i32
        %dma_wait3A_61 = tpu.memref_slice %arg8[%dma_wait3A, %dma_wait3A_60] : memref<256x128xf32, #tpu.memory_space<vmem>> -> memref<128x128xf32, #tpu.memory_space<vmem>>
        %dma_wait3A_62 = arith.constant 0 : i32
        %dma_wait3A_63 = tpu.memref_slice %arg7[%run_scoped3A_35, %dma_wait3A_62] : memref<8x128xi32, #tpu.memory_space<vmem>> -> memref<1x128xi32, #tpu.memory_space<vmem>>
        %dma_wait3A_64 = tpu.memref_squeeze %dma_wait3A_63 : memref<1x128xi32, #tpu.memory_space<vmem>> -> memref<128xi32, #tpu.memory_space<vmem>>
        %dma_wait3A_65 = arith.constant 0 : i32
        %dma_wait3A_66 = arith.constant 0 : i32
        %dma_wait3A_67 = tpu.memref_slice %arg6[%dma_wait3A_65, %dma_wait3A_66] : memref<10240x128xf32, #tpu.memory_space<vmem_shared>> -> memref<10240x128xf32, #tpu.memory_space<vmem_shared>>
        tpu.wait_indirect_dma semaphore(%run_scoped3A_51 : memref<!tpu.dma_semaphore, #tpu.memory_space<semaphore_mem>>) src(%dma_wait3A_61 : memref<128x128xf32, #tpu.memory_space<vmem>>) dst(%dma_wait3A_67 : memref<10240x128xf32, #tpu.memory_space<vmem_shared>>)
        tpu.yield
      }) : () -> ()
      %mul3A_36 = arith.constant 1024 : i32
      %mul3A_37 = arith.muli %scan3A_18, %mul3A_36 : i32
      %add3A_38 = arith.addi %mul3A_4, %mul3A_37 : i32
      %add3A_39 = arith.constant 512 : i32
      %add3A_40 = arith.addi %add3A_38, %add3A_39 : i32
      "tpu.region"() ({
        %run_scoped3A_51 = tpu.sem_alloc : memref<!tpu.dma_semaphore, #tpu.memory_space<semaphore_mem>>
        %dma_start3A = arith.constant 0 : i32
        %dma_start3A_52 = tpu.memref_slice %arg2[%add3A_40, %dma_start3A] : memref<327680x128xf32, #tpu.memory_space<hbm>> -> memref<256x128xf32, #tpu.memory_space<hbm>>
        %dma_start3A_53 = arith.constant 0 : i32
        %dma_start3A_54 = tpu.memref_slice %arg2[%add3A_40, %dma_start3A_53] : memref<327680x128xf32, #tpu.memory_space<hbm>> -> memref<256x128xf32, #tpu.memory_space<hbm>>
        tpu.enqueue_dma source(%dma_start3A_54 : memref<256x128xf32, #tpu.memory_space<hbm>>) target(%arg8 : memref<256x128xf32, #tpu.memory_space<vmem>>) target_semaphore(%run_scoped3A_51 : memref<!tpu.dma_semaphore, #tpu.memory_space<semaphore_mem>>)
        %dma_wait3A = arith.constant 0 : i32
        %dma_wait3A_55 = tpu.memref_slice %arg2[%add3A_40, %dma_wait3A] : memref<327680x128xf32, #tpu.memory_space<hbm>> -> memref<256x128xf32, #tpu.memory_space<hbm>>
        %dma_wait3A_56 = arith.constant 0 : i32
        %dma_wait3A_57 = tpu.memref_slice %arg2[%add3A_40, %dma_wait3A_56] : memref<327680x128xf32, #tpu.memory_space<hbm>> -> memref<256x128xf32, #tpu.memory_space<hbm>>
        tpu.wait_dma2 semaphore(%run_scoped3A_51 : memref<!tpu.dma_semaphore, #tpu.memory_space<semaphore_mem>>) src(%dma_wait3A_57 : memref<256x128xf32, #tpu.memory_space<hbm>>) dst(%arg8 : memref<256x128xf32, #tpu.memory_space<vmem>>)
        tpu.yield
      }) : () -> ()
      %run_scoped3A_41 = arith.constant 4 : i32
      "tpu.region"() ({
        %run_scoped3A_51 = tpu.sem_alloc : memref<!tpu.dma_semaphore, #tpu.memory_space<semaphore_mem>>
        %dma_start3A = arith.constant 0 : i32
        %dma_start3A_52 = arith.constant 0 : i32
        %dma_start3A_53 = tpu.memref_slice %arg8[%dma_start3A, %dma_start3A_52] : memref<256x128xf32, #tpu.memory_space<vmem>> -> memref<128x128xf32, #tpu.memory_space<vmem>>
        %dma_start3A_54 = arith.constant 0 : i32
        %dma_start3A_55 = tpu.memref_slice %arg7[%run_scoped3A_41, %dma_start3A_54] : memref<8x128xi32, #tpu.memory_space<vmem>> -> memref<1x128xi32, #tpu.memory_space<vmem>>
        %dma_start3A_56 = tpu.memref_squeeze %dma_start3A_55 : memref<1x128xi32, #tpu.memory_space<vmem>> -> memref<128xi32, #tpu.memory_space<vmem>>
        %dma_start3A_57 = arith.constant 0 : i32
        %dma_start3A_58 = arith.constant 0 : i32
        %dma_start3A_59 = tpu.memref_slice %arg6[%dma_start3A_57, %dma_start3A_58] : memref<10240x128xf32, #tpu.memory_space<vmem_shared>> -> memref<10240x128xf32, #tpu.memory_space<vmem_shared>>
        tpu.enqueue_indirect_dma source(%dma_start3A_53 : memref<128x128xf32, #tpu.memory_space<vmem>>) target(%dma_start3A_59 : memref<10240x128xf32, #tpu.memory_space<vmem_shared>>) offsets(%dma_start3A_56 : memref<128xi32, #tpu.memory_space<vmem>>) semaphore(%run_scoped3A_51 : memref<!tpu.dma_semaphore, #tpu.memory_space<semaphore_mem>>) {add = true}
        %dma_wait3A = arith.constant 0 : i32
        %dma_wait3A_60 = arith.constant 0 : i32
        %dma_wait3A_61 = tpu.memref_slice %arg8[%dma_wait3A, %dma_wait3A_60] : memref<256x128xf32, #tpu.memory_space<vmem>> -> memref<128x128xf32, #tpu.memory_space<vmem>>
        %dma_wait3A_62 = arith.constant 0 : i32
        %dma_wait3A_63 = tpu.memref_slice %arg7[%run_scoped3A_41, %dma_wait3A_62] : memref<8x128xi32, #tpu.memory_space<vmem>> -> memref<1x128xi32, #tpu.memory_space<vmem>>
        %dma_wait3A_64 = tpu.memref_squeeze %dma_wait3A_63 : memref<1x128xi32, #tpu.memory_space<vmem>> -> memref<128xi32, #tpu.memory_space<vmem>>
        %dma_wait3A_65 = arith.constant 0 : i32
        %dma_wait3A_66 = arith.constant 0 : i32
        %dma_wait3A_67 = tpu.memref_slice %arg6[%dma_wait3A_65, %dma_wait3A_66] : memref<10240x128xf32, #tpu.memory_space<vmem_shared>> -> memref<10240x128xf32, #tpu.memory_space<vmem_shared>>
        tpu.wait_indirect_dma semaphore(%run_scoped3A_51 : memref<!tpu.dma_semaphore, #tpu.memory_space<semaphore_mem>>) src(%dma_wait3A_61 : memref<128x128xf32, #tpu.memory_space<vmem>>) dst(%dma_wait3A_67 : memref<10240x128xf32, #tpu.memory_space<vmem_shared>>)
        tpu.yield
      }) : () -> ()
      %run_scoped3A_42 = arith.constant 5 : i32
      "tpu.region"() ({
        %run_scoped3A_51 = tpu.sem_alloc : memref<!tpu.dma_semaphore, #tpu.memory_space<semaphore_mem>>
        %dma_start3A = arith.constant 128 : i32
        %dma_start3A_52 = arith.constant 0 : i32
        %dma_start3A_53 = tpu.memref_slice %arg8[%dma_start3A, %dma_start3A_52] : memref<256x128xf32, #tpu.memory_space<vmem>> -> memref<128x128xf32, #tpu.memory_space<vmem>>
        %dma_start3A_54 = arith.constant 0 : i32
        %dma_start3A_55 = tpu.memref_slice %arg7[%run_scoped3A_42, %dma_start3A_54] : memref<8x128xi32, #tpu.memory_space<vmem>> -> memref<1x128xi32, #tpu.memory_space<vmem>>
        %dma_start3A_56 = tpu.memref_squeeze %dma_start3A_55 : memref<1x128xi32, #tpu.memory_space<vmem>> -> memref<128xi32, #tpu.memory_space<vmem>>
        %dma_start3A_57 = arith.constant 0 : i32
        %dma_start3A_58 = arith.constant 0 : i32
        %dma_start3A_59 = tpu.memref_slice %arg6[%dma_start3A_57, %dma_start3A_58] : memref<10240x128xf32, #tpu.memory_space<vmem_shared>> -> memref<10240x128xf32, #tpu.memory_space<vmem_shared>>
        tpu.enqueue_indirect_dma source(%dma_start3A_53 : memref<128x128xf32, #tpu.memory_space<vmem>>) target(%dma_start3A_59 : memref<10240x128xf32, #tpu.memory_space<vmem_shared>>) offsets(%dma_start3A_56 : memref<128xi32, #tpu.memory_space<vmem>>) semaphore(%run_scoped3A_51 : memref<!tpu.dma_semaphore, #tpu.memory_space<semaphore_mem>>) {add = true}
        %dma_wait3A = arith.constant 128 : i32
        %dma_wait3A_60 = arith.constant 0 : i32
        %dma_wait3A_61 = tpu.memref_slice %arg8[%dma_wait3A, %dma_wait3A_60] : memref<256x128xf32, #tpu.memory_space<vmem>> -> memref<128x128xf32, #tpu.memory_space<vmem>>
        %dma_wait3A_62 = arith.constant 0 : i32
        %dma_wait3A_63 = tpu.memref_slice %arg7[%run_scoped3A_42, %dma_wait3A_62] : memref<8x128xi32, #tpu.memory_space<vmem>> -> memref<1x128xi32, #tpu.memory_space<vmem>>
        %dma_wait3A_64 = tpu.memref_squeeze %dma_wait3A_63 : memref<1x128xi32, #tpu.memory_space<vmem>> -> memref<128xi32, #tpu.memory_space<vmem>>
        %dma_wait3A_65 = arith.constant 0 : i32
        %dma_wait3A_66 = arith.constant 0 : i32
        %dma_wait3A_67 = tpu.memref_slice %arg6[%dma_wait3A_65, %dma_wait3A_66] : memref<10240x128xf32, #tpu.memory_space<vmem_shared>> -> memref<10240x128xf32, #tpu.memory_space<vmem_shared>>
        tpu.wait_indirect_dma semaphore(%run_scoped3A_51 : memref<!tpu.dma_semaphore, #tpu.memory_space<semaphore_mem>>) src(%dma_wait3A_61 : memref<128x128xf32, #tpu.memory_space<vmem>>) dst(%dma_wait3A_67 : memref<10240x128xf32, #tpu.memory_space<vmem_shared>>)
        tpu.yield
      }) : () -> ()
      %mul3A_43 = arith.constant 1024 : i32
      %mul3A_44 = arith.muli %scan3A_18, %mul3A_43 : i32
      %add3A_45 = arith.addi %mul3A_4, %mul3A_44 : i32
      %add3A_46 = arith.constant 768 : i32
      %add3A_47 = arith.addi %add3A_45, %add3A_46 : i32
      "tpu.region"() ({
        %run_scoped3A_51 = tpu.sem_alloc : memref<!tpu.dma_semaphore, #tpu.memory_space<semaphore_mem>>
        %dma_start3A = arith.constant 0 : i32
        %dma_start3A_52 = tpu.memref_slice %arg2[%add3A_47, %dma_start3A] : memref<327680x128xf32, #tpu.memory_space<hbm>> -> memref<256x128xf32, #tpu.memory_space<hbm>>
        %dma_start3A_53 = arith.constant 0 : i32
        %dma_start3A_54 = tpu.memref_slice %arg2[%add3A_47, %dma_start3A_53] : memref<327680x128xf32, #tpu.memory_space<hbm>> -> memref<256x128xf32, #tpu.memory_space<hbm>>
        tpu.enqueue_dma source(%dma_start3A_54 : memref<256x128xf32, #tpu.memory_space<hbm>>) target(%arg8 : memref<256x128xf32, #tpu.memory_space<vmem>>) target_semaphore(%run_scoped3A_51 : memref<!tpu.dma_semaphore, #tpu.memory_space<semaphore_mem>>)
        %dma_wait3A = arith.constant 0 : i32
        %dma_wait3A_55 = tpu.memref_slice %arg2[%add3A_47, %dma_wait3A] : memref<327680x128xf32, #tpu.memory_space<hbm>> -> memref<256x128xf32, #tpu.memory_space<hbm>>
        %dma_wait3A_56 = arith.constant 0 : i32
        %dma_wait3A_57 = tpu.memref_slice %arg2[%add3A_47, %dma_wait3A_56] : memref<327680x128xf32, #tpu.memory_space<hbm>> -> memref<256x128xf32, #tpu.memory_space<hbm>>
        tpu.wait_dma2 semaphore(%run_scoped3A_51 : memref<!tpu.dma_semaphore, #tpu.memory_space<semaphore_mem>>) src(%dma_wait3A_57 : memref<256x128xf32, #tpu.memory_space<hbm>>) dst(%arg8 : memref<256x128xf32, #tpu.memory_space<vmem>>)
        tpu.yield
      }) : () -> ()
      %run_scoped3A_48 = arith.constant 6 : i32
      "tpu.region"() ({
        %run_scoped3A_51 = tpu.sem_alloc : memref<!tpu.dma_semaphore, #tpu.memory_space<semaphore_mem>>
        %dma_start3A = arith.constant 0 : i32
        %dma_start3A_52 = arith.constant 0 : i32
        %dma_start3A_53 = tpu.memref_slice %arg8[%dma_start3A, %dma_start3A_52] : memref<256x128xf32, #tpu.memory_space<vmem>> -> memref<128x128xf32, #tpu.memory_space<vmem>>
        %dma_start3A_54 = arith.constant 0 : i32
        %dma_start3A_55 = tpu.memref_slice %arg7[%run_scoped3A_48, %dma_start3A_54] : memref<8x128xi32, #tpu.memory_space<vmem>> -> memref<1x128xi32, #tpu.memory_space<vmem>>
        %dma_start3A_56 = tpu.memref_squeeze %dma_start3A_55 : memref<1x128xi32, #tpu.memory_space<vmem>> -> memref<128xi32, #tpu.memory_space<vmem>>
        %dma_start3A_57 = arith.constant 0 : i32
        %dma_start3A_58 = arith.constant 0 : i32
        %dma_start3A_59 = tpu.memref_slice %arg6[%dma_start3A_57, %dma_start3A_58] : memref<10240x128xf32, #tpu.memory_space<vmem_shared>> -> memref<10240x128xf32, #tpu.memory_space<vmem_shared>>
        tpu.enqueue_indirect_dma source(%dma_start3A_53 : memref<128x128xf32, #tpu.memory_space<vmem>>) target(%dma_start3A_59 : memref<10240x128xf32, #tpu.memory_space<vmem_shared>>) offsets(%dma_start3A_56 : memref<128xi32, #tpu.memory_space<vmem>>) semaphore(%run_scoped3A_51 : memref<!tpu.dma_semaphore, #tpu.memory_space<semaphore_mem>>) {add = true}
        %dma_wait3A = arith.constant 0 : i32
        %dma_wait3A_60 = arith.constant 0 : i32
        %dma_wait3A_61 = tpu.memref_slice %arg8[%dma_wait3A, %dma_wait3A_60] : memref<256x128xf32, #tpu.memory_space<vmem>> -> memref<128x128xf32, #tpu.memory_space<vmem>>
        %dma_wait3A_62 = arith.constant 0 : i32
        %dma_wait3A_63 = tpu.memref_slice %arg7[%run_scoped3A_48, %dma_wait3A_62] : memref<8x128xi32, #tpu.memory_space<vmem>> -> memref<1x128xi32, #tpu.memory_space<vmem>>
        %dma_wait3A_64 = tpu.memref_squeeze %dma_wait3A_63 : memref<1x128xi32, #tpu.memory_space<vmem>> -> memref<128xi32, #tpu.memory_space<vmem>>
        %dma_wait3A_65 = arith.constant 0 : i32
        %dma_wait3A_66 = arith.constant 0 : i32
        %dma_wait3A_67 = tpu.memref_slice %arg6[%dma_wait3A_65, %dma_wait3A_66] : memref<10240x128xf32, #tpu.memory_space<vmem_shared>> -> memref<10240x128xf32, #tpu.memory_space<vmem_shared>>
        tpu.wait_indirect_dma semaphore(%run_scoped3A_51 : memref<!tpu.dma_semaphore, #tpu.memory_space<semaphore_mem>>) src(%dma_wait3A_61 : memref<128x128xf32, #tpu.memory_space<vmem>>) dst(%dma_wait3A_67 : memref<10240x128xf32, #tpu.memory_space<vmem_shared>>)
        tpu.yield
      }) : () -> ()
      %run_scoped3A_49 = arith.constant 7 : i32
      "tpu.region"() ({
        %run_scoped3A_51 = tpu.sem_alloc : memref<!tpu.dma_semaphore, #tpu.memory_space<semaphore_mem>>
        %dma_start3A = arith.constant 128 : i32
        %dma_start3A_52 = arith.constant 0 : i32
        %dma_start3A_53 = tpu.memref_slice %arg8[%dma_start3A, %dma_start3A_52] : memref<256x128xf32, #tpu.memory_space<vmem>> -> memref<128x128xf32, #tpu.memory_space<vmem>>
        %dma_start3A_54 = arith.constant 0 : i32
        %dma_start3A_55 = tpu.memref_slice %arg7[%run_scoped3A_49, %dma_start3A_54] : memref<8x128xi32, #tpu.memory_space<vmem>> -> memref<1x128xi32, #tpu.memory_space<vmem>>
        %dma_start3A_56 = tpu.memref_squeeze %dma_start3A_55 : memref<1x128xi32, #tpu.memory_space<vmem>> -> memref<128xi32, #tpu.memory_space<vmem>>
        %dma_start3A_57 = arith.constant 0 : i32
        %dma_start3A_58 = arith.constant 0 : i32
        %dma_start3A_59 = tpu.memref_slice %arg6[%dma_start3A_57, %dma_start3A_58] : memref<10240x128xf32, #tpu.memory_space<vmem_shared>> -> memref<10240x128xf32, #tpu.memory_space<vmem_shared>>
        tpu.enqueue_indirect_dma source(%dma_start3A_53 : memref<128x128xf32, #tpu.memory_space<vmem>>) target(%dma_start3A_59 : memref<10240x128xf32, #tpu.memory_space<vmem_shared>>) offsets(%dma_start3A_56 : memref<128xi32, #tpu.memory_space<vmem>>) semaphore(%run_scoped3A_51 : memref<!tpu.dma_semaphore, #tpu.memory_space<semaphore_mem>>) {add = true}
        %dma_wait3A = arith.constant 128 : i32
        %dma_wait3A_60 = arith.constant 0 : i32
        %dma_wait3A_61 = tpu.memref_slice %arg8[%dma_wait3A, %dma_wait3A_60] : memref<256x128xf32, #tpu.memory_space<vmem>> -> memref<128x128xf32, #tpu.memory_space<vmem>>
        %dma_wait3A_62 = arith.constant 0 : i32
        %dma_wait3A_63 = tpu.memref_slice %arg7[%run_scoped3A_49, %dma_wait3A_62] : memref<8x128xi32, #tpu.memory_space<vmem>> -> memref<1x128xi32, #tpu.memory_space<vmem>>
        %dma_wait3A_64 = tpu.memref_squeeze %dma_wait3A_63 : memref<1x128xi32, #tpu.memory_space<vmem>> -> memref<128xi32, #tpu.memory_space<vmem>>
        %dma_wait3A_65 = arith.constant 0 : i32
        %dma_wait3A_66 = arith.constant 0 : i32
        %dma_wait3A_67 = tpu.memref_slice %arg6[%dma_wait3A_65, %dma_wait3A_66] : memref<10240x128xf32, #tpu.memory_space<vmem_shared>> -> memref<10240x128xf32, #tpu.memory_space<vmem_shared>>
        tpu.wait_indirect_dma semaphore(%run_scoped3A_51 : memref<!tpu.dma_semaphore, #tpu.memory_space<semaphore_mem>>) src(%dma_wait3A_61 : memref<128x128xf32, #tpu.memory_space<vmem>>) dst(%dma_wait3A_67 : memref<10240x128xf32, #tpu.memory_space<vmem_shared>>)
        tpu.yield
      }) : () -> ()
      %scan3A_50 = arith.constant 0 : i32
      scf.yield %scan3A_50 : i32
    }
    %scan3A_12 = arith.constant 10 : i32
    %barrier3A_13 = arith.constant 0 : index
    tpu.barrier barrier_id(%barrier3A_13)
    %mul3A_14 = arith.constant 640 : i32
    %mul3A_15 = arith.muli %arg1, %mul3A_14 : i32
    %mul3A_16 = arith.constant 640 : i32
    %mul3A_17 = arith.muli %arg1, %mul3A_16 : i32
    "tpu.region"() ({
      %run_scoped3A = tpu.sem_alloc : memref<!tpu.dma_semaphore, #tpu.memory_space<semaphore_mem>>
      %dma_start3A = arith.constant 0 : i32
      %dma_start3A_18 = tpu.memref_slice %arg5[%arg0, %mul3A_17, %dma_start3A] : memref<2x10240x128xf32, #tpu.memory_space<hbm>> -> memref<1x640x128xf32, #tpu.memory_space<hbm>>
      %dma_start3A_19 = tpu.memref_squeeze %dma_start3A_18 : memref<1x640x128xf32, #tpu.memory_space<hbm>> -> memref<640x128xf32, #tpu.memory_space<hbm>>
      %dma_start3A_20 = arith.constant 0 : i32
      %dma_start3A_21 = tpu.memref_slice %arg6[%mul3A_15, %dma_start3A_20] : memref<10240x128xf32, #tpu.memory_space<vmem_shared>> -> memref<640x128xf32, #tpu.memory_space<vmem_shared>>
      tpu.enqueue_dma source(%dma_start3A_21 : memref<640x128xf32, #tpu.memory_space<vmem_shared>>) target(%dma_start3A_19 : memref<640x128xf32, #tpu.memory_space<hbm>>) target_semaphore(%run_scoped3A : memref<!tpu.dma_semaphore, #tpu.memory_space<semaphore_mem>>)
      %dma_wait3A = arith.constant 0 : i32
      %dma_wait3A_22 = tpu.memref_slice %arg5[%arg0, %mul3A_17, %dma_wait3A] : memref<2x10240x128xf32, #tpu.memory_space<hbm>> -> memref<1x640x128xf32, #tpu.memory_space<hbm>>
      %dma_wait3A_23 = tpu.memref_squeeze %dma_wait3A_22 : memref<1x640x128xf32, #tpu.memory_space<hbm>> -> memref<640x128xf32, #tpu.memory_space<hbm>>
      %dma_wait3A_24 = arith.constant 0 : i32
      %dma_wait3A_25 = tpu.memref_slice %arg6[%mul3A_15, %dma_wait3A_24] : memref<10240x128xf32, #tpu.memory_space<vmem_shared>> -> memref<640x128xf32, #tpu.memory_space<vmem_shared>>
      tpu.wait_dma2 semaphore(%run_scoped3A : memref<!tpu.dma_semaphore, #tpu.memory_space<semaphore_mem>>) src(%dma_wait3A_25 : memref<640x128xf32, #tpu.memory_space<vmem_shared>>) dst(%dma_wait3A_23 : memref<640x128xf32, #tpu.memory_space<hbm>>)
      tpu.yield
    }) : () -> ()
    return
  }
}

#map = affine_map<(d0, d1) -> (0, 0)>
#map1 = affine_map<(d0, d1) -> (0)>
module attributes {stable_mosaic.version = 14 : i64} {
  func.func @_sc_gather_body(%arg0: i32, %arg1: i32, %arg2: memref<10000x128xf32, #tpu.memory_space<hbm>>, %arg3: memref<2560x128xi32, #tpu.memory_space<hbm>>, %arg4: memref<2560x128xi32, #tpu.memory_space<hbm>>, %arg5: memref<2560x128xi32, #tpu.memory_space<hbm>>, %arg6: memref<10008xi32, #tpu.memory_space<hbm>>, %arg7: memref<327680x128xf32, #tpu.memory_space<hbm>>, %arg8: memref<327680x128xf32, #tpu.memory_space<hbm>>, %arg9: memref<327680xi32, #tpu.memory_space<hbm>>, %arg10: memref<10000x128xf32, #tpu.memory_space<vmem_shared>>, %arg11: memref<10008xi32, #tpu.memory_space<vmem_shared>>, %arg12: memref<8x128xi32, #tpu.memory_space<vmem>>, %arg13: memref<2x128x128xf32, #tpu.memory_space<vmem>>, %arg14: memref<1024xi32, #tpu.memory_space<vmem>>, %arg15: memref<!tpu.dma_semaphore, #tpu.memory_space<semaphore_mem>>, %arg16: memref<!tpu.dma_semaphore, #tpu.memory_space<semaphore_mem>>, %arg17: memref<!tpu.dma_semaphore, #tpu.memory_space<semaphore_mem>>, %arg18: memref<!tpu.dma_semaphore, #tpu.memory_space<semaphore_mem>>) attributes {dimension_semantics = [#tpu.dimension_semantics<core_parallel>, #tpu.dimension_semantics<subcore_parallel>], iteration_bounds = array<i64: 2, 16>, scalar_prefetch = 0 : i64, scratch_operands = 9 : i64, tpu.core_type = #tpu.core_type<sc_vector_subcore>, window_params = [{transform_indices = #map}, {transform_indices = #map}, {transform_indices = #map}, {transform_indices = #map}, {transform_indices = #map1}, {transform_indices = #map}, {transform_indices = #map}, {transform_indices = #map1}]} {
    %mul3A = arith.constant 2 : i32
    %mul3A_0 = arith.muli %arg1, %mul3A : i32
    %add3A = arith.addi %mul3A_0, %arg0 : i32
    %mul3A_1 = arith.constant 80 : i32
    %mul3A_2 = arith.muli %add3A, %mul3A_1 : i32
    %mul3A_3 = arith.constant 10240 : i32
    %mul3A_4 = arith.muli %add3A, %mul3A_3 : i32
    %lt3A = arith.constant 15 : i32
    %lt3A_5 = arith.cmpi slt, %arg1, %lt3A : i32
    %convert_element_type3A = arith.extui %lt3A_5 : i1 to i32
    %cond3A = arith.constant 0 : i32
    %cond3A_6 = arith.cmpi ne, %convert_element_type3A, %cond3A : i32
    scf.if %cond3A_6 {
      %mul3A_36 = arith.constant 640 : i32
      %mul3A_37 = arith.muli %arg1, %mul3A_36 : i32
      %mul3A_38 = arith.constant 640 : i32
      %mul3A_39 = arith.muli %arg1, %mul3A_38 : i32
      "tpu.region"() ({
        %run_scoped3A = tpu.sem_alloc : memref<!tpu.dma_semaphore, #tpu.memory_space<semaphore_mem>>
        %dma_start3A = arith.constant 0 : i32
        %dma_start3A_40 = tpu.memref_slice %arg10[%mul3A_39, %dma_start3A] : memref<10000x128xf32, #tpu.memory_space<vmem_shared>> -> memref<640x128xf32, #tpu.memory_space<vmem_shared>>
        %dma_start3A_41 = arith.constant 0 : i32
        %dma_start3A_42 = tpu.memref_slice %arg2[%mul3A_37, %dma_start3A_41] : memref<10000x128xf32, #tpu.memory_space<hbm>> -> memref<640x128xf32, #tpu.memory_space<hbm>>
        tpu.enqueue_dma source(%dma_start3A_42 : memref<640x128xf32, #tpu.memory_space<hbm>>) target(%dma_start3A_40 : memref<640x128xf32, #tpu.memory_space<vmem_shared>>) target_semaphore(%run_scoped3A : memref<!tpu.dma_semaphore, #tpu.memory_space<semaphore_mem>>)
        %dma_wait3A = arith.constant 0 : i32
        %dma_wait3A_43 = tpu.memref_slice %arg10[%mul3A_39, %dma_wait3A] : memref<10000x128xf32, #tpu.memory_space<vmem_shared>> -> memref<640x128xf32, #tpu.memory_space<vmem_shared>>
        %dma_wait3A_44 = arith.constant 0 : i32
        %dma_wait3A_45 = tpu.memref_slice %arg2[%mul3A_37, %dma_wait3A_44] : memref<10000x128xf32, #tpu.memory_space<hbm>> -> memref<640x128xf32, #tpu.memory_space<hbm>>
        tpu.wait_dma2 semaphore(%run_scoped3A : memref<!tpu.dma_semaphore, #tpu.memory_space<semaphore_mem>>) src(%dma_wait3A_45 : memref<640x128xf32, #tpu.memory_space<hbm>>) dst(%dma_wait3A_43 : memref<640x128xf32, #tpu.memory_space<vmem_shared>>)
        tpu.yield
      }) : () -> ()
    } else {
    }
    %eq3A = arith.constant 15 : i32
    %eq3A_7 = arith.cmpi eq, %arg1, %eq3A : i32
    %convert_element_type3A_8 = arith.extui %eq3A_7 : i1 to i32
    %cond3A_9 = arith.constant 0 : i32
    %cond3A_10 = arith.cmpi ne, %convert_element_type3A_8, %cond3A_9 : i32
    scf.if %cond3A_10 {
      "tpu.region"() ({
        %run_scoped3A = tpu.sem_alloc : memref<!tpu.dma_semaphore, #tpu.memory_space<semaphore_mem>>
        %dma_start3A = arith.constant 9600 : i32
        %dma_start3A_36 = arith.constant 0 : i32
        %dma_start3A_37 = tpu.memref_slice %arg10[%dma_start3A, %dma_start3A_36] : memref<10000x128xf32, #tpu.memory_space<vmem_shared>> -> memref<400x128xf32, #tpu.memory_space<vmem_shared>>
        %dma_start3A_38 = arith.constant 9600 : i32
        %dma_start3A_39 = arith.constant 0 : i32
        %dma_start3A_40 = tpu.memref_slice %arg2[%dma_start3A_38, %dma_start3A_39] : memref<10000x128xf32, #tpu.memory_space<hbm>> -> memref<400x128xf32, #tpu.memory_space<hbm>>
        tpu.enqueue_dma source(%dma_start3A_40 : memref<400x128xf32, #tpu.memory_space<hbm>>) target(%dma_start3A_37 : memref<400x128xf32, #tpu.memory_space<vmem_shared>>) target_semaphore(%run_scoped3A : memref<!tpu.dma_semaphore, #tpu.memory_space<semaphore_mem>>)
        %dma_wait3A = arith.constant 9600 : i32
        %dma_wait3A_41 = arith.constant 0 : i32
        %dma_wait3A_42 = tpu.memref_slice %arg10[%dma_wait3A, %dma_wait3A_41] : memref<10000x128xf32, #tpu.memory_space<vmem_shared>> -> memref<400x128xf32, #tpu.memory_space<vmem_shared>>
        %dma_wait3A_43 = arith.constant 9600 : i32
        %dma_wait3A_44 = arith.constant 0 : i32
        %dma_wait3A_45 = tpu.memref_slice %arg2[%dma_wait3A_43, %dma_wait3A_44] : memref<10000x128xf32, #tpu.memory_space<hbm>> -> memref<400x128xf32, #tpu.memory_space<hbm>>
        tpu.wait_dma2 semaphore(%run_scoped3A : memref<!tpu.dma_semaphore, #tpu.memory_space<semaphore_mem>>) src(%dma_wait3A_45 : memref<400x128xf32, #tpu.memory_space<hbm>>) dst(%dma_wait3A_42 : memref<400x128xf32, #tpu.memory_space<vmem_shared>>)
        tpu.yield
      }) : () -> ()
    } else {
    }
    %eq3A_11 = arith.constant 0 : i32
    %eq3A_12 = arith.cmpi eq, %arg1, %eq3A_11 : i32
    %convert_element_type3A_13 = arith.extui %eq3A_12 : i1 to i32
    %cond3A_14 = arith.constant 0 : i32
    %cond3A_15 = arith.cmpi ne, %convert_element_type3A_13, %cond3A_14 : i32
    scf.if %cond3A_15 {
      "tpu.region"() ({
        %run_scoped3A = tpu.sem_alloc : memref<!tpu.dma_semaphore, #tpu.memory_space<semaphore_mem>>
        tpu.enqueue_dma source(%arg6 : memref<10008xi32, #tpu.memory_space<hbm>>) target(%arg11 : memref<10008xi32, #tpu.memory_space<vmem_shared>>) target_semaphore(%run_scoped3A : memref<!tpu.dma_semaphore, #tpu.memory_space<semaphore_mem>>)
        tpu.wait_dma2 semaphore(%run_scoped3A : memref<!tpu.dma_semaphore, #tpu.memory_space<semaphore_mem>>) src(%arg6 : memref<10008xi32, #tpu.memory_space<hbm>>) dst(%arg11 : memref<10008xi32, #tpu.memory_space<vmem_shared>>)
        tpu.yield
      }) : () -> ()
    } else {
    }
    %barrier3A = arith.constant 0 : index
    tpu.barrier barrier_id(%barrier3A)
    %scan3A = arith.constant 0 : i32
    %scan3A_16 = arith.constant 0 : i32
    %scan3A_17 = arith.constant 10 : i32
    %scan3A_18 = arith.addi %scan3A_16, %scan3A_17 : i32
    %scan3A_19 = arith.constant 1 : i32
    %scan3A_20 = scf.for %scan3A_36 = %scan3A_16 to %scan3A_18 step %scan3A_19 iter_args(%scan3A_37 = %scan3A) -> (i32)  : i32 {
      %mul3A_38 = arith.constant 8 : i32
      %mul3A_39 = arith.muli %scan3A_36, %mul3A_38 : i32
      %add3A_40 = arith.addi %mul3A_2, %mul3A_39 : i32
      "tpu.region"() ({
        %run_scoped3A = tpu.sem_alloc : memref<!tpu.dma_semaphore, #tpu.memory_space<semaphore_mem>>
        %dma_start3A_480 = arith.constant 0 : i32
        %dma_start3A_481 = tpu.memref_slice %arg3[%add3A_40, %dma_start3A_480] : memref<2560x128xi32, #tpu.memory_space<hbm>> -> memref<8x128xi32, #tpu.memory_space<hbm>>
        %dma_start3A_482 = arith.constant 0 : i32
        %dma_start3A_483 = tpu.memref_slice %arg3[%add3A_40, %dma_start3A_482] : memref<2560x128xi32, #tpu.memory_space<hbm>> -> memref<8x128xi32, #tpu.memory_space<hbm>>
        tpu.enqueue_dma source(%dma_start3A_483 : memref<8x128xi32, #tpu.memory_space<hbm>>) target(%arg12 : memref<8x128xi32, #tpu.memory_space<vmem>>) target_semaphore(%run_scoped3A : memref<!tpu.dma_semaphore, #tpu.memory_space<semaphore_mem>>)
        %dma_wait3A_484 = arith.constant 0 : i32
        %dma_wait3A_485 = tpu.memref_slice %arg3[%add3A_40, %dma_wait3A_484] : memref<2560x128xi32, #tpu.memory_space<hbm>> -> memref<8x128xi32, #tpu.memory_space<hbm>>
        %dma_wait3A_486 = arith.constant 0 : i32
        %dma_wait3A_487 = tpu.memref_slice %arg3[%add3A_40, %dma_wait3A_486] : memref<2560x128xi32, #tpu.memory_space<hbm>> -> memref<8x128xi32, #tpu.memory_space<hbm>>
        tpu.wait_dma2 semaphore(%run_scoped3A : memref<!tpu.dma_semaphore, #tpu.memory_space<semaphore_mem>>) src(%dma_wait3A_487 : memref<8x128xi32, #tpu.memory_space<hbm>>) dst(%arg12 : memref<8x128xi32, #tpu.memory_space<vmem>>)
        tpu.yield
      }) : () -> ()
      %dma_start3A = arith.constant 0 : i32
      %dma_start3A_41 = arith.constant 0 : i32
      %dma_start3A_42 = arith.constant 0 : i32
      %dma_start3A_43 = arith.constant 0 : i32
      %dma_start3A_44 = tpu.memref_slice %arg13[%dma_start3A_41, %dma_start3A_42, %dma_start3A_43] : memref<2x128x128xf32, #tpu.memory_space<vmem>> -> memref<1x128x128xf32, #tpu.memory_space<vmem>>
      %dma_start3A_45 = tpu.memref_squeeze %dma_start3A_44 : memref<1x128x128xf32, #tpu.memory_space<vmem>> -> memref<128x128xf32, #tpu.memory_space<vmem>>
      %dma_start3A_46 = arith.constant 0 : i32
      %dma_start3A_47 = tpu.memref_slice %arg12[%dma_start3A, %dma_start3A_46] : memref<8x128xi32, #tpu.memory_space<vmem>> -> memref<1x128xi32, #tpu.memory_space<vmem>>
      %dma_start3A_48 = tpu.memref_squeeze %dma_start3A_47 : memref<1x128xi32, #tpu.memory_space<vmem>> -> memref<128xi32, #tpu.memory_space<vmem>>
      %dma_start3A_49 = arith.constant 0 : i32
      %dma_start3A_50 = arith.constant 0 : i32
      %dma_start3A_51 = tpu.memref_slice %arg10[%dma_start3A_49, %dma_start3A_50] : memref<10000x128xf32, #tpu.memory_space<vmem_shared>> -> memref<10000x128xf32, #tpu.memory_space<vmem_shared>>
      tpu.enqueue_indirect_dma source(%dma_start3A_51 : memref<10000x128xf32, #tpu.memory_space<vmem_shared>>) target(%dma_start3A_45 : memref<128x128xf32, #tpu.memory_space<vmem>>) offsets(%dma_start3A_48 : memref<128xi32, #tpu.memory_space<vmem>>) semaphore(%arg15 : memref<!tpu.dma_semaphore, #tpu.memory_space<semaphore_mem>>)
      %dma_start3A_52 = arith.constant 1 : i32
      %dma_start3A_53 = arith.constant 1 : i32
      %dma_start3A_54 = arith.constant 0 : i32
      %dma_start3A_55 = arith.constant 0 : i32
      %dma_start3A_56 = tpu.memref_slice %arg13[%dma_start3A_53, %dma_start3A_54, %dma_start3A_55] : memref<2x128x128xf32, #tpu.memory_space<vmem>> -> memref<1x128x128xf32, #tpu.memory_space<vmem>>
      %dma_start3A_57 = tpu.memref_squeeze %dma_start3A_56 : memref<1x128x128xf32, #tpu.memory_space<vmem>> -> memref<128x128xf32, #tpu.memory_space<vmem>>
      %dma_start3A_58 = arith.constant 0 : i32
      %dma_start3A_59 = tpu.memref_slice %arg12[%dma_start3A_52, %dma_start3A_58] : memref<8x128xi32, #tpu.memory_space<vmem>> -> memref<1x128xi32, #tpu.memory_space<vmem>>
      %dma_start3A_60 = tpu.memref_squeeze %dma_start3A_59 : memref<1x128xi32, #tpu.memory_space<vmem>> -> memref<128xi32, #tpu.memory_space<vmem>>
      %dma_start3A_61 = arith.constant 0 : i32
      %dma_start3A_62 = arith.constant 0 : i32
      %dma_start3A_63 = tpu.memref_slice %arg10[%dma_start3A_61, %dma_start3A_62] : memref<10000x128xf32, #tpu.memory_space<vmem_shared>> -> memref<10000x128xf32, #tpu.memory_space<vmem_shared>>
      tpu.enqueue_indirect_dma source(%dma_start3A_63 : memref<10000x128xf32, #tpu.memory_space<vmem_shared>>) target(%dma_start3A_57 : memref<128x128xf32, #tpu.memory_space<vmem>>) offsets(%dma_start3A_60 : memref<128xi32, #tpu.memory_space<vmem>>) semaphore(%arg16 : memref<!tpu.dma_semaphore, #tpu.memory_space<semaphore_mem>>)
      %dma_wait3A = arith.constant 0 : i32
      %dma_wait3A_64 = arith.constant 0 : i32
      %dma_wait3A_65 = arith.constant 0 : i32
      %dma_wait3A_66 = arith.constant 0 : i32
      %dma_wait3A_67 = tpu.memref_slice %arg13[%dma_wait3A_64, %dma_wait3A_65, %dma_wait3A_66] : memref<2x128x128xf32, #tpu.memory_space<vmem>> -> memref<1x128x128xf32, #tpu.memory_space<vmem>>
      %dma_wait3A_68 = tpu.memref_squeeze %dma_wait3A_67 : memref<1x128x128xf32, #tpu.memory_space<vmem>> -> memref<128x128xf32, #tpu.memory_space<vmem>>
      %dma_wait3A_69 = arith.constant 0 : i32
      %dma_wait3A_70 = tpu.memref_slice %arg12[%dma_wait3A, %dma_wait3A_69] : memref<8x128xi32, #tpu.memory_space<vmem>> -> memref<1x128xi32, #tpu.memory_space<vmem>>
      %dma_wait3A_71 = tpu.memref_squeeze %dma_wait3A_70 : memref<1x128xi32, #tpu.memory_space<vmem>> -> memref<128xi32, #tpu.memory_space<vmem>>
      %dma_wait3A_72 = arith.constant 0 : i32
      %dma_wait3A_73 = arith.constant 0 : i32
      %dma_wait3A_74 = tpu.memref_slice %arg10[%dma_wait3A_72, %dma_wait3A_73] : memref<10000x128xf32, #tpu.memory_space<vmem_shared>> -> memref<10000x128xf32, #tpu.memory_space<vmem_shared>>
      tpu.wait_indirect_dma semaphore(%arg15 : memref<!tpu.dma_semaphore, #tpu.memory_space<semaphore_mem>>) src(%dma_wait3A_74 : memref<10000x128xf32, #tpu.memory_space<vmem_shared>>) dst(%dma_wait3A_68 : memref<128x128xf32, #tpu.memory_space<vmem>>)
      %mul3A_75 = arith.constant 1024 : i32
      %mul3A_76 = arith.muli %scan3A_36, %mul3A_75 : i32
      %add3A_77 = arith.addi %mul3A_4, %mul3A_76 : i32
      %add3A_78 = arith.constant 0 : i32
      %add3A_79 = arith.addi %add3A_77, %add3A_78 : i32
      %dma_start3A_80 = arith.constant 0 : i32
      %dma_start3A_81 = arith.constant 0 : i32
      %dma_start3A_82 = arith.constant 0 : i32
      %dma_start3A_83 = tpu.memref_slice %arg13[%dma_start3A_80, %dma_start3A_81, %dma_start3A_82] : memref<2x128x128xf32, #tpu.memory_space<vmem>> -> memref<1x128x128xf32, #tpu.memory_space<vmem>>
      %dma_start3A_84 = tpu.memref_squeeze %dma_start3A_83 : memref<1x128x128xf32, #tpu.memory_space<vmem>> -> memref<128x128xf32, #tpu.memory_space<vmem>>
      %dma_start3A_85 = arith.constant 0 : i32
      %dma_start3A_86 = tpu.memref_slice %arg7[%add3A_79, %dma_start3A_85] : memref<327680x128xf32, #tpu.memory_space<hbm>> -> memref<128x128xf32, #tpu.memory_space<hbm>>
      %dma_start3A_87 = arith.constant 0 : i32
      %dma_start3A_88 = tpu.memref_slice %arg7[%add3A_79, %dma_start3A_87] : memref<327680x128xf32, #tpu.memory_space<hbm>> -> memref<128x128xf32, #tpu.memory_space<hbm>>
      %dma_start3A_89 = arith.constant 0 : i32
      %dma_start3A_90 = arith.constant 0 : i32
      %dma_start3A_91 = tpu.memref_slice %arg13[%dma_start3A_80, %dma_start3A_89, %dma_start3A_90] : memref<2x128x128xf32, #tpu.memory_space<vmem>> -> memref<1x128x128xf32, #tpu.memory_space<vmem>>
      %dma_start3A_92 = tpu.memref_squeeze %dma_start3A_91 : memref<1x128x128xf32, #tpu.memory_space<vmem>> -> memref<128x128xf32, #tpu.memory_space<vmem>>
      tpu.enqueue_dma source(%dma_start3A_92 : memref<128x128xf32, #tpu.memory_space<vmem>>) target(%dma_start3A_88 : memref<128x128xf32, #tpu.memory_space<hbm>>) target_semaphore(%arg17 : memref<!tpu.dma_semaphore, #tpu.memory_space<semaphore_mem>>)
      %dma_wait3A_93 = arith.constant 0 : i32
      %dma_wait3A_94 = arith.constant 0 : i32
      %dma_wait3A_95 = arith.constant 0 : i32
      %dma_wait3A_96 = tpu.memref_slice %arg13[%dma_wait3A_93, %dma_wait3A_94, %dma_wait3A_95] : memref<2x128x128xf32, #tpu.memory_space<vmem>> -> memref<1x128x128xf32, #tpu.memory_space<vmem>>
      %dma_wait3A_97 = tpu.memref_squeeze %dma_wait3A_96 : memref<1x128x128xf32, #tpu.memory_space<vmem>> -> memref<128x128xf32, #tpu.memory_space<vmem>>
      %dma_wait3A_98 = arith.constant 0 : i32
      %dma_wait3A_99 = tpu.memref_slice %arg7[%add3A_79, %dma_wait3A_98] : memref<327680x128xf32, #tpu.memory_space<hbm>> -> memref<128x128xf32, #tpu.memory_space<hbm>>
      %dma_wait3A_100 = arith.constant 0 : i32
      %dma_wait3A_101 = tpu.memref_slice %arg7[%add3A_79, %dma_wait3A_100] : memref<327680x128xf32, #tpu.memory_space<hbm>> -> memref<128x128xf32, #tpu.memory_space<hbm>>
      %dma_wait3A_102 = arith.constant 0 : i32
      %dma_wait3A_103 = arith.constant 0 : i32
      %dma_wait3A_104 = tpu.memref_slice %arg13[%dma_wait3A_93, %dma_wait3A_102, %dma_wait3A_103] : memref<2x128x128xf32, #tpu.memory_space<vmem>> -> memref<1x128x128xf32, #tpu.memory_space<vmem>>
      %dma_wait3A_105 = tpu.memref_squeeze %dma_wait3A_104 : memref<1x128x128xf32, #tpu.memory_space<vmem>> -> memref<128x128xf32, #tpu.memory_space<vmem>>
      tpu.wait_dma2 semaphore(%arg17 : memref<!tpu.dma_semaphore, #tpu.memory_space<semaphore_mem>>) src(%dma_wait3A_105 : memref<128x128xf32, #tpu.memory_space<vmem>>) dst(%dma_wait3A_101 : memref<128x128xf32, #tpu.memory_space<hbm>>)
      %dma_start3A_106 = arith.constant 2 : i32
      %dma_start3A_107 = arith.constant 0 : i32
      %dma_start3A_108 = arith.constant 0 : i32
      %dma_start3A_109 = arith.constant 0 : i32
      %dma_start3A_110 = tpu.memref_slice %arg13[%dma_start3A_107, %dma_start3A_108, %dma_start3A_109] : memref<2x128x128xf32, #tpu.memory_space<vmem>> -> memref<1x128x128xf32, #tpu.memory_space<vmem>>
      %dma_start3A_111 = tpu.memref_squeeze %dma_start3A_110 : memref<1x128x128xf32, #tpu.memory_space<vmem>> -> memref<128x128xf32, #tpu.memory_space<vmem>>
      %dma_start3A_112 = arith.constant 0 : i32
      %dma_start3A_113 = tpu.memref_slice %arg12[%dma_start3A_106, %dma_start3A_112] : memref<8x128xi32, #tpu.memory_space<vmem>> -> memref<1x128xi32, #tpu.memory_space<vmem>>
      %dma_start3A_114 = tpu.memref_squeeze %dma_start3A_113 : memref<1x128xi32, #tpu.memory_space<vmem>> -> memref<128xi32, #tpu.memory_space<vmem>>
      %dma_start3A_115 = arith.constant 0 : i32
      %dma_start3A_116 = arith.constant 0 : i32
      %dma_start3A_117 = tpu.memref_slice %arg10[%dma_start3A_115, %dma_start3A_116] : memref<10000x128xf32, #tpu.memory_space<vmem_shared>> -> memref<10000x128xf32, #tpu.memory_space<vmem_shared>>
      tpu.enqueue_indirect_dma source(%dma_start3A_117 : memref<10000x128xf32, #tpu.memory_space<vmem_shared>>) target(%dma_start3A_111 : memref<128x128xf32, #tpu.memory_space<vmem>>) offsets(%dma_start3A_114 : memref<128xi32, #tpu.memory_space<vmem>>) semaphore(%arg15 : memref<!tpu.dma_semaphore, #tpu.memory_space<semaphore_mem>>)
      %dma_wait3A_118 = arith.constant 1 : i32
      %dma_wait3A_119 = arith.constant 1 : i32
      %dma_wait3A_120 = arith.constant 0 : i32
      %dma_wait3A_121 = arith.constant 0 : i32
      %dma_wait3A_122 = tpu.memref_slice %arg13[%dma_wait3A_119, %dma_wait3A_120, %dma_wait3A_121] : memref<2x128x128xf32, #tpu.memory_space<vmem>> -> memref<1x128x128xf32, #tpu.memory_space<vmem>>
      %dma_wait3A_123 = tpu.memref_squeeze %dma_wait3A_122 : memref<1x128x128xf32, #tpu.memory_space<vmem>> -> memref<128x128xf32, #tpu.memory_space<vmem>>
      %dma_wait3A_124 = arith.constant 0 : i32
      %dma_wait3A_125 = tpu.memref_slice %arg12[%dma_wait3A_118, %dma_wait3A_124] : memref<8x128xi32, #tpu.memory_space<vmem>> -> memref<1x128xi32, #tpu.memory_space<vmem>>
      %dma_wait3A_126 = tpu.memref_squeeze %dma_wait3A_125 : memref<1x128xi32, #tpu.memory_space<vmem>> -> memref<128xi32, #tpu.memory_space<vmem>>
      %dma_wait3A_127 = arith.constant 0 : i32
      %dma_wait3A_128 = arith.constant 0 : i32
      %dma_wait3A_129 = tpu.memref_slice %arg10[%dma_wait3A_127, %dma_wait3A_128] : memref<10000x128xf32, #tpu.memory_space<vmem_shared>> -> memref<10000x128xf32, #tpu.memory_space<vmem_shared>>
      tpu.wait_indirect_dma semaphore(%arg16 : memref<!tpu.dma_semaphore, #tpu.memory_space<semaphore_mem>>) src(%dma_wait3A_129 : memref<10000x128xf32, #tpu.memory_space<vmem_shared>>) dst(%dma_wait3A_123 : memref<128x128xf32, #tpu.memory_space<vmem>>)
      %mul3A_130 = arith.constant 1024 : i32
      %mul3A_131 = arith.muli %scan3A_36, %mul3A_130 : i32
      %add3A_132 = arith.addi %mul3A_4, %mul3A_131 : i32
      %add3A_133 = arith.constant 128 : i32
      %add3A_134 = arith.addi %add3A_132, %add3A_133 : i32
      %dma_start3A_135 = arith.constant 1 : i32
      %dma_start3A_136 = arith.constant 0 : i32
      %dma_start3A_137 = arith.constant 0 : i32
      %dma_start3A_138 = tpu.memref_slice %arg13[%dma_start3A_135, %dma_start3A_136, %dma_start3A_137] : memref<2x128x128xf32, #tpu.memory_space<vmem>> -> memref<1x128x128xf32, #tpu.memory_space<vmem>>
      %dma_start3A_139 = tpu.memref_squeeze %dma_start3A_138 : memref<1x128x128xf32, #tpu.memory_space<vmem>> -> memref<128x128xf32, #tpu.memory_space<vmem>>
      %dma_start3A_140 = arith.constant 0 : i32
      %dma_start3A_141 = tpu.memref_slice %arg7[%add3A_134, %dma_start3A_140] : memref<327680x128xf32, #tpu.memory_space<hbm>> -> memref<128x128xf32, #tpu.memory_space<hbm>>
      %dma_start3A_142 = arith.constant 0 : i32
      %dma_start3A_143 = tpu.memref_slice %arg7[%add3A_134, %dma_start3A_142] : memref<327680x128xf32, #tpu.memory_space<hbm>> -> memref<128x128xf32, #tpu.memory_space<hbm>>
      %dma_start3A_144 = arith.constant 0 : i32
      %dma_start3A_145 = arith.constant 0 : i32
      %dma_start3A_146 = tpu.memref_slice %arg13[%dma_start3A_135, %dma_start3A_144, %dma_start3A_145] : memref<2x128x128xf32, #tpu.memory_space<vmem>> -> memref<1x128x128xf32, #tpu.memory_space<vmem>>
      %dma_start3A_147 = tpu.memref_squeeze %dma_start3A_146 : memref<1x128x128xf32, #tpu.memory_space<vmem>> -> memref<128x128xf32, #tpu.memory_space<vmem>>
      tpu.enqueue_dma source(%dma_start3A_147 : memref<128x128xf32, #tpu.memory_space<vmem>>) target(%dma_start3A_143 : memref<128x128xf32, #tpu.memory_space<hbm>>) target_semaphore(%arg18 : memref<!tpu.dma_semaphore, #tpu.memory_space<semaphore_mem>>)
      %dma_wait3A_148 = arith.constant 1 : i32
      %dma_wait3A_149 = arith.constant 0 : i32
      %dma_wait3A_150 = arith.constant 0 : i32
      %dma_wait3A_151 = tpu.memref_slice %arg13[%dma_wait3A_148, %dma_wait3A_149, %dma_wait3A_150] : memref<2x128x128xf32, #tpu.memory_space<vmem>> -> memref<1x128x128xf32, #tpu.memory_space<vmem>>
      %dma_wait3A_152 = tpu.memref_squeeze %dma_wait3A_151 : memref<1x128x128xf32, #tpu.memory_space<vmem>> -> memref<128x128xf32, #tpu.memory_space<vmem>>
      %dma_wait3A_153 = arith.constant 0 : i32
      %dma_wait3A_154 = tpu.memref_slice %arg7[%add3A_134, %dma_wait3A_153] : memref<327680x128xf32, #tpu.memory_space<hbm>> -> memref<128x128xf32, #tpu.memory_space<hbm>>
      %dma_wait3A_155 = arith.constant 0 : i32
      %dma_wait3A_156 = tpu.memref_slice %arg7[%add3A_134, %dma_wait3A_155] : memref<327680x128xf32, #tpu.memory_space<hbm>> -> memref<128x128xf32, #tpu.memory_space<hbm>>
      %dma_wait3A_157 = arith.constant 0 : i32
      %dma_wait3A_158 = arith.constant 0 : i32
      %dma_wait3A_159 = tpu.memref_slice %arg13[%dma_wait3A_148, %dma_wait3A_157, %dma_wait3A_158] : memref<2x128x128xf32, #tpu.memory_space<vmem>> -> memref<1x128x128xf32, #tpu.memory_space<vmem>>
      %dma_wait3A_160 = tpu.memref_squeeze %dma_wait3A_159 : memref<1x128x128xf32, #tpu.memory_space<vmem>> -> memref<128x128xf32, #tpu.memory_space<vmem>>
      tpu.wait_dma2 semaphore(%arg18 : memref<!tpu.dma_semaphore, #tpu.memory_space<semaphore_mem>>) src(%dma_wait3A_160 : memref<128x128xf32, #tpu.memory_space<vmem>>) dst(%dma_wait3A_156 : memref<128x128xf32, #tpu.memory_space<hbm>>)
      %dma_start3A_161 = arith.constant 3 : i32
      %dma_start3A_162 = arith.constant 1 : i32
      %dma_start3A_163 = arith.constant 0 : i32
      %dma_start3A_164 = arith.constant 0 : i32
      %dma_start3A_165 = tpu.memref_slice %arg13[%dma_start3A_162, %dma_start3A_163, %dma_start3A_164] : memref<2x128x128xf32, #tpu.memory_space<vmem>> -> memref<1x128x128xf32, #tpu.memory_space<vmem>>
      %dma_start3A_166 = tpu.memref_squeeze %dma_start3A_165 : memref<1x128x128xf32, #tpu.memory_space<vmem>> -> memref<128x128xf32, #tpu.memory_space<vmem>>
      %dma_start3A_167 = arith.constant 0 : i32
      %dma_start3A_168 = tpu.memref_slice %arg12[%dma_start3A_161, %dma_start3A_167] : memref<8x128xi32, #tpu.memory_space<vmem>> -> memref<1x128xi32, #tpu.memory_space<vmem>>
      %dma_start3A_169 = tpu.memref_squeeze %dma_start3A_168 : memref<1x128xi32, #tpu.memory_space<vmem>> -> memref<128xi32, #tpu.memory_space<vmem>>
      %dma_start3A_170 = arith.constant 0 : i32
      %dma_start3A_171 = arith.constant 0 : i32
      %dma_start3A_172 = tpu.memref_slice %arg10[%dma_start3A_170, %dma_start3A_171] : memref<10000x128xf32, #tpu.memory_space<vmem_shared>> -> memref<10000x128xf32, #tpu.memory_space<vmem_shared>>
      tpu.enqueue_indirect_dma source(%dma_start3A_172 : memref<10000x128xf32, #tpu.memory_space<vmem_shared>>) target(%dma_start3A_166 : memref<128x128xf32, #tpu.memory_space<vmem>>) offsets(%dma_start3A_169 : memref<128xi32, #tpu.memory_space<vmem>>) semaphore(%arg16 : memref<!tpu.dma_semaphore, #tpu.memory_space<semaphore_mem>>)
      %dma_wait3A_173 = arith.constant 2 : i32
      %dma_wait3A_174 = arith.constant 0 : i32
      %dma_wait3A_175 = arith.constant 0 : i32
      %dma_wait3A_176 = arith.constant 0 : i32
      %dma_wait3A_177 = tpu.memref_slice %arg13[%dma_wait3A_174, %dma_wait3A_175, %dma_wait3A_176] : memref<2x128x128xf32, #tpu.memory_space<vmem>> -> memref<1x128x128xf32, #tpu.memory_space<vmem>>
      %dma_wait3A_178 = tpu.memref_squeeze %dma_wait3A_177 : memref<1x128x128xf32, #tpu.memory_space<vmem>> -> memref<128x128xf32, #tpu.memory_space<vmem>>
      %dma_wait3A_179 = arith.constant 0 : i32
      %dma_wait3A_180 = tpu.memref_slice %arg12[%dma_wait3A_173, %dma_wait3A_179] : memref<8x128xi32, #tpu.memory_space<vmem>> -> memref<1x128xi32, #tpu.memory_space<vmem>>
      %dma_wait3A_181 = tpu.memref_squeeze %dma_wait3A_180 : memref<1x128xi32, #tpu.memory_space<vmem>> -> memref<128xi32, #tpu.memory_space<vmem>>
      %dma_wait3A_182 = arith.constant 0 : i32
      %dma_wait3A_183 = arith.constant 0 : i32
      %dma_wait3A_184 = tpu.memref_slice %arg10[%dma_wait3A_182, %dma_wait3A_183] : memref<10000x128xf32, #tpu.memory_space<vmem_shared>> -> memref<10000x128xf32, #tpu.memory_space<vmem_shared>>
      tpu.wait_indirect_dma semaphore(%arg15 : memref<!tpu.dma_semaphore, #tpu.memory_space<semaphore_mem>>) src(%dma_wait3A_184 : memref<10000x128xf32, #tpu.memory_space<vmem_shared>>) dst(%dma_wait3A_178 : memref<128x128xf32, #tpu.memory_space<vmem>>)
      %mul3A_185 = arith.constant 1024 : i32
      %mul3A_186 = arith.muli %scan3A_36, %mul3A_185 : i32
      %add3A_187 = arith.addi %mul3A_4, %mul3A_186 : i32
      %add3A_188 = arith.constant 256 : i32
      %add3A_189 = arith.addi %add3A_187, %add3A_188 : i32
      %dma_start3A_190 = arith.constant 0 : i32
      %dma_start3A_191 = arith.constant 0 : i32
      %dma_start3A_192 = arith.constant 0 : i32
      %dma_start3A_193 = tpu.memref_slice %arg13[%dma_start3A_190, %dma_start3A_191, %dma_start3A_192] : memref<2x128x128xf32, #tpu.memory_space<vmem>> -> memref<1x128x128xf32, #tpu.memory_space<vmem>>
      %dma_start3A_194 = tpu.memref_squeeze %dma_start3A_193 : memref<1x128x128xf32, #tpu.memory_space<vmem>> -> memref<128x128xf32, #tpu.memory_space<vmem>>
      %dma_start3A_195 = arith.constant 0 : i32
      %dma_start3A_196 = tpu.memref_slice %arg7[%add3A_189, %dma_start3A_195] : memref<327680x128xf32, #tpu.memory_space<hbm>> -> memref<128x128xf32, #tpu.memory_space<hbm>>
      %dma_start3A_197 = arith.constant 0 : i32
      %dma_start3A_198 = tpu.memref_slice %arg7[%add3A_189, %dma_start3A_197] : memref<327680x128xf32, #tpu.memory_space<hbm>> -> memref<128x128xf32, #tpu.memory_space<hbm>>
      %dma_start3A_199 = arith.constant 0 : i32
      %dma_start3A_200 = arith.constant 0 : i32
      %dma_start3A_201 = tpu.memref_slice %arg13[%dma_start3A_190, %dma_start3A_199, %dma_start3A_200] : memref<2x128x128xf32, #tpu.memory_space<vmem>> -> memref<1x128x128xf32, #tpu.memory_space<vmem>>
      %dma_start3A_202 = tpu.memref_squeeze %dma_start3A_201 : memref<1x128x128xf32, #tpu.memory_space<vmem>> -> memref<128x128xf32, #tpu.memory_space<vmem>>
      tpu.enqueue_dma source(%dma_start3A_202 : memref<128x128xf32, #tpu.memory_space<vmem>>) target(%dma_start3A_198 : memref<128x128xf32, #tpu.memory_space<hbm>>) target_semaphore(%arg17 : memref<!tpu.dma_semaphore, #tpu.memory_space<semaphore_mem>>)
      %dma_wait3A_203 = arith.constant 0 : i32
      %dma_wait3A_204 = arith.constant 0 : i32
      %dma_wait3A_205 = arith.constant 0 : i32
      %dma_wait3A_206 = tpu.memref_slice %arg13[%dma_wait3A_203, %dma_wait3A_204, %dma_wait3A_205] : memref<2x128x128xf32, #tpu.memory_space<vmem>> -> memref<1x128x128xf32, #tpu.memory_space<vmem>>
      %dma_wait3A_207 = tpu.memref_squeeze %dma_wait3A_206 : memref<1x128x128xf32, #tpu.memory_space<vmem>> -> memref<128x128xf32, #tpu.memory_space<vmem>>
      %dma_wait3A_208 = arith.constant 0 : i32
      %dma_wait3A_209 = tpu.memref_slice %arg7[%add3A_189, %dma_wait3A_208] : memref<327680x128xf32, #tpu.memory_space<hbm>> -> memref<128x128xf32, #tpu.memory_space<hbm>>
      %dma_wait3A_210 = arith.constant 0 : i32
      %dma_wait3A_211 = tpu.memref_slice %arg7[%add3A_189, %dma_wait3A_210] : memref<327680x128xf32, #tpu.memory_space<hbm>> -> memref<128x128xf32, #tpu.memory_space<hbm>>
      %dma_wait3A_212 = arith.constant 0 : i32
      %dma_wait3A_213 = arith.constant 0 : i32
      %dma_wait3A_214 = tpu.memref_slice %arg13[%dma_wait3A_203, %dma_wait3A_212, %dma_wait3A_213] : memref<2x128x128xf32, #tpu.memory_space<vmem>> -> memref<1x128x128xf32, #tpu.memory_space<vmem>>
      %dma_wait3A_215 = tpu.memref_squeeze %dma_wait3A_214 : memref<1x128x128xf32, #tpu.memory_space<vmem>> -> memref<128x128xf32, #tpu.memory_space<vmem>>
      tpu.wait_dma2 semaphore(%arg17 : memref<!tpu.dma_semaphore, #tpu.memory_space<semaphore_mem>>) src(%dma_wait3A_215 : memref<128x128xf32, #tpu.memory_space<vmem>>) dst(%dma_wait3A_211 : memref<128x128xf32, #tpu.memory_space<hbm>>)
      %dma_start3A_216 = arith.constant 4 : i32
      %dma_start3A_217 = arith.constant 0 : i32
      %dma_start3A_218 = arith.constant 0 : i32
      %dma_start3A_219 = arith.constant 0 : i32
      %dma_start3A_220 = tpu.memref_slice %arg13[%dma_start3A_217, %dma_start3A_218, %dma_start3A_219] : memref<2x128x128xf32, #tpu.memory_space<vmem>> -> memref<1x128x128xf32, #tpu.memory_space<vmem>>
      %dma_start3A_221 = tpu.memref_squeeze %dma_start3A_220 : memref<1x128x128xf32, #tpu.memory_space<vmem>> -> memref<128x128xf32, #tpu.memory_space<vmem>>
      %dma_start3A_222 = arith.constant 0 : i32
      %dma_start3A_223 = tpu.memref_slice %arg12[%dma_start3A_216, %dma_start3A_222] : memref<8x128xi32, #tpu.memory_space<vmem>> -> memref<1x128xi32, #tpu.memory_space<vmem>>
      %dma_start3A_224 = tpu.memref_squeeze %dma_start3A_223 : memref<1x128xi32, #tpu.memory_space<vmem>> -> memref<128xi32, #tpu.memory_space<vmem>>
      %dma_start3A_225 = arith.constant 0 : i32
      %dma_start3A_226 = arith.constant 0 : i32
      %dma_start3A_227 = tpu.memref_slice %arg10[%dma_start3A_225, %dma_start3A_226] : memref<10000x128xf32, #tpu.memory_space<vmem_shared>> -> memref<10000x128xf32, #tpu.memory_space<vmem_shared>>
      tpu.enqueue_indirect_dma source(%dma_start3A_227 : memref<10000x128xf32, #tpu.memory_space<vmem_shared>>) target(%dma_start3A_221 : memref<128x128xf32, #tpu.memory_space<vmem>>) offsets(%dma_start3A_224 : memref<128xi32, #tpu.memory_space<vmem>>) semaphore(%arg15 : memref<!tpu.dma_semaphore, #tpu.memory_space<semaphore_mem>>)
      %dma_wait3A_228 = arith.constant 3 : i32
      %dma_wait3A_229 = arith.constant 1 : i32
      %dma_wait3A_230 = arith.constant 0 : i32
      %dma_wait3A_231 = arith.constant 0 : i32
      %dma_wait3A_232 = tpu.memref_slice %arg13[%dma_wait3A_229, %dma_wait3A_230, %dma_wait3A_231] : memref<2x128x128xf32, #tpu.memory_space<vmem>> -> memref<1x128x128xf32, #tpu.memory_space<vmem>>
      %dma_wait3A_233 = tpu.memref_squeeze %dma_wait3A_232 : memref<1x128x128xf32, #tpu.memory_space<vmem>> -> memref<128x128xf32, #tpu.memory_space<vmem>>
      %dma_wait3A_234 = arith.constant 0 : i32
      %dma_wait3A_235 = tpu.memref_slice %arg12[%dma_wait3A_228, %dma_wait3A_234] : memref<8x128xi32, #tpu.memory_space<vmem>> -> memref<1x128xi32, #tpu.memory_space<vmem>>
      %dma_wait3A_236 = tpu.memref_squeeze %dma_wait3A_235 : memref<1x128xi32, #tpu.memory_space<vmem>> -> memref<128xi32, #tpu.memory_space<vmem>>
      %dma_wait3A_237 = arith.constant 0 : i32
      %dma_wait3A_238 = arith.constant 0 : i32
      %dma_wait3A_239 = tpu.memref_slice %arg10[%dma_wait3A_237, %dma_wait3A_238] : memref<10000x128xf32, #tpu.memory_space<vmem_shared>> -> memref<10000x128xf32, #tpu.memory_space<vmem_shared>>
      tpu.wait_indirect_dma semaphore(%arg16 : memref<!tpu.dma_semaphore, #tpu.memory_space<semaphore_mem>>) src(%dma_wait3A_239 : memref<10000x128xf32, #tpu.memory_space<vmem_shared>>) dst(%dma_wait3A_233 : memref<128x128xf32, #tpu.memory_space<vmem>>)
      %mul3A_240 = arith.constant 1024 : i32
      %mul3A_241 = arith.muli %scan3A_36, %mul3A_240 : i32
      %add3A_242 = arith.addi %mul3A_4, %mul3A_241 : i32
      %add3A_243 = arith.constant 384 : i32
      %add3A_244 = arith.addi %add3A_242, %add3A_243 : i32
      %dma_start3A_245 = arith.constant 1 : i32
      %dma_start3A_246 = arith.constant 0 : i32
      %dma_start3A_247 = arith.constant 0 : i32
      %dma_start3A_248 = tpu.memref_slice %arg13[%dma_start3A_245, %dma_start3A_246, %dma_start3A_247] : memref<2x128x128xf32, #tpu.memory_space<vmem>> -> memref<1x128x128xf32, #tpu.memory_space<vmem>>
      %dma_start3A_249 = tpu.memref_squeeze %dma_start3A_248 : memref<1x128x128xf32, #tpu.memory_space<vmem>> -> memref<128x128xf32, #tpu.memory_space<vmem>>
      %dma_start3A_250 = arith.constant 0 : i32
      %dma_start3A_251 = tpu.memref_slice %arg7[%add3A_244, %dma_start3A_250] : memref<327680x128xf32, #tpu.memory_space<hbm>> -> memref<128x128xf32, #tpu.memory_space<hbm>>
      %dma_start3A_252 = arith.constant 0 : i32
      %dma_start3A_253 = tpu.memref_slice %arg7[%add3A_244, %dma_start3A_252] : memref<327680x128xf32, #tpu.memory_space<hbm>> -> memref<128x128xf32, #tpu.memory_space<hbm>>
      %dma_start3A_254 = arith.constant 0 : i32
      %dma_start3A_255 = arith.constant 0 : i32
      %dma_start3A_256 = tpu.memref_slice %arg13[%dma_start3A_245, %dma_start3A_254, %dma_start3A_255] : memref<2x128x128xf32, #tpu.memory_space<vmem>> -> memref<1x128x128xf32, #tpu.memory_space<vmem>>
      %dma_start3A_257 = tpu.memref_squeeze %dma_start3A_256 : memref<1x128x128xf32, #tpu.memory_space<vmem>> -> memref<128x128xf32, #tpu.memory_space<vmem>>
      tpu.enqueue_dma source(%dma_start3A_257 : memref<128x128xf32, #tpu.memory_space<vmem>>) target(%dma_start3A_253 : memref<128x128xf32, #tpu.memory_space<hbm>>) target_semaphore(%arg18 : memref<!tpu.dma_semaphore, #tpu.memory_space<semaphore_mem>>)
      %dma_wait3A_258 = arith.constant 1 : i32
      %dma_wait3A_259 = arith.constant 0 : i32
      %dma_wait3A_260 = arith.constant 0 : i32
      %dma_wait3A_261 = tpu.memref_slice %arg13[%dma_wait3A_258, %dma_wait3A_259, %dma_wait3A_260] : memref<2x128x128xf32, #tpu.memory_space<vmem>> -> memref<1x128x128xf32, #tpu.memory_space<vmem>>
      %dma_wait3A_262 = tpu.memref_squeeze %dma_wait3A_261 : memref<1x128x128xf32, #tpu.memory_space<vmem>> -> memref<128x128xf32, #tpu.memory_space<vmem>>
      %dma_wait3A_263 = arith.constant 0 : i32
      %dma_wait3A_264 = tpu.memref_slice %arg7[%add3A_244, %dma_wait3A_263] : memref<327680x128xf32, #tpu.memory_space<hbm>> -> memref<128x128xf32, #tpu.memory_space<hbm>>
      %dma_wait3A_265 = arith.constant 0 : i32
      %dma_wait3A_266 = tpu.memref_slice %arg7[%add3A_244, %dma_wait3A_265] : memref<327680x128xf32, #tpu.memory_space<hbm>> -> memref<128x128xf32, #tpu.memory_space<hbm>>
      %dma_wait3A_267 = arith.constant 0 : i32
      %dma_wait3A_268 = arith.constant 0 : i32
      %dma_wait3A_269 = tpu.memref_slice %arg13[%dma_wait3A_258, %dma_wait3A_267, %dma_wait3A_268] : memref<2x128x128xf32, #tpu.memory_space<vmem>> -> memref<1x128x128xf32, #tpu.memory_space<vmem>>
      %dma_wait3A_270 = tpu.memref_squeeze %dma_wait3A_269 : memref<1x128x128xf32, #tpu.memory_space<vmem>> -> memref<128x128xf32, #tpu.memory_space<vmem>>
      tpu.wait_dma2 semaphore(%arg18 : memref<!tpu.dma_semaphore, #tpu.memory_space<semaphore_mem>>) src(%dma_wait3A_270 : memref<128x128xf32, #tpu.memory_space<vmem>>) dst(%dma_wait3A_266 : memref<128x128xf32, #tpu.memory_space<hbm>>)
      %dma_start3A_271 = arith.constant 5 : i32
      %dma_start3A_272 = arith.constant 1 : i32
      %dma_start3A_273 = arith.constant 0 : i32
      %dma_start3A_274 = arith.constant 0 : i32
      %dma_start3A_275 = tpu.memref_slice %arg13[%dma_start3A_272, %dma_start3A_273, %dma_start3A_274] : memref<2x128x128xf32, #tpu.memory_space<vmem>> -> memref<1x128x128xf32, #tpu.memory_space<vmem>>
      %dma_start3A_276 = tpu.memref_squeeze %dma_start3A_275 : memref<1x128x128xf32, #tpu.memory_space<vmem>> -> memref<128x128xf32, #tpu.memory_space<vmem>>
      %dma_start3A_277 = arith.constant 0 : i32
      %dma_start3A_278 = tpu.memref_slice %arg12[%dma_start3A_271, %dma_start3A_277] : memref<8x128xi32, #tpu.memory_space<vmem>> -> memref<1x128xi32, #tpu.memory_space<vmem>>
      %dma_start3A_279 = tpu.memref_squeeze %dma_start3A_278 : memref<1x128xi32, #tpu.memory_space<vmem>> -> memref<128xi32, #tpu.memory_space<vmem>>
      %dma_start3A_280 = arith.constant 0 : i32
      %dma_start3A_281 = arith.constant 0 : i32
      %dma_start3A_282 = tpu.memref_slice %arg10[%dma_start3A_280, %dma_start3A_281] : memref<10000x128xf32, #tpu.memory_space<vmem_shared>> -> memref<10000x128xf32, #tpu.memory_space<vmem_shared>>
      tpu.enqueue_indirect_dma source(%dma_start3A_282 : memref<10000x128xf32, #tpu.memory_space<vmem_shared>>) target(%dma_start3A_276 : memref<128x128xf32, #tpu.memory_space<vmem>>) offsets(%dma_start3A_279 : memref<128xi32, #tpu.memory_space<vmem>>) semaphore(%arg16 : memref<!tpu.dma_semaphore, #tpu.memory_space<semaphore_mem>>)
      %dma_wait3A_283 = arith.constant 4 : i32
      %dma_wait3A_284 = arith.constant 0 : i32
      %dma_wait3A_285 = arith.constant 0 : i32
      %dma_wait3A_286 = arith.constant 0 : i32
      %dma_wait3A_287 = tpu.memref_slice %arg13[%dma_wait3A_284, %dma_wait3A_285, %dma_wait3A_286] : memref<2x128x128xf32, #tpu.memory_space<vmem>> -> memref<1x128x128xf32, #tpu.memory_space<vmem>>
      %dma_wait3A_288 = tpu.memref_squeeze %dma_wait3A_287 : memref<1x128x128xf32, #tpu.memory_space<vmem>> -> memref<128x128xf32, #tpu.memory_space<vmem>>
      %dma_wait3A_289 = arith.constant 0 : i32
      %dma_wait3A_290 = tpu.memref_slice %arg12[%dma_wait3A_283, %dma_wait3A_289] : memref<8x128xi32, #tpu.memory_space<vmem>> -> memref<1x128xi32, #tpu.memory_space<vmem>>
      %dma_wait3A_291 = tpu.memref_squeeze %dma_wait3A_290 : memref<1x128xi32, #tpu.memory_space<vmem>> -> memref<128xi32, #tpu.memory_space<vmem>>
      %dma_wait3A_292 = arith.constant 0 : i32
      %dma_wait3A_293 = arith.constant 0 : i32
      %dma_wait3A_294 = tpu.memref_slice %arg10[%dma_wait3A_292, %dma_wait3A_293] : memref<10000x128xf32, #tpu.memory_space<vmem_shared>> -> memref<10000x128xf32, #tpu.memory_space<vmem_shared>>
      tpu.wait_indirect_dma semaphore(%arg15 : memref<!tpu.dma_semaphore, #tpu.memory_space<semaphore_mem>>) src(%dma_wait3A_294 : memref<10000x128xf32, #tpu.memory_space<vmem_shared>>) dst(%dma_wait3A_288 : memref<128x128xf32, #tpu.memory_space<vmem>>)
      %mul3A_295 = arith.constant 1024 : i32
      %mul3A_296 = arith.muli %scan3A_36, %mul3A_295 : i32
      %add3A_297 = arith.addi %mul3A_4, %mul3A_296 : i32
      %add3A_298 = arith.constant 512 : i32
      %add3A_299 = arith.addi %add3A_297, %add3A_298 : i32
      %dma_start3A_300 = arith.constant 0 : i32
      %dma_start3A_301 = arith.constant 0 : i32
      %dma_start3A_302 = arith.constant 0 : i32
      %dma_start3A_303 = tpu.memref_slice %arg13[%dma_start3A_300, %dma_start3A_301, %dma_start3A_302] : memref<2x128x128xf32, #tpu.memory_space<vmem>> -> memref<1x128x128xf32, #tpu.memory_space<vmem>>
      %dma_start3A_304 = tpu.memref_squeeze %dma_start3A_303 : memref<1x128x128xf32, #tpu.memory_space<vmem>> -> memref<128x128xf32, #tpu.memory_space<vmem>>
      %dma_start3A_305 = arith.constant 0 : i32
      %dma_start3A_306 = tpu.memref_slice %arg7[%add3A_299, %dma_start3A_305] : memref<327680x128xf32, #tpu.memory_space<hbm>> -> memref<128x128xf32, #tpu.memory_space<hbm>>
      %dma_start3A_307 = arith.constant 0 : i32
      %dma_start3A_308 = tpu.memref_slice %arg7[%add3A_299, %dma_start3A_307] : memref<327680x128xf32, #tpu.memory_space<hbm>> -> memref<128x128xf32, #tpu.memory_space<hbm>>
      %dma_start3A_309 = arith.constant 0 : i32
      %dma_start3A_310 = arith.constant 0 : i32
      %dma_start3A_311 = tpu.memref_slice %arg13[%dma_start3A_300, %dma_start3A_309, %dma_start3A_310] : memref<2x128x128xf32, #tpu.memory_space<vmem>> -> memref<1x128x128xf32, #tpu.memory_space<vmem>>
      %dma_start3A_312 = tpu.memref_squeeze %dma_start3A_311 : memref<1x128x128xf32, #tpu.memory_space<vmem>> -> memref<128x128xf32, #tpu.memory_space<vmem>>
      tpu.enqueue_dma source(%dma_start3A_312 : memref<128x128xf32, #tpu.memory_space<vmem>>) target(%dma_start3A_308 : memref<128x128xf32, #tpu.memory_space<hbm>>) target_semaphore(%arg17 : memref<!tpu.dma_semaphore, #tpu.memory_space<semaphore_mem>>)
      %dma_wait3A_313 = arith.constant 0 : i32
      %dma_wait3A_314 = arith.constant 0 : i32
      %dma_wait3A_315 = arith.constant 0 : i32
      %dma_wait3A_316 = tpu.memref_slice %arg13[%dma_wait3A_313, %dma_wait3A_314, %dma_wait3A_315] : memref<2x128x128xf32, #tpu.memory_space<vmem>> -> memref<1x128x128xf32, #tpu.memory_space<vmem>>
      %dma_wait3A_317 = tpu.memref_squeeze %dma_wait3A_316 : memref<1x128x128xf32, #tpu.memory_space<vmem>> -> memref<128x128xf32, #tpu.memory_space<vmem>>
      %dma_wait3A_318 = arith.constant 0 : i32
      %dma_wait3A_319 = tpu.memref_slice %arg7[%add3A_299, %dma_wait3A_318] : memref<327680x128xf32, #tpu.memory_space<hbm>> -> memref<128x128xf32, #tpu.memory_space<hbm>>
      %dma_wait3A_320 = arith.constant 0 : i32
      %dma_wait3A_321 = tpu.memref_slice %arg7[%add3A_299, %dma_wait3A_320] : memref<327680x128xf32, #tpu.memory_space<hbm>> -> memref<128x128xf32, #tpu.memory_space<hbm>>
      %dma_wait3A_322 = arith.constant 0 : i32
      %dma_wait3A_323 = arith.constant 0 : i32
      %dma_wait3A_324 = tpu.memref_slice %arg13[%dma_wait3A_313, %dma_wait3A_322, %dma_wait3A_323] : memref<2x128x128xf32, #tpu.memory_space<vmem>> -> memref<1x128x128xf32, #tpu.memory_space<vmem>>
      %dma_wait3A_325 = tpu.memref_squeeze %dma_wait3A_324 : memref<1x128x128xf32, #tpu.memory_space<vmem>> -> memref<128x128xf32, #tpu.memory_space<vmem>>
      tpu.wait_dma2 semaphore(%arg17 : memref<!tpu.dma_semaphore, #tpu.memory_space<semaphore_mem>>) src(%dma_wait3A_325 : memref<128x128xf32, #tpu.memory_space<vmem>>) dst(%dma_wait3A_321 : memref<128x128xf32, #tpu.memory_space<hbm>>)
      %dma_start3A_326 = arith.constant 6 : i32
      %dma_start3A_327 = arith.constant 0 : i32
      %dma_start3A_328 = arith.constant 0 : i32
      %dma_start3A_329 = arith.constant 0 : i32
      %dma_start3A_330 = tpu.memref_slice %arg13[%dma_start3A_327, %dma_start3A_328, %dma_start3A_329] : memref<2x128x128xf32, #tpu.memory_space<vmem>> -> memref<1x128x128xf32, #tpu.memory_space<vmem>>
      %dma_start3A_331 = tpu.memref_squeeze %dma_start3A_330 : memref<1x128x128xf32, #tpu.memory_space<vmem>> -> memref<128x128xf32, #tpu.memory_space<vmem>>
      %dma_start3A_332 = arith.constant 0 : i32
      %dma_start3A_333 = tpu.memref_slice %arg12[%dma_start3A_326, %dma_start3A_332] : memref<8x128xi32, #tpu.memory_space<vmem>> -> memref<1x128xi32, #tpu.memory_space<vmem>>
      %dma_start3A_334 = tpu.memref_squeeze %dma_start3A_333 : memref<1x128xi32, #tpu.memory_space<vmem>> -> memref<128xi32, #tpu.memory_space<vmem>>
      %dma_start3A_335 = arith.constant 0 : i32
      %dma_start3A_336 = arith.constant 0 : i32
      %dma_start3A_337 = tpu.memref_slice %arg10[%dma_start3A_335, %dma_start3A_336] : memref<10000x128xf32, #tpu.memory_space<vmem_shared>> -> memref<10000x128xf32, #tpu.memory_space<vmem_shared>>
      tpu.enqueue_indirect_dma source(%dma_start3A_337 : memref<10000x128xf32, #tpu.memory_space<vmem_shared>>) target(%dma_start3A_331 : memref<128x128xf32, #tpu.memory_space<vmem>>) offsets(%dma_start3A_334 : memref<128xi32, #tpu.memory_space<vmem>>) semaphore(%arg15 : memref<!tpu.dma_semaphore, #tpu.memory_space<semaphore_mem>>)
      %dma_wait3A_338 = arith.constant 5 : i32
      %dma_wait3A_339 = arith.constant 1 : i32
      %dma_wait3A_340 = arith.constant 0 : i32
      %dma_wait3A_341 = arith.constant 0 : i32
      %dma_wait3A_342 = tpu.memref_slice %arg13[%dma_wait3A_339, %dma_wait3A_340, %dma_wait3A_341] : memref<2x128x128xf32, #tpu.memory_space<vmem>> -> memref<1x128x128xf32, #tpu.memory_space<vmem>>
      %dma_wait3A_343 = tpu.memref_squeeze %dma_wait3A_342 : memref<1x128x128xf32, #tpu.memory_space<vmem>> -> memref<128x128xf32, #tpu.memory_space<vmem>>
      %dma_wait3A_344 = arith.constant 0 : i32
      %dma_wait3A_345 = tpu.memref_slice %arg12[%dma_wait3A_338, %dma_wait3A_344] : memref<8x128xi32, #tpu.memory_space<vmem>> -> memref<1x128xi32, #tpu.memory_space<vmem>>
      %dma_wait3A_346 = tpu.memref_squeeze %dma_wait3A_345 : memref<1x128xi32, #tpu.memory_space<vmem>> -> memref<128xi32, #tpu.memory_space<vmem>>
      %dma_wait3A_347 = arith.constant 0 : i32
      %dma_wait3A_348 = arith.constant 0 : i32
      %dma_wait3A_349 = tpu.memref_slice %arg10[%dma_wait3A_347, %dma_wait3A_348] : memref<10000x128xf32, #tpu.memory_space<vmem_shared>> -> memref<10000x128xf32, #tpu.memory_space<vmem_shared>>
      tpu.wait_indirect_dma semaphore(%arg16 : memref<!tpu.dma_semaphore, #tpu.memory_space<semaphore_mem>>) src(%dma_wait3A_349 : memref<10000x128xf32, #tpu.memory_space<vmem_shared>>) dst(%dma_wait3A_343 : memref<128x128xf32, #tpu.memory_space<vmem>>)
      %mul3A_350 = arith.constant 1024 : i32
      %mul3A_351 = arith.muli %scan3A_36, %mul3A_350 : i32
      %add3A_352 = arith.addi %mul3A_4, %mul3A_351 : i32
      %add3A_353 = arith.constant 640 : i32
      %add3A_354 = arith.addi %add3A_352, %add3A_353 : i32
      %dma_start3A_355 = arith.constant 1 : i32
      %dma_start3A_356 = arith.constant 0 : i32
      %dma_start3A_357 = arith.constant 0 : i32
      %dma_start3A_358 = tpu.memref_slice %arg13[%dma_start3A_355, %dma_start3A_356, %dma_start3A_357] : memref<2x128x128xf32, #tpu.memory_space<vmem>> -> memref<1x128x128xf32, #tpu.memory_space<vmem>>
      %dma_start3A_359 = tpu.memref_squeeze %dma_start3A_358 : memref<1x128x128xf32, #tpu.memory_space<vmem>> -> memref<128x128xf32, #tpu.memory_space<vmem>>
      %dma_start3A_360 = arith.constant 0 : i32
      %dma_start3A_361 = tpu.memref_slice %arg7[%add3A_354, %dma_start3A_360] : memref<327680x128xf32, #tpu.memory_space<hbm>> -> memref<128x128xf32, #tpu.memory_space<hbm>>
      %dma_start3A_362 = arith.constant 0 : i32
      %dma_start3A_363 = tpu.memref_slice %arg7[%add3A_354, %dma_start3A_362] : memref<327680x128xf32, #tpu.memory_space<hbm>> -> memref<128x128xf32, #tpu.memory_space<hbm>>
      %dma_start3A_364 = arith.constant 0 : i32
      %dma_start3A_365 = arith.constant 0 : i32
      %dma_start3A_366 = tpu.memref_slice %arg13[%dma_start3A_355, %dma_start3A_364, %dma_start3A_365] : memref<2x128x128xf32, #tpu.memory_space<vmem>> -> memref<1x128x128xf32, #tpu.memory_space<vmem>>
      %dma_start3A_367 = tpu.memref_squeeze %dma_start3A_366 : memref<1x128x128xf32, #tpu.memory_space<vmem>> -> memref<128x128xf32, #tpu.memory_space<vmem>>
      tpu.enqueue_dma source(%dma_start3A_367 : memref<128x128xf32, #tpu.memory_space<vmem>>) target(%dma_start3A_363 : memref<128x128xf32, #tpu.memory_space<hbm>>) target_semaphore(%arg18 : memref<!tpu.dma_semaphore, #tpu.memory_space<semaphore_mem>>)
      %dma_wait3A_368 = arith.constant 1 : i32
      %dma_wait3A_369 = arith.constant 0 : i32
      %dma_wait3A_370 = arith.constant 0 : i32
      %dma_wait3A_371 = tpu.memref_slice %arg13[%dma_wait3A_368, %dma_wait3A_369, %dma_wait3A_370] : memref<2x128x128xf32, #tpu.memory_space<vmem>> -> memref<1x128x128xf32, #tpu.memory_space<vmem>>
      %dma_wait3A_372 = tpu.memref_squeeze %dma_wait3A_371 : memref<1x128x128xf32, #tpu.memory_space<vmem>> -> memref<128x128xf32, #tpu.memory_space<vmem>>
      %dma_wait3A_373 = arith.constant 0 : i32
      %dma_wait3A_374 = tpu.memref_slice %arg7[%add3A_354, %dma_wait3A_373] : memref<327680x128xf32, #tpu.memory_space<hbm>> -> memref<128x128xf32, #tpu.memory_space<hbm>>
      %dma_wait3A_375 = arith.constant 0 : i32
      %dma_wait3A_376 = tpu.memref_slice %arg7[%add3A_354, %dma_wait3A_375] : memref<327680x128xf32, #tpu.memory_space<hbm>> -> memref<128x128xf32, #tpu.memory_space<hbm>>
      %dma_wait3A_377 = arith.constant 0 : i32
      %dma_wait3A_378 = arith.constant 0 : i32
      %dma_wait3A_379 = tpu.memref_slice %arg13[%dma_wait3A_368, %dma_wait3A_377, %dma_wait3A_378] : memref<2x128x128xf32, #tpu.memory_space<vmem>> -> memref<1x128x128xf32, #tpu.memory_space<vmem>>
      %dma_wait3A_380 = tpu.memref_squeeze %dma_wait3A_379 : memref<1x128x128xf32, #tpu.memory_space<vmem>> -> memref<128x128xf32, #tpu.memory_space<vmem>>
      tpu.wait_dma2 semaphore(%arg18 : memref<!tpu.dma_semaphore, #tpu.memory_space<semaphore_mem>>) src(%dma_wait3A_380 : memref<128x128xf32, #tpu.memory_space<vmem>>) dst(%dma_wait3A_376 : memref<128x128xf32, #tpu.memory_space<hbm>>)
      %dma_start3A_381 = arith.constant 7 : i32
      %dma_start3A_382 = arith.constant 1 : i32
      %dma_start3A_383 = arith.constant 0 : i32
      %dma_start3A_384 = arith.constant 0 : i32
      %dma_start3A_385 = tpu.memref_slice %arg13[%dma_start3A_382, %dma_start3A_383, %dma_start3A_384] : memref<2x128x128xf32, #tpu.memory_space<vmem>> -> memref<1x128x128xf32, #tpu.memory_space<vmem>>
      %dma_start3A_386 = tpu.memref_squeeze %dma_start3A_385 : memref<1x128x128xf32, #tpu.memory_space<vmem>> -> memref<128x128xf32, #tpu.memory_space<vmem>>
      %dma_start3A_387 = arith.constant 0 : i32
      %dma_start3A_388 = tpu.memref_slice %arg12[%dma_start3A_381, %dma_start3A_387] : memref<8x128xi32, #tpu.memory_space<vmem>> -> memref<1x128xi32, #tpu.memory_space<vmem>>
      %dma_start3A_389 = tpu.memref_squeeze %dma_start3A_388 : memref<1x128xi32, #tpu.memory_space<vmem>> -> memref<128xi32, #tpu.memory_space<vmem>>
      %dma_start3A_390 = arith.constant 0 : i32
      %dma_start3A_391 = arith.constant 0 : i32
      %dma_start3A_392 = tpu.memref_slice %arg10[%dma_start3A_390, %dma_start3A_391] : memref<10000x128xf32, #tpu.memory_space<vmem_shared>> -> memref<10000x128xf32, #tpu.memory_space<vmem_shared>>
      tpu.enqueue_indirect_dma source(%dma_start3A_392 : memref<10000x128xf32, #tpu.memory_space<vmem_shared>>) target(%dma_start3A_386 : memref<128x128xf32, #tpu.memory_space<vmem>>) offsets(%dma_start3A_389 : memref<128xi32, #tpu.memory_space<vmem>>) semaphore(%arg16 : memref<!tpu.dma_semaphore, #tpu.memory_space<semaphore_mem>>)
      %dma_wait3A_393 = arith.constant 6 : i32
      %dma_wait3A_394 = arith.constant 0 : i32
      %dma_wait3A_395 = arith.constant 0 : i32
      %dma_wait3A_396 = arith.constant 0 : i32
      %dma_wait3A_397 = tpu.memref_slice %arg13[%dma_wait3A_394, %dma_wait3A_395, %dma_wait3A_396] : memref<2x128x128xf32, #tpu.memory_space<vmem>> -> memref<1x128x128xf32, #tpu.memory_space<vmem>>
      %dma_wait3A_398 = tpu.memref_squeeze %dma_wait3A_397 : memref<1x128x128xf32, #tpu.memory_space<vmem>> -> memref<128x128xf32, #tpu.memory_space<vmem>>
      %dma_wait3A_399 = arith.constant 0 : i32
      %dma_wait3A_400 = tpu.memref_slice %arg12[%dma_wait3A_393, %dma_wait3A_399] : memref<8x128xi32, #tpu.memory_space<vmem>> -> memref<1x128xi32, #tpu.memory_space<vmem>>
      %dma_wait3A_401 = tpu.memref_squeeze %dma_wait3A_400 : memref<1x128xi32, #tpu.memory_space<vmem>> -> memref<128xi32, #tpu.memory_space<vmem>>
      %dma_wait3A_402 = arith.constant 0 : i32
      %dma_wait3A_403 = arith.constant 0 : i32
      %dma_wait3A_404 = tpu.memref_slice %arg10[%dma_wait3A_402, %dma_wait3A_403] : memref<10000x128xf32, #tpu.memory_space<vmem_shared>> -> memref<10000x128xf32, #tpu.memory_space<vmem_shared>>
      tpu.wait_indirect_dma semaphore(%arg15 : memref<!tpu.dma_semaphore, #tpu.memory_space<semaphore_mem>>) src(%dma_wait3A_404 : memref<10000x128xf32, #tpu.memory_space<vmem_shared>>) dst(%dma_wait3A_398 : memref<128x128xf32, #tpu.memory_space<vmem>>)
      %mul3A_405 = arith.constant 1024 : i32
      %mul3A_406 = arith.muli %scan3A_36, %mul3A_405 : i32
      %add3A_407 = arith.addi %mul3A_4, %mul3A_406 : i32
      %add3A_408 = arith.constant 768 : i32
      %add3A_409 = arith.addi %add3A_407, %add3A_408 : i32
      %dma_start3A_410 = arith.constant 0 : i32
      %dma_start3A_411 = arith.constant 0 : i32
      %dma_start3A_412 = arith.constant 0 : i32
      %dma_start3A_413 = tpu.memref_slice %arg13[%dma_start3A_410, %dma_start3A_411, %dma_start3A_412] : memref<2x128x128xf32, #tpu.memory_space<vmem>> -> memref<1x128x128xf32, #tpu.memory_space<vmem>>
      %dma_start3A_414 = tpu.memref_squeeze %dma_start3A_413 : memref<1x128x128xf32, #tpu.memory_space<vmem>> -> memref<128x128xf32, #tpu.memory_space<vmem>>
      %dma_start3A_415 = arith.constant 0 : i32
      %dma_start3A_416 = tpu.memref_slice %arg7[%add3A_409, %dma_start3A_415] : memref<327680x128xf32, #tpu.memory_space<hbm>> -> memref<128x128xf32, #tpu.memory_space<hbm>>
      %dma_start3A_417 = arith.constant 0 : i32
      %dma_start3A_418 = tpu.memref_slice %arg7[%add3A_409, %dma_start3A_417] : memref<327680x128xf32, #tpu.memory_space<hbm>> -> memref<128x128xf32, #tpu.memory_space<hbm>>
      %dma_start3A_419 = arith.constant 0 : i32
      %dma_start3A_420 = arith.constant 0 : i32
      %dma_start3A_421 = tpu.memref_slice %arg13[%dma_start3A_410, %dma_start3A_419, %dma_start3A_420] : memref<2x128x128xf32, #tpu.memory_space<vmem>> -> memref<1x128x128xf32, #tpu.memory_space<vmem>>
      %dma_start3A_422 = tpu.memref_squeeze %dma_start3A_421 : memref<1x128x128xf32, #tpu.memory_space<vmem>> -> memref<128x128xf32, #tpu.memory_space<vmem>>
      tpu.enqueue_dma source(%dma_start3A_422 : memref<128x128xf32, #tpu.memory_space<vmem>>) target(%dma_start3A_418 : memref<128x128xf32, #tpu.memory_space<hbm>>) target_semaphore(%arg17 : memref<!tpu.dma_semaphore, #tpu.memory_space<semaphore_mem>>)
      %dma_wait3A_423 = arith.constant 7 : i32
      %dma_wait3A_424 = arith.constant 1 : i32
      %dma_wait3A_425 = arith.constant 0 : i32
      %dma_wait3A_426 = arith.constant 0 : i32
      %dma_wait3A_427 = tpu.memref_slice %arg13[%dma_wait3A_424, %dma_wait3A_425, %dma_wait3A_426] : memref<2x128x128xf32, #tpu.memory_space<vmem>> -> memref<1x128x128xf32, #tpu.memory_space<vmem>>
      %dma_wait3A_428 = tpu.memref_squeeze %dma_wait3A_427 : memref<1x128x128xf32, #tpu.memory_space<vmem>> -> memref<128x128xf32, #tpu.memory_space<vmem>>
      %dma_wait3A_429 = arith.constant 0 : i32
      %dma_wait3A_430 = tpu.memref_slice %arg12[%dma_wait3A_423, %dma_wait3A_429] : memref<8x128xi32, #tpu.memory_space<vmem>> -> memref<1x128xi32, #tpu.memory_space<vmem>>
      %dma_wait3A_431 = tpu.memref_squeeze %dma_wait3A_430 : memref<1x128xi32, #tpu.memory_space<vmem>> -> memref<128xi32, #tpu.memory_space<vmem>>
      %dma_wait3A_432 = arith.constant 0 : i32
      %dma_wait3A_433 = arith.constant 0 : i32
      %dma_wait3A_434 = tpu.memref_slice %arg10[%dma_wait3A_432, %dma_wait3A_433] : memref<10000x128xf32, #tpu.memory_space<vmem_shared>> -> memref<10000x128xf32, #tpu.memory_space<vmem_shared>>
      tpu.wait_indirect_dma semaphore(%arg16 : memref<!tpu.dma_semaphore, #tpu.memory_space<semaphore_mem>>) src(%dma_wait3A_434 : memref<10000x128xf32, #tpu.memory_space<vmem_shared>>) dst(%dma_wait3A_428 : memref<128x128xf32, #tpu.memory_space<vmem>>)
      %mul3A_435 = arith.constant 1024 : i32
      %mul3A_436 = arith.muli %scan3A_36, %mul3A_435 : i32
      %add3A_437 = arith.addi %mul3A_4, %mul3A_436 : i32
      %add3A_438 = arith.constant 896 : i32
      %add3A_439 = arith.addi %add3A_437, %add3A_438 : i32
      %dma_start3A_440 = arith.constant 1 : i32
      %dma_start3A_441 = arith.constant 0 : i32
      %dma_start3A_442 = arith.constant 0 : i32
      %dma_start3A_443 = tpu.memref_slice %arg13[%dma_start3A_440, %dma_start3A_441, %dma_start3A_442] : memref<2x128x128xf32, #tpu.memory_space<vmem>> -> memref<1x128x128xf32, #tpu.memory_space<vmem>>
      %dma_start3A_444 = tpu.memref_squeeze %dma_start3A_443 : memref<1x128x128xf32, #tpu.memory_space<vmem>> -> memref<128x128xf32, #tpu.memory_space<vmem>>
      %dma_start3A_445 = arith.constant 0 : i32
      %dma_start3A_446 = tpu.memref_slice %arg7[%add3A_439, %dma_start3A_445] : memref<327680x128xf32, #tpu.memory_space<hbm>> -> memref<128x128xf32, #tpu.memory_space<hbm>>
      %dma_start3A_447 = arith.constant 0 : i32
      %dma_start3A_448 = tpu.memref_slice %arg7[%add3A_439, %dma_start3A_447] : memref<327680x128xf32, #tpu.memory_space<hbm>> -> memref<128x128xf32, #tpu.memory_space<hbm>>
      %dma_start3A_449 = arith.constant 0 : i32
      %dma_start3A_450 = arith.constant 0 : i32
      %dma_start3A_451 = tpu.memref_slice %arg13[%dma_start3A_440, %dma_start3A_449, %dma_start3A_450] : memref<2x128x128xf32, #tpu.memory_space<vmem>> -> memref<1x128x128xf32, #tpu.memory_space<vmem>>
      %dma_start3A_452 = tpu.memref_squeeze %dma_start3A_451 : memref<1x128x128xf32, #tpu.memory_space<vmem>> -> memref<128x128xf32, #tpu.memory_space<vmem>>
      tpu.enqueue_dma source(%dma_start3A_452 : memref<128x128xf32, #tpu.memory_space<vmem>>) target(%dma_start3A_448 : memref<128x128xf32, #tpu.memory_space<hbm>>) target_semaphore(%arg18 : memref<!tpu.dma_semaphore, #tpu.memory_space<semaphore_mem>>)
      %dma_wait3A_453 = arith.constant 0 : i32
      %dma_wait3A_454 = arith.constant 0 : i32
      %dma_wait3A_455 = arith.constant 0 : i32
      %dma_wait3A_456 = tpu.memref_slice %arg13[%dma_wait3A_453, %dma_wait3A_454, %dma_wait3A_455] : memref<2x128x128xf32, #tpu.memory_space<vmem>> -> memref<1x128x128xf32, #tpu.memory_space<vmem>>
      %dma_wait3A_457 = tpu.memref_squeeze %dma_wait3A_456 : memref<1x128x128xf32, #tpu.memory_space<vmem>> -> memref<128x128xf32, #tpu.memory_space<vmem>>
      %dma_wait3A_458 = arith.constant 0 : i32
      %dma_wait3A_459 = tpu.memref_slice %arg7[%add3A_409, %dma_wait3A_458] : memref<327680x128xf32, #tpu.memory_space<hbm>> -> memref<128x128xf32, #tpu.memory_space<hbm>>
      %dma_wait3A_460 = arith.constant 0 : i32
      %dma_wait3A_461 = tpu.memref_slice %arg7[%add3A_409, %dma_wait3A_460] : memref<327680x128xf32, #tpu.memory_space<hbm>> -> memref<128x128xf32, #tpu.memory_space<hbm>>
      %dma_wait3A_462 = arith.constant 0 : i32
      %dma_wait3A_463 = arith.constant 0 : i32
      %dma_wait3A_464 = tpu.memref_slice %arg13[%dma_wait3A_453, %dma_wait3A_462, %dma_wait3A_463] : memref<2x128x128xf32, #tpu.memory_space<vmem>> -> memref<1x128x128xf32, #tpu.memory_space<vmem>>
      %dma_wait3A_465 = tpu.memref_squeeze %dma_wait3A_464 : memref<1x128x128xf32, #tpu.memory_space<vmem>> -> memref<128x128xf32, #tpu.memory_space<vmem>>
      tpu.wait_dma2 semaphore(%arg17 : memref<!tpu.dma_semaphore, #tpu.memory_space<semaphore_mem>>) src(%dma_wait3A_465 : memref<128x128xf32, #tpu.memory_space<vmem>>) dst(%dma_wait3A_461 : memref<128x128xf32, #tpu.memory_space<hbm>>)
      %dma_wait3A_466 = arith.constant 1 : i32
      %dma_wait3A_467 = arith.constant 0 : i32
      %dma_wait3A_468 = arith.constant 0 : i32
      %dma_wait3A_469 = tpu.memref_slice %arg13[%dma_wait3A_466, %dma_wait3A_467, %dma_wait3A_468] : memref<2x128x128xf32, #tpu.memory_space<vmem>> -> memref<1x128x128xf32, #tpu.memory_space<vmem>>
      %dma_wait3A_470 = tpu.memref_squeeze %dma_wait3A_469 : memref<1x128x128xf32, #tpu.memory_space<vmem>> -> memref<128x128xf32, #tpu.memory_space<vmem>>
      %dma_wait3A_471 = arith.constant 0 : i32
      %dma_wait3A_472 = tpu.memref_slice %arg7[%add3A_439, %dma_wait3A_471] : memref<327680x128xf32, #tpu.memory_space<hbm>> -> memref<128x128xf32, #tpu.memory_space<hbm>>
      %dma_wait3A_473 = arith.constant 0 : i32
      %dma_wait3A_474 = tpu.memref_slice %arg7[%add3A_439, %dma_wait3A_473] : memref<327680x128xf32, #tpu.memory_space<hbm>> -> memref<128x128xf32, #tpu.memory_space<hbm>>
      %dma_wait3A_475 = arith.constant 0 : i32
      %dma_wait3A_476 = arith.constant 0 : i32
      %dma_wait3A_477 = tpu.memref_slice %arg13[%dma_wait3A_466, %dma_wait3A_475, %dma_wait3A_476] : memref<2x128x128xf32, #tpu.memory_space<vmem>> -> memref<1x128x128xf32, #tpu.memory_space<vmem>>
      %dma_wait3A_478 = tpu.memref_squeeze %dma_wait3A_477 : memref<1x128x128xf32, #tpu.memory_space<vmem>> -> memref<128x128xf32, #tpu.memory_space<vmem>>
      tpu.wait_dma2 semaphore(%arg18 : memref<!tpu.dma_semaphore, #tpu.memory_space<semaphore_mem>>) src(%dma_wait3A_478 : memref<128x128xf32, #tpu.memory_space<vmem>>) dst(%dma_wait3A_474 : memref<128x128xf32, #tpu.memory_space<hbm>>)
      %scan3A_479 = arith.constant 0 : i32
      scf.yield %scan3A_479 : i32
    }
    %scan3A_21 = arith.constant 10 : i32
    %scan3A_22 = arith.constant 0 : i32
    %scan3A_23 = arith.constant 0 : i32
    %scan3A_24 = arith.constant 10 : i32
    %scan3A_25 = arith.addi %scan3A_23, %scan3A_24 : i32
    %scan3A_26 = arith.constant 1 : i32
    %scan3A_27 = scf.for %scan3A_36 = %scan3A_23 to %scan3A_25 step %scan3A_26 iter_args(%scan3A_37 = %scan3A_22) -> (i32)  : i32 {
      %mul3A_38 = arith.constant 8 : i32
      %mul3A_39 = arith.muli %scan3A_36, %mul3A_38 : i32
      %add3A_40 = arith.addi %mul3A_2, %mul3A_39 : i32
      "tpu.region"() ({
        %run_scoped3A = tpu.sem_alloc : memref<!tpu.dma_semaphore, #tpu.memory_space<semaphore_mem>>
        %dma_start3A_480 = arith.constant 0 : i32
        %dma_start3A_481 = tpu.memref_slice %arg4[%add3A_40, %dma_start3A_480] : memref<2560x128xi32, #tpu.memory_space<hbm>> -> memref<8x128xi32, #tpu.memory_space<hbm>>
        %dma_start3A_482 = arith.constant 0 : i32
        %dma_start3A_483 = tpu.memref_slice %arg4[%add3A_40, %dma_start3A_482] : memref<2560x128xi32, #tpu.memory_space<hbm>> -> memref<8x128xi32, #tpu.memory_space<hbm>>
        tpu.enqueue_dma source(%dma_start3A_483 : memref<8x128xi32, #tpu.memory_space<hbm>>) target(%arg12 : memref<8x128xi32, #tpu.memory_space<vmem>>) target_semaphore(%run_scoped3A : memref<!tpu.dma_semaphore, #tpu.memory_space<semaphore_mem>>)
        %dma_wait3A_484 = arith.constant 0 : i32
        %dma_wait3A_485 = tpu.memref_slice %arg4[%add3A_40, %dma_wait3A_484] : memref<2560x128xi32, #tpu.memory_space<hbm>> -> memref<8x128xi32, #tpu.memory_space<hbm>>
        %dma_wait3A_486 = arith.constant 0 : i32
        %dma_wait3A_487 = tpu.memref_slice %arg4[%add3A_40, %dma_wait3A_486] : memref<2560x128xi32, #tpu.memory_space<hbm>> -> memref<8x128xi32, #tpu.memory_space<hbm>>
        tpu.wait_dma2 semaphore(%run_scoped3A : memref<!tpu.dma_semaphore, #tpu.memory_space<semaphore_mem>>) src(%dma_wait3A_487 : memref<8x128xi32, #tpu.memory_space<hbm>>) dst(%arg12 : memref<8x128xi32, #tpu.memory_space<vmem>>)
        tpu.yield
      }) : () -> ()
      %dma_start3A = arith.constant 0 : i32
      %dma_start3A_41 = arith.constant 0 : i32
      %dma_start3A_42 = arith.constant 0 : i32
      %dma_start3A_43 = arith.constant 0 : i32
      %dma_start3A_44 = tpu.memref_slice %arg13[%dma_start3A_41, %dma_start3A_42, %dma_start3A_43] : memref<2x128x128xf32, #tpu.memory_space<vmem>> -> memref<1x128x128xf32, #tpu.memory_space<vmem>>
      %dma_start3A_45 = tpu.memref_squeeze %dma_start3A_44 : memref<1x128x128xf32, #tpu.memory_space<vmem>> -> memref<128x128xf32, #tpu.memory_space<vmem>>
      %dma_start3A_46 = arith.constant 0 : i32
      %dma_start3A_47 = tpu.memref_slice %arg12[%dma_start3A, %dma_start3A_46] : memref<8x128xi32, #tpu.memory_space<vmem>> -> memref<1x128xi32, #tpu.memory_space<vmem>>
      %dma_start3A_48 = tpu.memref_squeeze %dma_start3A_47 : memref<1x128xi32, #tpu.memory_space<vmem>> -> memref<128xi32, #tpu.memory_space<vmem>>
      %dma_start3A_49 = arith.constant 0 : i32
      %dma_start3A_50 = arith.constant 0 : i32
      %dma_start3A_51 = tpu.memref_slice %arg10[%dma_start3A_49, %dma_start3A_50] : memref<10000x128xf32, #tpu.memory_space<vmem_shared>> -> memref<10000x128xf32, #tpu.memory_space<vmem_shared>>
      tpu.enqueue_indirect_dma source(%dma_start3A_51 : memref<10000x128xf32, #tpu.memory_space<vmem_shared>>) target(%dma_start3A_45 : memref<128x128xf32, #tpu.memory_space<vmem>>) offsets(%dma_start3A_48 : memref<128xi32, #tpu.memory_space<vmem>>) semaphore(%arg15 : memref<!tpu.dma_semaphore, #tpu.memory_space<semaphore_mem>>)
      %dma_start3A_52 = arith.constant 1 : i32
      %dma_start3A_53 = arith.constant 1 : i32
      %dma_start3A_54 = arith.constant 0 : i32
      %dma_start3A_55 = arith.constant 0 : i32
      %dma_start3A_56 = tpu.memref_slice %arg13[%dma_start3A_53, %dma_start3A_54, %dma_start3A_55] : memref<2x128x128xf32, #tpu.memory_space<vmem>> -> memref<1x128x128xf32, #tpu.memory_space<vmem>>
      %dma_start3A_57 = tpu.memref_squeeze %dma_start3A_56 : memref<1x128x128xf32, #tpu.memory_space<vmem>> -> memref<128x128xf32, #tpu.memory_space<vmem>>
      %dma_start3A_58 = arith.constant 0 : i32
      %dma_start3A_59 = tpu.memref_slice %arg12[%dma_start3A_52, %dma_start3A_58] : memref<8x128xi32, #tpu.memory_space<vmem>> -> memref<1x128xi32, #tpu.memory_space<vmem>>
      %dma_start3A_60 = tpu.memref_squeeze %dma_start3A_59 : memref<1x128xi32, #tpu.memory_space<vmem>> -> memref<128xi32, #tpu.memory_space<vmem>>
      %dma_start3A_61 = arith.constant 0 : i32
      %dma_start3A_62 = arith.constant 0 : i32
      %dma_start3A_63 = tpu.memref_slice %arg10[%dma_start3A_61, %dma_start3A_62] : memref<10000x128xf32, #tpu.memory_space<vmem_shared>> -> memref<10000x128xf32, #tpu.memory_space<vmem_shared>>
      tpu.enqueue_indirect_dma source(%dma_start3A_63 : memref<10000x128xf32, #tpu.memory_space<vmem_shared>>) target(%dma_start3A_57 : memref<128x128xf32, #tpu.memory_space<vmem>>) offsets(%dma_start3A_60 : memref<128xi32, #tpu.memory_space<vmem>>) semaphore(%arg16 : memref<!tpu.dma_semaphore, #tpu.memory_space<semaphore_mem>>)
      %dma_wait3A = arith.constant 0 : i32
      %dma_wait3A_64 = arith.constant 0 : i32
      %dma_wait3A_65 = arith.constant 0 : i32
      %dma_wait3A_66 = arith.constant 0 : i32
      %dma_wait3A_67 = tpu.memref_slice %arg13[%dma_wait3A_64, %dma_wait3A_65, %dma_wait3A_66] : memref<2x128x128xf32, #tpu.memory_space<vmem>> -> memref<1x128x128xf32, #tpu.memory_space<vmem>>
      %dma_wait3A_68 = tpu.memref_squeeze %dma_wait3A_67 : memref<1x128x128xf32, #tpu.memory_space<vmem>> -> memref<128x128xf32, #tpu.memory_space<vmem>>
      %dma_wait3A_69 = arith.constant 0 : i32
      %dma_wait3A_70 = tpu.memref_slice %arg12[%dma_wait3A, %dma_wait3A_69] : memref<8x128xi32, #tpu.memory_space<vmem>> -> memref<1x128xi32, #tpu.memory_space<vmem>>
      %dma_wait3A_71 = tpu.memref_squeeze %dma_wait3A_70 : memref<1x128xi32, #tpu.memory_space<vmem>> -> memref<128xi32, #tpu.memory_space<vmem>>
      %dma_wait3A_72 = arith.constant 0 : i32
      %dma_wait3A_73 = arith.constant 0 : i32
      %dma_wait3A_74 = tpu.memref_slice %arg10[%dma_wait3A_72, %dma_wait3A_73] : memref<10000x128xf32, #tpu.memory_space<vmem_shared>> -> memref<10000x128xf32, #tpu.memory_space<vmem_shared>>
      tpu.wait_indirect_dma semaphore(%arg15 : memref<!tpu.dma_semaphore, #tpu.memory_space<semaphore_mem>>) src(%dma_wait3A_74 : memref<10000x128xf32, #tpu.memory_space<vmem_shared>>) dst(%dma_wait3A_68 : memref<128x128xf32, #tpu.memory_space<vmem>>)
      %mul3A_75 = arith.constant 1024 : i32
      %mul3A_76 = arith.muli %scan3A_36, %mul3A_75 : i32
      %add3A_77 = arith.addi %mul3A_4, %mul3A_76 : i32
      %add3A_78 = arith.constant 0 : i32
      %add3A_79 = arith.addi %add3A_77, %add3A_78 : i32
      %dma_start3A_80 = arith.constant 0 : i32
      %dma_start3A_81 = arith.constant 0 : i32
      %dma_start3A_82 = arith.constant 0 : i32
      %dma_start3A_83 = tpu.memref_slice %arg13[%dma_start3A_80, %dma_start3A_81, %dma_start3A_82] : memref<2x128x128xf32, #tpu.memory_space<vmem>> -> memref<1x128x128xf32, #tpu.memory_space<vmem>>
      %dma_start3A_84 = tpu.memref_squeeze %dma_start3A_83 : memref<1x128x128xf32, #tpu.memory_space<vmem>> -> memref<128x128xf32, #tpu.memory_space<vmem>>
      %dma_start3A_85 = arith.constant 0 : i32
      %dma_start3A_86 = tpu.memref_slice %arg8[%add3A_79, %dma_start3A_85] : memref<327680x128xf32, #tpu.memory_space<hbm>> -> memref<128x128xf32, #tpu.memory_space<hbm>>
      %dma_start3A_87 = arith.constant 0 : i32
      %dma_start3A_88 = tpu.memref_slice %arg8[%add3A_79, %dma_start3A_87] : memref<327680x128xf32, #tpu.memory_space<hbm>> -> memref<128x128xf32, #tpu.memory_space<hbm>>
      %dma_start3A_89 = arith.constant 0 : i32
      %dma_start3A_90 = arith.constant 0 : i32
      %dma_start3A_91 = tpu.memref_slice %arg13[%dma_start3A_80, %dma_start3A_89, %dma_start3A_90] : memref<2x128x128xf32, #tpu.memory_space<vmem>> -> memref<1x128x128xf32, #tpu.memory_space<vmem>>
      %dma_start3A_92 = tpu.memref_squeeze %dma_start3A_91 : memref<1x128x128xf32, #tpu.memory_space<vmem>> -> memref<128x128xf32, #tpu.memory_space<vmem>>
      tpu.enqueue_dma source(%dma_start3A_92 : memref<128x128xf32, #tpu.memory_space<vmem>>) target(%dma_start3A_88 : memref<128x128xf32, #tpu.memory_space<hbm>>) target_semaphore(%arg17 : memref<!tpu.dma_semaphore, #tpu.memory_space<semaphore_mem>>)
      %dma_wait3A_93 = arith.constant 0 : i32
      %dma_wait3A_94 = arith.constant 0 : i32
      %dma_wait3A_95 = arith.constant 0 : i32
      %dma_wait3A_96 = tpu.memref_slice %arg13[%dma_wait3A_93, %dma_wait3A_94, %dma_wait3A_95] : memref<2x128x128xf32, #tpu.memory_space<vmem>> -> memref<1x128x128xf32, #tpu.memory_space<vmem>>
      %dma_wait3A_97 = tpu.memref_squeeze %dma_wait3A_96 : memref<1x128x128xf32, #tpu.memory_space<vmem>> -> memref<128x128xf32, #tpu.memory_space<vmem>>
      %dma_wait3A_98 = arith.constant 0 : i32
      %dma_wait3A_99 = tpu.memref_slice %arg8[%add3A_79, %dma_wait3A_98] : memref<327680x128xf32, #tpu.memory_space<hbm>> -> memref<128x128xf32, #tpu.memory_space<hbm>>
      %dma_wait3A_100 = arith.constant 0 : i32
      %dma_wait3A_101 = tpu.memref_slice %arg8[%add3A_79, %dma_wait3A_100] : memref<327680x128xf32, #tpu.memory_space<hbm>> -> memref<128x128xf32, #tpu.memory_space<hbm>>
      %dma_wait3A_102 = arith.constant 0 : i32
      %dma_wait3A_103 = arith.constant 0 : i32
      %dma_wait3A_104 = tpu.memref_slice %arg13[%dma_wait3A_93, %dma_wait3A_102, %dma_wait3A_103] : memref<2x128x128xf32, #tpu.memory_space<vmem>> -> memref<1x128x128xf32, #tpu.memory_space<vmem>>
      %dma_wait3A_105 = tpu.memref_squeeze %dma_wait3A_104 : memref<1x128x128xf32, #tpu.memory_space<vmem>> -> memref<128x128xf32, #tpu.memory_space<vmem>>
      tpu.wait_dma2 semaphore(%arg17 : memref<!tpu.dma_semaphore, #tpu.memory_space<semaphore_mem>>) src(%dma_wait3A_105 : memref<128x128xf32, #tpu.memory_space<vmem>>) dst(%dma_wait3A_101 : memref<128x128xf32, #tpu.memory_space<hbm>>)
      %dma_start3A_106 = arith.constant 2 : i32
      %dma_start3A_107 = arith.constant 0 : i32
      %dma_start3A_108 = arith.constant 0 : i32
      %dma_start3A_109 = arith.constant 0 : i32
      %dma_start3A_110 = tpu.memref_slice %arg13[%dma_start3A_107, %dma_start3A_108, %dma_start3A_109] : memref<2x128x128xf32, #tpu.memory_space<vmem>> -> memref<1x128x128xf32, #tpu.memory_space<vmem>>
      %dma_start3A_111 = tpu.memref_squeeze %dma_start3A_110 : memref<1x128x128xf32, #tpu.memory_space<vmem>> -> memref<128x128xf32, #tpu.memory_space<vmem>>
      %dma_start3A_112 = arith.constant 0 : i32
      %dma_start3A_113 = tpu.memref_slice %arg12[%dma_start3A_106, %dma_start3A_112] : memref<8x128xi32, #tpu.memory_space<vmem>> -> memref<1x128xi32, #tpu.memory_space<vmem>>
      %dma_start3A_114 = tpu.memref_squeeze %dma_start3A_113 : memref<1x128xi32, #tpu.memory_space<vmem>> -> memref<128xi32, #tpu.memory_space<vmem>>
      %dma_start3A_115 = arith.constant 0 : i32
      %dma_start3A_116 = arith.constant 0 : i32
      %dma_start3A_117 = tpu.memref_slice %arg10[%dma_start3A_115, %dma_start3A_116] : memref<10000x128xf32, #tpu.memory_space<vmem_shared>> -> memref<10000x128xf32, #tpu.memory_space<vmem_shared>>
      tpu.enqueue_indirect_dma source(%dma_start3A_117 : memref<10000x128xf32, #tpu.memory_space<vmem_shared>>) target(%dma_start3A_111 : memref<128x128xf32, #tpu.memory_space<vmem>>) offsets(%dma_start3A_114 : memref<128xi32, #tpu.memory_space<vmem>>) semaphore(%arg15 : memref<!tpu.dma_semaphore, #tpu.memory_space<semaphore_mem>>)
      %dma_wait3A_118 = arith.constant 1 : i32
      %dma_wait3A_119 = arith.constant 1 : i32
      %dma_wait3A_120 = arith.constant 0 : i32
      %dma_wait3A_121 = arith.constant 0 : i32
      %dma_wait3A_122 = tpu.memref_slice %arg13[%dma_wait3A_119, %dma_wait3A_120, %dma_wait3A_121] : memref<2x128x128xf32, #tpu.memory_space<vmem>> -> memref<1x128x128xf32, #tpu.memory_space<vmem>>
      %dma_wait3A_123 = tpu.memref_squeeze %dma_wait3A_122 : memref<1x128x128xf32, #tpu.memory_space<vmem>> -> memref<128x128xf32, #tpu.memory_space<vmem>>
      %dma_wait3A_124 = arith.constant 0 : i32
      %dma_wait3A_125 = tpu.memref_slice %arg12[%dma_wait3A_118, %dma_wait3A_124] : memref<8x128xi32, #tpu.memory_space<vmem>> -> memref<1x128xi32, #tpu.memory_space<vmem>>
      %dma_wait3A_126 = tpu.memref_squeeze %dma_wait3A_125 : memref<1x128xi32, #tpu.memory_space<vmem>> -> memref<128xi32, #tpu.memory_space<vmem>>
      %dma_wait3A_127 = arith.constant 0 : i32
      %dma_wait3A_128 = arith.constant 0 : i32
      %dma_wait3A_129 = tpu.memref_slice %arg10[%dma_wait3A_127, %dma_wait3A_128] : memref<10000x128xf32, #tpu.memory_space<vmem_shared>> -> memref<10000x128xf32, #tpu.memory_space<vmem_shared>>
      tpu.wait_indirect_dma semaphore(%arg16 : memref<!tpu.dma_semaphore, #tpu.memory_space<semaphore_mem>>) src(%dma_wait3A_129 : memref<10000x128xf32, #tpu.memory_space<vmem_shared>>) dst(%dma_wait3A_123 : memref<128x128xf32, #tpu.memory_space<vmem>>)
      %mul3A_130 = arith.constant 1024 : i32
      %mul3A_131 = arith.muli %scan3A_36, %mul3A_130 : i32
      %add3A_132 = arith.addi %mul3A_4, %mul3A_131 : i32
      %add3A_133 = arith.constant 128 : i32
      %add3A_134 = arith.addi %add3A_132, %add3A_133 : i32
      %dma_start3A_135 = arith.constant 1 : i32
      %dma_start3A_136 = arith.constant 0 : i32
      %dma_start3A_137 = arith.constant 0 : i32
      %dma_start3A_138 = tpu.memref_slice %arg13[%dma_start3A_135, %dma_start3A_136, %dma_start3A_137] : memref<2x128x128xf32, #tpu.memory_space<vmem>> -> memref<1x128x128xf32, #tpu.memory_space<vmem>>
      %dma_start3A_139 = tpu.memref_squeeze %dma_start3A_138 : memref<1x128x128xf32, #tpu.memory_space<vmem>> -> memref<128x128xf32, #tpu.memory_space<vmem>>
      %dma_start3A_140 = arith.constant 0 : i32
      %dma_start3A_141 = tpu.memref_slice %arg8[%add3A_134, %dma_start3A_140] : memref<327680x128xf32, #tpu.memory_space<hbm>> -> memref<128x128xf32, #tpu.memory_space<hbm>>
      %dma_start3A_142 = arith.constant 0 : i32
      %dma_start3A_143 = tpu.memref_slice %arg8[%add3A_134, %dma_start3A_142] : memref<327680x128xf32, #tpu.memory_space<hbm>> -> memref<128x128xf32, #tpu.memory_space<hbm>>
      %dma_start3A_144 = arith.constant 0 : i32
      %dma_start3A_145 = arith.constant 0 : i32
      %dma_start3A_146 = tpu.memref_slice %arg13[%dma_start3A_135, %dma_start3A_144, %dma_start3A_145] : memref<2x128x128xf32, #tpu.memory_space<vmem>> -> memref<1x128x128xf32, #tpu.memory_space<vmem>>
      %dma_start3A_147 = tpu.memref_squeeze %dma_start3A_146 : memref<1x128x128xf32, #tpu.memory_space<vmem>> -> memref<128x128xf32, #tpu.memory_space<vmem>>
      tpu.enqueue_dma source(%dma_start3A_147 : memref<128x128xf32, #tpu.memory_space<vmem>>) target(%dma_start3A_143 : memref<128x128xf32, #tpu.memory_space<hbm>>) target_semaphore(%arg18 : memref<!tpu.dma_semaphore, #tpu.memory_space<semaphore_mem>>)
      %dma_wait3A_148 = arith.constant 1 : i32
      %dma_wait3A_149 = arith.constant 0 : i32
      %dma_wait3A_150 = arith.constant 0 : i32
      %dma_wait3A_151 = tpu.memref_slice %arg13[%dma_wait3A_148, %dma_wait3A_149, %dma_wait3A_150] : memref<2x128x128xf32, #tpu.memory_space<vmem>> -> memref<1x128x128xf32, #tpu.memory_space<vmem>>
      %dma_wait3A_152 = tpu.memref_squeeze %dma_wait3A_151 : memref<1x128x128xf32, #tpu.memory_space<vmem>> -> memref<128x128xf32, #tpu.memory_space<vmem>>
      %dma_wait3A_153 = arith.constant 0 : i32
      %dma_wait3A_154 = tpu.memref_slice %arg8[%add3A_134, %dma_wait3A_153] : memref<327680x128xf32, #tpu.memory_space<hbm>> -> memref<128x128xf32, #tpu.memory_space<hbm>>
      %dma_wait3A_155 = arith.constant 0 : i32
      %dma_wait3A_156 = tpu.memref_slice %arg8[%add3A_134, %dma_wait3A_155] : memref<327680x128xf32, #tpu.memory_space<hbm>> -> memref<128x128xf32, #tpu.memory_space<hbm>>
      %dma_wait3A_157 = arith.constant 0 : i32
      %dma_wait3A_158 = arith.constant 0 : i32
      %dma_wait3A_159 = tpu.memref_slice %arg13[%dma_wait3A_148, %dma_wait3A_157, %dma_wait3A_158] : memref<2x128x128xf32, #tpu.memory_space<vmem>> -> memref<1x128x128xf32, #tpu.memory_space<vmem>>
      %dma_wait3A_160 = tpu.memref_squeeze %dma_wait3A_159 : memref<1x128x128xf32, #tpu.memory_space<vmem>> -> memref<128x128xf32, #tpu.memory_space<vmem>>
      tpu.wait_dma2 semaphore(%arg18 : memref<!tpu.dma_semaphore, #tpu.memory_space<semaphore_mem>>) src(%dma_wait3A_160 : memref<128x128xf32, #tpu.memory_space<vmem>>) dst(%dma_wait3A_156 : memref<128x128xf32, #tpu.memory_space<hbm>>)
      %dma_start3A_161 = arith.constant 3 : i32
      %dma_start3A_162 = arith.constant 1 : i32
      %dma_start3A_163 = arith.constant 0 : i32
      %dma_start3A_164 = arith.constant 0 : i32
      %dma_start3A_165 = tpu.memref_slice %arg13[%dma_start3A_162, %dma_start3A_163, %dma_start3A_164] : memref<2x128x128xf32, #tpu.memory_space<vmem>> -> memref<1x128x128xf32, #tpu.memory_space<vmem>>
      %dma_start3A_166 = tpu.memref_squeeze %dma_start3A_165 : memref<1x128x128xf32, #tpu.memory_space<vmem>> -> memref<128x128xf32, #tpu.memory_space<vmem>>
      %dma_start3A_167 = arith.constant 0 : i32
      %dma_start3A_168 = tpu.memref_slice %arg12[%dma_start3A_161, %dma_start3A_167] : memref<8x128xi32, #tpu.memory_space<vmem>> -> memref<1x128xi32, #tpu.memory_space<vmem>>
      %dma_start3A_169 = tpu.memref_squeeze %dma_start3A_168 : memref<1x128xi32, #tpu.memory_space<vmem>> -> memref<128xi32, #tpu.memory_space<vmem>>
      %dma_start3A_170 = arith.constant 0 : i32
      %dma_start3A_171 = arith.constant 0 : i32
      %dma_start3A_172 = tpu.memref_slice %arg10[%dma_start3A_170, %dma_start3A_171] : memref<10000x128xf32, #tpu.memory_space<vmem_shared>> -> memref<10000x128xf32, #tpu.memory_space<vmem_shared>>
      tpu.enqueue_indirect_dma source(%dma_start3A_172 : memref<10000x128xf32, #tpu.memory_space<vmem_shared>>) target(%dma_start3A_166 : memref<128x128xf32, #tpu.memory_space<vmem>>) offsets(%dma_start3A_169 : memref<128xi32, #tpu.memory_space<vmem>>) semaphore(%arg16 : memref<!tpu.dma_semaphore, #tpu.memory_space<semaphore_mem>>)
      %dma_wait3A_173 = arith.constant 2 : i32
      %dma_wait3A_174 = arith.constant 0 : i32
      %dma_wait3A_175 = arith.constant 0 : i32
      %dma_wait3A_176 = arith.constant 0 : i32
      %dma_wait3A_177 = tpu.memref_slice %arg13[%dma_wait3A_174, %dma_wait3A_175, %dma_wait3A_176] : memref<2x128x128xf32, #tpu.memory_space<vmem>> -> memref<1x128x128xf32, #tpu.memory_space<vmem>>
      %dma_wait3A_178 = tpu.memref_squeeze %dma_wait3A_177 : memref<1x128x128xf32, #tpu.memory_space<vmem>> -> memref<128x128xf32, #tpu.memory_space<vmem>>
      %dma_wait3A_179 = arith.constant 0 : i32
      %dma_wait3A_180 = tpu.memref_slice %arg12[%dma_wait3A_173, %dma_wait3A_179] : memref<8x128xi32, #tpu.memory_space<vmem>> -> memref<1x128xi32, #tpu.memory_space<vmem>>
      %dma_wait3A_181 = tpu.memref_squeeze %dma_wait3A_180 : memref<1x128xi32, #tpu.memory_space<vmem>> -> memref<128xi32, #tpu.memory_space<vmem>>
      %dma_wait3A_182 = arith.constant 0 : i32
      %dma_wait3A_183 = arith.constant 0 : i32
      %dma_wait3A_184 = tpu.memref_slice %arg10[%dma_wait3A_182, %dma_wait3A_183] : memref<10000x128xf32, #tpu.memory_space<vmem_shared>> -> memref<10000x128xf32, #tpu.memory_space<vmem_shared>>
      tpu.wait_indirect_dma semaphore(%arg15 : memref<!tpu.dma_semaphore, #tpu.memory_space<semaphore_mem>>) src(%dma_wait3A_184 : memref<10000x128xf32, #tpu.memory_space<vmem_shared>>) dst(%dma_wait3A_178 : memref<128x128xf32, #tpu.memory_space<vmem>>)
      %mul3A_185 = arith.constant 1024 : i32
      %mul3A_186 = arith.muli %scan3A_36, %mul3A_185 : i32
      %add3A_187 = arith.addi %mul3A_4, %mul3A_186 : i32
      %add3A_188 = arith.constant 256 : i32
      %add3A_189 = arith.addi %add3A_187, %add3A_188 : i32
      %dma_start3A_190 = arith.constant 0 : i32
      %dma_start3A_191 = arith.constant 0 : i32
      %dma_start3A_192 = arith.constant 0 : i32
      %dma_start3A_193 = tpu.memref_slice %arg13[%dma_start3A_190, %dma_start3A_191, %dma_start3A_192] : memref<2x128x128xf32, #tpu.memory_space<vmem>> -> memref<1x128x128xf32, #tpu.memory_space<vmem>>
      %dma_start3A_194 = tpu.memref_squeeze %dma_start3A_193 : memref<1x128x128xf32, #tpu.memory_space<vmem>> -> memref<128x128xf32, #tpu.memory_space<vmem>>
      %dma_start3A_195 = arith.constant 0 : i32
      %dma_start3A_196 = tpu.memref_slice %arg8[%add3A_189, %dma_start3A_195] : memref<327680x128xf32, #tpu.memory_space<hbm>> -> memref<128x128xf32, #tpu.memory_space<hbm>>
      %dma_start3A_197 = arith.constant 0 : i32
      %dma_start3A_198 = tpu.memref_slice %arg8[%add3A_189, %dma_start3A_197] : memref<327680x128xf32, #tpu.memory_space<hbm>> -> memref<128x128xf32, #tpu.memory_space<hbm>>
      %dma_start3A_199 = arith.constant 0 : i32
      %dma_start3A_200 = arith.constant 0 : i32
      %dma_start3A_201 = tpu.memref_slice %arg13[%dma_start3A_190, %dma_start3A_199, %dma_start3A_200] : memref<2x128x128xf32, #tpu.memory_space<vmem>> -> memref<1x128x128xf32, #tpu.memory_space<vmem>>
      %dma_start3A_202 = tpu.memref_squeeze %dma_start3A_201 : memref<1x128x128xf32, #tpu.memory_space<vmem>> -> memref<128x128xf32, #tpu.memory_space<vmem>>
      tpu.enqueue_dma source(%dma_start3A_202 : memref<128x128xf32, #tpu.memory_space<vmem>>) target(%dma_start3A_198 : memref<128x128xf32, #tpu.memory_space<hbm>>) target_semaphore(%arg17 : memref<!tpu.dma_semaphore, #tpu.memory_space<semaphore_mem>>)
      %dma_wait3A_203 = arith.constant 0 : i32
      %dma_wait3A_204 = arith.constant 0 : i32
      %dma_wait3A_205 = arith.constant 0 : i32
      %dma_wait3A_206 = tpu.memref_slice %arg13[%dma_wait3A_203, %dma_wait3A_204, %dma_wait3A_205] : memref<2x128x128xf32, #tpu.memory_space<vmem>> -> memref<1x128x128xf32, #tpu.memory_space<vmem>>
      %dma_wait3A_207 = tpu.memref_squeeze %dma_wait3A_206 : memref<1x128x128xf32, #tpu.memory_space<vmem>> -> memref<128x128xf32, #tpu.memory_space<vmem>>
      %dma_wait3A_208 = arith.constant 0 : i32
      %dma_wait3A_209 = tpu.memref_slice %arg8[%add3A_189, %dma_wait3A_208] : memref<327680x128xf32, #tpu.memory_space<hbm>> -> memref<128x128xf32, #tpu.memory_space<hbm>>
      %dma_wait3A_210 = arith.constant 0 : i32
      %dma_wait3A_211 = tpu.memref_slice %arg8[%add3A_189, %dma_wait3A_210] : memref<327680x128xf32, #tpu.memory_space<hbm>> -> memref<128x128xf32, #tpu.memory_space<hbm>>
      %dma_wait3A_212 = arith.constant 0 : i32
      %dma_wait3A_213 = arith.constant 0 : i32
      %dma_wait3A_214 = tpu.memref_slice %arg13[%dma_wait3A_203, %dma_wait3A_212, %dma_wait3A_213] : memref<2x128x128xf32, #tpu.memory_space<vmem>> -> memref<1x128x128xf32, #tpu.memory_space<vmem>>
      %dma_wait3A_215 = tpu.memref_squeeze %dma_wait3A_214 : memref<1x128x128xf32, #tpu.memory_space<vmem>> -> memref<128x128xf32, #tpu.memory_space<vmem>>
      tpu.wait_dma2 semaphore(%arg17 : memref<!tpu.dma_semaphore, #tpu.memory_space<semaphore_mem>>) src(%dma_wait3A_215 : memref<128x128xf32, #tpu.memory_space<vmem>>) dst(%dma_wait3A_211 : memref<128x128xf32, #tpu.memory_space<hbm>>)
      %dma_start3A_216 = arith.constant 4 : i32
      %dma_start3A_217 = arith.constant 0 : i32
      %dma_start3A_218 = arith.constant 0 : i32
      %dma_start3A_219 = arith.constant 0 : i32
      %dma_start3A_220 = tpu.memref_slice %arg13[%dma_start3A_217, %dma_start3A_218, %dma_start3A_219] : memref<2x128x128xf32, #tpu.memory_space<vmem>> -> memref<1x128x128xf32, #tpu.memory_space<vmem>>
      %dma_start3A_221 = tpu.memref_squeeze %dma_start3A_220 : memref<1x128x128xf32, #tpu.memory_space<vmem>> -> memref<128x128xf32, #tpu.memory_space<vmem>>
      %dma_start3A_222 = arith.constant 0 : i32
      %dma_start3A_223 = tpu.memref_slice %arg12[%dma_start3A_216, %dma_start3A_222] : memref<8x128xi32, #tpu.memory_space<vmem>> -> memref<1x128xi32, #tpu.memory_space<vmem>>
      %dma_start3A_224 = tpu.memref_squeeze %dma_start3A_223 : memref<1x128xi32, #tpu.memory_space<vmem>> -> memref<128xi32, #tpu.memory_space<vmem>>
      %dma_start3A_225 = arith.constant 0 : i32
      %dma_start3A_226 = arith.constant 0 : i32
      %dma_start3A_227 = tpu.memref_slice %arg10[%dma_start3A_225, %dma_start3A_226] : memref<10000x128xf32, #tpu.memory_space<vmem_shared>> -> memref<10000x128xf32, #tpu.memory_space<vmem_shared>>
      tpu.enqueue_indirect_dma source(%dma_start3A_227 : memref<10000x128xf32, #tpu.memory_space<vmem_shared>>) target(%dma_start3A_221 : memref<128x128xf32, #tpu.memory_space<vmem>>) offsets(%dma_start3A_224 : memref<128xi32, #tpu.memory_space<vmem>>) semaphore(%arg15 : memref<!tpu.dma_semaphore, #tpu.memory_space<semaphore_mem>>)
      %dma_wait3A_228 = arith.constant 3 : i32
      %dma_wait3A_229 = arith.constant 1 : i32
      %dma_wait3A_230 = arith.constant 0 : i32
      %dma_wait3A_231 = arith.constant 0 : i32
      %dma_wait3A_232 = tpu.memref_slice %arg13[%dma_wait3A_229, %dma_wait3A_230, %dma_wait3A_231] : memref<2x128x128xf32, #tpu.memory_space<vmem>> -> memref<1x128x128xf32, #tpu.memory_space<vmem>>
      %dma_wait3A_233 = tpu.memref_squeeze %dma_wait3A_232 : memref<1x128x128xf32, #tpu.memory_space<vmem>> -> memref<128x128xf32, #tpu.memory_space<vmem>>
      %dma_wait3A_234 = arith.constant 0 : i32
      %dma_wait3A_235 = tpu.memref_slice %arg12[%dma_wait3A_228, %dma_wait3A_234] : memref<8x128xi32, #tpu.memory_space<vmem>> -> memref<1x128xi32, #tpu.memory_space<vmem>>
      %dma_wait3A_236 = tpu.memref_squeeze %dma_wait3A_235 : memref<1x128xi32, #tpu.memory_space<vmem>> -> memref<128xi32, #tpu.memory_space<vmem>>
      %dma_wait3A_237 = arith.constant 0 : i32
      %dma_wait3A_238 = arith.constant 0 : i32
      %dma_wait3A_239 = tpu.memref_slice %arg10[%dma_wait3A_237, %dma_wait3A_238] : memref<10000x128xf32, #tpu.memory_space<vmem_shared>> -> memref<10000x128xf32, #tpu.memory_space<vmem_shared>>
      tpu.wait_indirect_dma semaphore(%arg16 : memref<!tpu.dma_semaphore, #tpu.memory_space<semaphore_mem>>) src(%dma_wait3A_239 : memref<10000x128xf32, #tpu.memory_space<vmem_shared>>) dst(%dma_wait3A_233 : memref<128x128xf32, #tpu.memory_space<vmem>>)
      %mul3A_240 = arith.constant 1024 : i32
      %mul3A_241 = arith.muli %scan3A_36, %mul3A_240 : i32
      %add3A_242 = arith.addi %mul3A_4, %mul3A_241 : i32
      %add3A_243 = arith.constant 384 : i32
      %add3A_244 = arith.addi %add3A_242, %add3A_243 : i32
      %dma_start3A_245 = arith.constant 1 : i32
      %dma_start3A_246 = arith.constant 0 : i32
      %dma_start3A_247 = arith.constant 0 : i32
      %dma_start3A_248 = tpu.memref_slice %arg13[%dma_start3A_245, %dma_start3A_246, %dma_start3A_247] : memref<2x128x128xf32, #tpu.memory_space<vmem>> -> memref<1x128x128xf32, #tpu.memory_space<vmem>>
      %dma_start3A_249 = tpu.memref_squeeze %dma_start3A_248 : memref<1x128x128xf32, #tpu.memory_space<vmem>> -> memref<128x128xf32, #tpu.memory_space<vmem>>
      %dma_start3A_250 = arith.constant 0 : i32
      %dma_start3A_251 = tpu.memref_slice %arg8[%add3A_244, %dma_start3A_250] : memref<327680x128xf32, #tpu.memory_space<hbm>> -> memref<128x128xf32, #tpu.memory_space<hbm>>
      %dma_start3A_252 = arith.constant 0 : i32
      %dma_start3A_253 = tpu.memref_slice %arg8[%add3A_244, %dma_start3A_252] : memref<327680x128xf32, #tpu.memory_space<hbm>> -> memref<128x128xf32, #tpu.memory_space<hbm>>
      %dma_start3A_254 = arith.constant 0 : i32
      %dma_start3A_255 = arith.constant 0 : i32
      %dma_start3A_256 = tpu.memref_slice %arg13[%dma_start3A_245, %dma_start3A_254, %dma_start3A_255] : memref<2x128x128xf32, #tpu.memory_space<vmem>> -> memref<1x128x128xf32, #tpu.memory_space<vmem>>
      %dma_start3A_257 = tpu.memref_squeeze %dma_start3A_256 : memref<1x128x128xf32, #tpu.memory_space<vmem>> -> memref<128x128xf32, #tpu.memory_space<vmem>>
      tpu.enqueue_dma source(%dma_start3A_257 : memref<128x128xf32, #tpu.memory_space<vmem>>) target(%dma_start3A_253 : memref<128x128xf32, #tpu.memory_space<hbm>>) target_semaphore(%arg18 : memref<!tpu.dma_semaphore, #tpu.memory_space<semaphore_mem>>)
      %dma_wait3A_258 = arith.constant 1 : i32
      %dma_wait3A_259 = arith.constant 0 : i32
      %dma_wait3A_260 = arith.constant 0 : i32
      %dma_wait3A_261 = tpu.memref_slice %arg13[%dma_wait3A_258, %dma_wait3A_259, %dma_wait3A_260] : memref<2x128x128xf32, #tpu.memory_space<vmem>> -> memref<1x128x128xf32, #tpu.memory_space<vmem>>
      %dma_wait3A_262 = tpu.memref_squeeze %dma_wait3A_261 : memref<1x128x128xf32, #tpu.memory_space<vmem>> -> memref<128x128xf32, #tpu.memory_space<vmem>>
      %dma_wait3A_263 = arith.constant 0 : i32
      %dma_wait3A_264 = tpu.memref_slice %arg8[%add3A_244, %dma_wait3A_263] : memref<327680x128xf32, #tpu.memory_space<hbm>> -> memref<128x128xf32, #tpu.memory_space<hbm>>
      %dma_wait3A_265 = arith.constant 0 : i32
      %dma_wait3A_266 = tpu.memref_slice %arg8[%add3A_244, %dma_wait3A_265] : memref<327680x128xf32, #tpu.memory_space<hbm>> -> memref<128x128xf32, #tpu.memory_space<hbm>>
      %dma_wait3A_267 = arith.constant 0 : i32
      %dma_wait3A_268 = arith.constant 0 : i32
      %dma_wait3A_269 = tpu.memref_slice %arg13[%dma_wait3A_258, %dma_wait3A_267, %dma_wait3A_268] : memref<2x128x128xf32, #tpu.memory_space<vmem>> -> memref<1x128x128xf32, #tpu.memory_space<vmem>>
      %dma_wait3A_270 = tpu.memref_squeeze %dma_wait3A_269 : memref<1x128x128xf32, #tpu.memory_space<vmem>> -> memref<128x128xf32, #tpu.memory_space<vmem>>
      tpu.wait_dma2 semaphore(%arg18 : memref<!tpu.dma_semaphore, #tpu.memory_space<semaphore_mem>>) src(%dma_wait3A_270 : memref<128x128xf32, #tpu.memory_space<vmem>>) dst(%dma_wait3A_266 : memref<128x128xf32, #tpu.memory_space<hbm>>)
      %dma_start3A_271 = arith.constant 5 : i32
      %dma_start3A_272 = arith.constant 1 : i32
      %dma_start3A_273 = arith.constant 0 : i32
      %dma_start3A_274 = arith.constant 0 : i32
      %dma_start3A_275 = tpu.memref_slice %arg13[%dma_start3A_272, %dma_start3A_273, %dma_start3A_274] : memref<2x128x128xf32, #tpu.memory_space<vmem>> -> memref<1x128x128xf32, #tpu.memory_space<vmem>>
      %dma_start3A_276 = tpu.memref_squeeze %dma_start3A_275 : memref<1x128x128xf32, #tpu.memory_space<vmem>> -> memref<128x128xf32, #tpu.memory_space<vmem>>
      %dma_start3A_277 = arith.constant 0 : i32
      %dma_start3A_278 = tpu.memref_slice %arg12[%dma_start3A_271, %dma_start3A_277] : memref<8x128xi32, #tpu.memory_space<vmem>> -> memref<1x128xi32, #tpu.memory_space<vmem>>
      %dma_start3A_279 = tpu.memref_squeeze %dma_start3A_278 : memref<1x128xi32, #tpu.memory_space<vmem>> -> memref<128xi32, #tpu.memory_space<vmem>>
      %dma_start3A_280 = arith.constant 0 : i32
      %dma_start3A_281 = arith.constant 0 : i32
      %dma_start3A_282 = tpu.memref_slice %arg10[%dma_start3A_280, %dma_start3A_281] : memref<10000x128xf32, #tpu.memory_space<vmem_shared>> -> memref<10000x128xf32, #tpu.memory_space<vmem_shared>>
      tpu.enqueue_indirect_dma source(%dma_start3A_282 : memref<10000x128xf32, #tpu.memory_space<vmem_shared>>) target(%dma_start3A_276 : memref<128x128xf32, #tpu.memory_space<vmem>>) offsets(%dma_start3A_279 : memref<128xi32, #tpu.memory_space<vmem>>) semaphore(%arg16 : memref<!tpu.dma_semaphore, #tpu.memory_space<semaphore_mem>>)
      %dma_wait3A_283 = arith.constant 4 : i32
      %dma_wait3A_284 = arith.constant 0 : i32
      %dma_wait3A_285 = arith.constant 0 : i32
      %dma_wait3A_286 = arith.constant 0 : i32
      %dma_wait3A_287 = tpu.memref_slice %arg13[%dma_wait3A_284, %dma_wait3A_285, %dma_wait3A_286] : memref<2x128x128xf32, #tpu.memory_space<vmem>> -> memref<1x128x128xf32, #tpu.memory_space<vmem>>
      %dma_wait3A_288 = tpu.memref_squeeze %dma_wait3A_287 : memref<1x128x128xf32, #tpu.memory_space<vmem>> -> memref<128x128xf32, #tpu.memory_space<vmem>>
      %dma_wait3A_289 = arith.constant 0 : i32
      %dma_wait3A_290 = tpu.memref_slice %arg12[%dma_wait3A_283, %dma_wait3A_289] : memref<8x128xi32, #tpu.memory_space<vmem>> -> memref<1x128xi32, #tpu.memory_space<vmem>>
      %dma_wait3A_291 = tpu.memref_squeeze %dma_wait3A_290 : memref<1x128xi32, #tpu.memory_space<vmem>> -> memref<128xi32, #tpu.memory_space<vmem>>
      %dma_wait3A_292 = arith.constant 0 : i32
      %dma_wait3A_293 = arith.constant 0 : i32
      %dma_wait3A_294 = tpu.memref_slice %arg10[%dma_wait3A_292, %dma_wait3A_293] : memref<10000x128xf32, #tpu.memory_space<vmem_shared>> -> memref<10000x128xf32, #tpu.memory_space<vmem_shared>>
      tpu.wait_indirect_dma semaphore(%arg15 : memref<!tpu.dma_semaphore, #tpu.memory_space<semaphore_mem>>) src(%dma_wait3A_294 : memref<10000x128xf32, #tpu.memory_space<vmem_shared>>) dst(%dma_wait3A_288 : memref<128x128xf32, #tpu.memory_space<vmem>>)
      %mul3A_295 = arith.constant 1024 : i32
      %mul3A_296 = arith.muli %scan3A_36, %mul3A_295 : i32
      %add3A_297 = arith.addi %mul3A_4, %mul3A_296 : i32
      %add3A_298 = arith.constant 512 : i32
      %add3A_299 = arith.addi %add3A_297, %add3A_298 : i32
      %dma_start3A_300 = arith.constant 0 : i32
      %dma_start3A_301 = arith.constant 0 : i32
      %dma_start3A_302 = arith.constant 0 : i32
      %dma_start3A_303 = tpu.memref_slice %arg13[%dma_start3A_300, %dma_start3A_301, %dma_start3A_302] : memref<2x128x128xf32, #tpu.memory_space<vmem>> -> memref<1x128x128xf32, #tpu.memory_space<vmem>>
      %dma_start3A_304 = tpu.memref_squeeze %dma_start3A_303 : memref<1x128x128xf32, #tpu.memory_space<vmem>> -> memref<128x128xf32, #tpu.memory_space<vmem>>
      %dma_start3A_305 = arith.constant 0 : i32
      %dma_start3A_306 = tpu.memref_slice %arg8[%add3A_299, %dma_start3A_305] : memref<327680x128xf32, #tpu.memory_space<hbm>> -> memref<128x128xf32, #tpu.memory_space<hbm>>
      %dma_start3A_307 = arith.constant 0 : i32
      %dma_start3A_308 = tpu.memref_slice %arg8[%add3A_299, %dma_start3A_307] : memref<327680x128xf32, #tpu.memory_space<hbm>> -> memref<128x128xf32, #tpu.memory_space<hbm>>
      %dma_start3A_309 = arith.constant 0 : i32
      %dma_start3A_310 = arith.constant 0 : i32
      %dma_start3A_311 = tpu.memref_slice %arg13[%dma_start3A_300, %dma_start3A_309, %dma_start3A_310] : memref<2x128x128xf32, #tpu.memory_space<vmem>> -> memref<1x128x128xf32, #tpu.memory_space<vmem>>
      %dma_start3A_312 = tpu.memref_squeeze %dma_start3A_311 : memref<1x128x128xf32, #tpu.memory_space<vmem>> -> memref<128x128xf32, #tpu.memory_space<vmem>>
      tpu.enqueue_dma source(%dma_start3A_312 : memref<128x128xf32, #tpu.memory_space<vmem>>) target(%dma_start3A_308 : memref<128x128xf32, #tpu.memory_space<hbm>>) target_semaphore(%arg17 : memref<!tpu.dma_semaphore, #tpu.memory_space<semaphore_mem>>)
      %dma_wait3A_313 = arith.constant 0 : i32
      %dma_wait3A_314 = arith.constant 0 : i32
      %dma_wait3A_315 = arith.constant 0 : i32
      %dma_wait3A_316 = tpu.memref_slice %arg13[%dma_wait3A_313, %dma_wait3A_314, %dma_wait3A_315] : memref<2x128x128xf32, #tpu.memory_space<vmem>> -> memref<1x128x128xf32, #tpu.memory_space<vmem>>
      %dma_wait3A_317 = tpu.memref_squeeze %dma_wait3A_316 : memref<1x128x128xf32, #tpu.memory_space<vmem>> -> memref<128x128xf32, #tpu.memory_space<vmem>>
      %dma_wait3A_318 = arith.constant 0 : i32
      %dma_wait3A_319 = tpu.memref_slice %arg8[%add3A_299, %dma_wait3A_318] : memref<327680x128xf32, #tpu.memory_space<hbm>> -> memref<128x128xf32, #tpu.memory_space<hbm>>
      %dma_wait3A_320 = arith.constant 0 : i32
      %dma_wait3A_321 = tpu.memref_slice %arg8[%add3A_299, %dma_wait3A_320] : memref<327680x128xf32, #tpu.memory_space<hbm>> -> memref<128x128xf32, #tpu.memory_space<hbm>>
      %dma_wait3A_322 = arith.constant 0 : i32
      %dma_wait3A_323 = arith.constant 0 : i32
      %dma_wait3A_324 = tpu.memref_slice %arg13[%dma_wait3A_313, %dma_wait3A_322, %dma_wait3A_323] : memref<2x128x128xf32, #tpu.memory_space<vmem>> -> memref<1x128x128xf32, #tpu.memory_space<vmem>>
      %dma_wait3A_325 = tpu.memref_squeeze %dma_wait3A_324 : memref<1x128x128xf32, #tpu.memory_space<vmem>> -> memref<128x128xf32, #tpu.memory_space<vmem>>
      tpu.wait_dma2 semaphore(%arg17 : memref<!tpu.dma_semaphore, #tpu.memory_space<semaphore_mem>>) src(%dma_wait3A_325 : memref<128x128xf32, #tpu.memory_space<vmem>>) dst(%dma_wait3A_321 : memref<128x128xf32, #tpu.memory_space<hbm>>)
      %dma_start3A_326 = arith.constant 6 : i32
      %dma_start3A_327 = arith.constant 0 : i32
      %dma_start3A_328 = arith.constant 0 : i32
      %dma_start3A_329 = arith.constant 0 : i32
      %dma_start3A_330 = tpu.memref_slice %arg13[%dma_start3A_327, %dma_start3A_328, %dma_start3A_329] : memref<2x128x128xf32, #tpu.memory_space<vmem>> -> memref<1x128x128xf32, #tpu.memory_space<vmem>>
      %dma_start3A_331 = tpu.memref_squeeze %dma_start3A_330 : memref<1x128x128xf32, #tpu.memory_space<vmem>> -> memref<128x128xf32, #tpu.memory_space<vmem>>
      %dma_start3A_332 = arith.constant 0 : i32
      %dma_start3A_333 = tpu.memref_slice %arg12[%dma_start3A_326, %dma_start3A_332] : memref<8x128xi32, #tpu.memory_space<vmem>> -> memref<1x128xi32, #tpu.memory_space<vmem>>
      %dma_start3A_334 = tpu.memref_squeeze %dma_start3A_333 : memref<1x128xi32, #tpu.memory_space<vmem>> -> memref<128xi32, #tpu.memory_space<vmem>>
      %dma_start3A_335 = arith.constant 0 : i32
      %dma_start3A_336 = arith.constant 0 : i32
      %dma_start3A_337 = tpu.memref_slice %arg10[%dma_start3A_335, %dma_start3A_336] : memref<10000x128xf32, #tpu.memory_space<vmem_shared>> -> memref<10000x128xf32, #tpu.memory_space<vmem_shared>>
      tpu.enqueue_indirect_dma source(%dma_start3A_337 : memref<10000x128xf32, #tpu.memory_space<vmem_shared>>) target(%dma_start3A_331 : memref<128x128xf32, #tpu.memory_space<vmem>>) offsets(%dma_start3A_334 : memref<128xi32, #tpu.memory_space<vmem>>) semaphore(%arg15 : memref<!tpu.dma_semaphore, #tpu.memory_space<semaphore_mem>>)
      %dma_wait3A_338 = arith.constant 5 : i32
      %dma_wait3A_339 = arith.constant 1 : i32
      %dma_wait3A_340 = arith.constant 0 : i32
      %dma_wait3A_341 = arith.constant 0 : i32
      %dma_wait3A_342 = tpu.memref_slice %arg13[%dma_wait3A_339, %dma_wait3A_340, %dma_wait3A_341] : memref<2x128x128xf32, #tpu.memory_space<vmem>> -> memref<1x128x128xf32, #tpu.memory_space<vmem>>
      %dma_wait3A_343 = tpu.memref_squeeze %dma_wait3A_342 : memref<1x128x128xf32, #tpu.memory_space<vmem>> -> memref<128x128xf32, #tpu.memory_space<vmem>>
      %dma_wait3A_344 = arith.constant 0 : i32
      %dma_wait3A_345 = tpu.memref_slice %arg12[%dma_wait3A_338, %dma_wait3A_344] : memref<8x128xi32, #tpu.memory_space<vmem>> -> memref<1x128xi32, #tpu.memory_space<vmem>>
      %dma_wait3A_346 = tpu.memref_squeeze %dma_wait3A_345 : memref<1x128xi32, #tpu.memory_space<vmem>> -> memref<128xi32, #tpu.memory_space<vmem>>
      %dma_wait3A_347 = arith.constant 0 : i32
      %dma_wait3A_348 = arith.constant 0 : i32
      %dma_wait3A_349 = tpu.memref_slice %arg10[%dma_wait3A_347, %dma_wait3A_348] : memref<10000x128xf32, #tpu.memory_space<vmem_shared>> -> memref<10000x128xf32, #tpu.memory_space<vmem_shared>>
      tpu.wait_indirect_dma semaphore(%arg16 : memref<!tpu.dma_semaphore, #tpu.memory_space<semaphore_mem>>) src(%dma_wait3A_349 : memref<10000x128xf32, #tpu.memory_space<vmem_shared>>) dst(%dma_wait3A_343 : memref<128x128xf32, #tpu.memory_space<vmem>>)
      %mul3A_350 = arith.constant 1024 : i32
      %mul3A_351 = arith.muli %scan3A_36, %mul3A_350 : i32
      %add3A_352 = arith.addi %mul3A_4, %mul3A_351 : i32
      %add3A_353 = arith.constant 640 : i32
      %add3A_354 = arith.addi %add3A_352, %add3A_353 : i32
      %dma_start3A_355 = arith.constant 1 : i32
      %dma_start3A_356 = arith.constant 0 : i32
      %dma_start3A_357 = arith.constant 0 : i32
      %dma_start3A_358 = tpu.memref_slice %arg13[%dma_start3A_355, %dma_start3A_356, %dma_start3A_357] : memref<2x128x128xf32, #tpu.memory_space<vmem>> -> memref<1x128x128xf32, #tpu.memory_space<vmem>>
      %dma_start3A_359 = tpu.memref_squeeze %dma_start3A_358 : memref<1x128x128xf32, #tpu.memory_space<vmem>> -> memref<128x128xf32, #tpu.memory_space<vmem>>
      %dma_start3A_360 = arith.constant 0 : i32
      %dma_start3A_361 = tpu.memref_slice %arg8[%add3A_354, %dma_start3A_360] : memref<327680x128xf32, #tpu.memory_space<hbm>> -> memref<128x128xf32, #tpu.memory_space<hbm>>
      %dma_start3A_362 = arith.constant 0 : i32
      %dma_start3A_363 = tpu.memref_slice %arg8[%add3A_354, %dma_start3A_362] : memref<327680x128xf32, #tpu.memory_space<hbm>> -> memref<128x128xf32, #tpu.memory_space<hbm>>
      %dma_start3A_364 = arith.constant 0 : i32
      %dma_start3A_365 = arith.constant 0 : i32
      %dma_start3A_366 = tpu.memref_slice %arg13[%dma_start3A_355, %dma_start3A_364, %dma_start3A_365] : memref<2x128x128xf32, #tpu.memory_space<vmem>> -> memref<1x128x128xf32, #tpu.memory_space<vmem>>
      %dma_start3A_367 = tpu.memref_squeeze %dma_start3A_366 : memref<1x128x128xf32, #tpu.memory_space<vmem>> -> memref<128x128xf32, #tpu.memory_space<vmem>>
      tpu.enqueue_dma source(%dma_start3A_367 : memref<128x128xf32, #tpu.memory_space<vmem>>) target(%dma_start3A_363 : memref<128x128xf32, #tpu.memory_space<hbm>>) target_semaphore(%arg18 : memref<!tpu.dma_semaphore, #tpu.memory_space<semaphore_mem>>)
      %dma_wait3A_368 = arith.constant 1 : i32
      %dma_wait3A_369 = arith.constant 0 : i32
      %dma_wait3A_370 = arith.constant 0 : i32
      %dma_wait3A_371 = tpu.memref_slice %arg13[%dma_wait3A_368, %dma_wait3A_369, %dma_wait3A_370] : memref<2x128x128xf32, #tpu.memory_space<vmem>> -> memref<1x128x128xf32, #tpu.memory_space<vmem>>
      %dma_wait3A_372 = tpu.memref_squeeze %dma_wait3A_371 : memref<1x128x128xf32, #tpu.memory_space<vmem>> -> memref<128x128xf32, #tpu.memory_space<vmem>>
      %dma_wait3A_373 = arith.constant 0 : i32
      %dma_wait3A_374 = tpu.memref_slice %arg8[%add3A_354, %dma_wait3A_373] : memref<327680x128xf32, #tpu.memory_space<hbm>> -> memref<128x128xf32, #tpu.memory_space<hbm>>
      %dma_wait3A_375 = arith.constant 0 : i32
      %dma_wait3A_376 = tpu.memref_slice %arg8[%add3A_354, %dma_wait3A_375] : memref<327680x128xf32, #tpu.memory_space<hbm>> -> memref<128x128xf32, #tpu.memory_space<hbm>>
      %dma_wait3A_377 = arith.constant 0 : i32
      %dma_wait3A_378 = arith.constant 0 : i32
      %dma_wait3A_379 = tpu.memref_slice %arg13[%dma_wait3A_368, %dma_wait3A_377, %dma_wait3A_378] : memref<2x128x128xf32, #tpu.memory_space<vmem>> -> memref<1x128x128xf32, #tpu.memory_space<vmem>>
      %dma_wait3A_380 = tpu.memref_squeeze %dma_wait3A_379 : memref<1x128x128xf32, #tpu.memory_space<vmem>> -> memref<128x128xf32, #tpu.memory_space<vmem>>
      tpu.wait_dma2 semaphore(%arg18 : memref<!tpu.dma_semaphore, #tpu.memory_space<semaphore_mem>>) src(%dma_wait3A_380 : memref<128x128xf32, #tpu.memory_space<vmem>>) dst(%dma_wait3A_376 : memref<128x128xf32, #tpu.memory_space<hbm>>)
      %dma_start3A_381 = arith.constant 7 : i32
      %dma_start3A_382 = arith.constant 1 : i32
      %dma_start3A_383 = arith.constant 0 : i32
      %dma_start3A_384 = arith.constant 0 : i32
      %dma_start3A_385 = tpu.memref_slice %arg13[%dma_start3A_382, %dma_start3A_383, %dma_start3A_384] : memref<2x128x128xf32, #tpu.memory_space<vmem>> -> memref<1x128x128xf32, #tpu.memory_space<vmem>>
      %dma_start3A_386 = tpu.memref_squeeze %dma_start3A_385 : memref<1x128x128xf32, #tpu.memory_space<vmem>> -> memref<128x128xf32, #tpu.memory_space<vmem>>
      %dma_start3A_387 = arith.constant 0 : i32
      %dma_start3A_388 = tpu.memref_slice %arg12[%dma_start3A_381, %dma_start3A_387] : memref<8x128xi32, #tpu.memory_space<vmem>> -> memref<1x128xi32, #tpu.memory_space<vmem>>
      %dma_start3A_389 = tpu.memref_squeeze %dma_start3A_388 : memref<1x128xi32, #tpu.memory_space<vmem>> -> memref<128xi32, #tpu.memory_space<vmem>>
      %dma_start3A_390 = arith.constant 0 : i32
      %dma_start3A_391 = arith.constant 0 : i32
      %dma_start3A_392 = tpu.memref_slice %arg10[%dma_start3A_390, %dma_start3A_391] : memref<10000x128xf32, #tpu.memory_space<vmem_shared>> -> memref<10000x128xf32, #tpu.memory_space<vmem_shared>>
      tpu.enqueue_indirect_dma source(%dma_start3A_392 : memref<10000x128xf32, #tpu.memory_space<vmem_shared>>) target(%dma_start3A_386 : memref<128x128xf32, #tpu.memory_space<vmem>>) offsets(%dma_start3A_389 : memref<128xi32, #tpu.memory_space<vmem>>) semaphore(%arg16 : memref<!tpu.dma_semaphore, #tpu.memory_space<semaphore_mem>>)
      %dma_wait3A_393 = arith.constant 6 : i32
      %dma_wait3A_394 = arith.constant 0 : i32
      %dma_wait3A_395 = arith.constant 0 : i32
      %dma_wait3A_396 = arith.constant 0 : i32
      %dma_wait3A_397 = tpu.memref_slice %arg13[%dma_wait3A_394, %dma_wait3A_395, %dma_wait3A_396] : memref<2x128x128xf32, #tpu.memory_space<vmem>> -> memref<1x128x128xf32, #tpu.memory_space<vmem>>
      %dma_wait3A_398 = tpu.memref_squeeze %dma_wait3A_397 : memref<1x128x128xf32, #tpu.memory_space<vmem>> -> memref<128x128xf32, #tpu.memory_space<vmem>>
      %dma_wait3A_399 = arith.constant 0 : i32
      %dma_wait3A_400 = tpu.memref_slice %arg12[%dma_wait3A_393, %dma_wait3A_399] : memref<8x128xi32, #tpu.memory_space<vmem>> -> memref<1x128xi32, #tpu.memory_space<vmem>>
      %dma_wait3A_401 = tpu.memref_squeeze %dma_wait3A_400 : memref<1x128xi32, #tpu.memory_space<vmem>> -> memref<128xi32, #tpu.memory_space<vmem>>
      %dma_wait3A_402 = arith.constant 0 : i32
      %dma_wait3A_403 = arith.constant 0 : i32
      %dma_wait3A_404 = tpu.memref_slice %arg10[%dma_wait3A_402, %dma_wait3A_403] : memref<10000x128xf32, #tpu.memory_space<vmem_shared>> -> memref<10000x128xf32, #tpu.memory_space<vmem_shared>>
      tpu.wait_indirect_dma semaphore(%arg15 : memref<!tpu.dma_semaphore, #tpu.memory_space<semaphore_mem>>) src(%dma_wait3A_404 : memref<10000x128xf32, #tpu.memory_space<vmem_shared>>) dst(%dma_wait3A_398 : memref<128x128xf32, #tpu.memory_space<vmem>>)
      %mul3A_405 = arith.constant 1024 : i32
      %mul3A_406 = arith.muli %scan3A_36, %mul3A_405 : i32
      %add3A_407 = arith.addi %mul3A_4, %mul3A_406 : i32
      %add3A_408 = arith.constant 768 : i32
      %add3A_409 = arith.addi %add3A_407, %add3A_408 : i32
      %dma_start3A_410 = arith.constant 0 : i32
      %dma_start3A_411 = arith.constant 0 : i32
      %dma_start3A_412 = arith.constant 0 : i32
      %dma_start3A_413 = tpu.memref_slice %arg13[%dma_start3A_410, %dma_start3A_411, %dma_start3A_412] : memref<2x128x128xf32, #tpu.memory_space<vmem>> -> memref<1x128x128xf32, #tpu.memory_space<vmem>>
      %dma_start3A_414 = tpu.memref_squeeze %dma_start3A_413 : memref<1x128x128xf32, #tpu.memory_space<vmem>> -> memref<128x128xf32, #tpu.memory_space<vmem>>
      %dma_start3A_415 = arith.constant 0 : i32
      %dma_start3A_416 = tpu.memref_slice %arg8[%add3A_409, %dma_start3A_415] : memref<327680x128xf32, #tpu.memory_space<hbm>> -> memref<128x128xf32, #tpu.memory_space<hbm>>
      %dma_start3A_417 = arith.constant 0 : i32
      %dma_start3A_418 = tpu.memref_slice %arg8[%add3A_409, %dma_start3A_417] : memref<327680x128xf32, #tpu.memory_space<hbm>> -> memref<128x128xf32, #tpu.memory_space<hbm>>
      %dma_start3A_419 = arith.constant 0 : i32
      %dma_start3A_420 = arith.constant 0 : i32
      %dma_start3A_421 = tpu.memref_slice %arg13[%dma_start3A_410, %dma_start3A_419, %dma_start3A_420] : memref<2x128x128xf32, #tpu.memory_space<vmem>> -> memref<1x128x128xf32, #tpu.memory_space<vmem>>
      %dma_start3A_422 = tpu.memref_squeeze %dma_start3A_421 : memref<1x128x128xf32, #tpu.memory_space<vmem>> -> memref<128x128xf32, #tpu.memory_space<vmem>>
      tpu.enqueue_dma source(%dma_start3A_422 : memref<128x128xf32, #tpu.memory_space<vmem>>) target(%dma_start3A_418 : memref<128x128xf32, #tpu.memory_space<hbm>>) target_semaphore(%arg17 : memref<!tpu.dma_semaphore, #tpu.memory_space<semaphore_mem>>)
      %dma_wait3A_423 = arith.constant 7 : i32
      %dma_wait3A_424 = arith.constant 1 : i32
      %dma_wait3A_425 = arith.constant 0 : i32
      %dma_wait3A_426 = arith.constant 0 : i32
      %dma_wait3A_427 = tpu.memref_slice %arg13[%dma_wait3A_424, %dma_wait3A_425, %dma_wait3A_426] : memref<2x128x128xf32, #tpu.memory_space<vmem>> -> memref<1x128x128xf32, #tpu.memory_space<vmem>>
      %dma_wait3A_428 = tpu.memref_squeeze %dma_wait3A_427 : memref<1x128x128xf32, #tpu.memory_space<vmem>> -> memref<128x128xf32, #tpu.memory_space<vmem>>
      %dma_wait3A_429 = arith.constant 0 : i32
      %dma_wait3A_430 = tpu.memref_slice %arg12[%dma_wait3A_423, %dma_wait3A_429] : memref<8x128xi32, #tpu.memory_space<vmem>> -> memref<1x128xi32, #tpu.memory_space<vmem>>
      %dma_wait3A_431 = tpu.memref_squeeze %dma_wait3A_430 : memref<1x128xi32, #tpu.memory_space<vmem>> -> memref<128xi32, #tpu.memory_space<vmem>>
      %dma_wait3A_432 = arith.constant 0 : i32
      %dma_wait3A_433 = arith.constant 0 : i32
      %dma_wait3A_434 = tpu.memref_slice %arg10[%dma_wait3A_432, %dma_wait3A_433] : memref<10000x128xf32, #tpu.memory_space<vmem_shared>> -> memref<10000x128xf32, #tpu.memory_space<vmem_shared>>
      tpu.wait_indirect_dma semaphore(%arg16 : memref<!tpu.dma_semaphore, #tpu.memory_space<semaphore_mem>>) src(%dma_wait3A_434 : memref<10000x128xf32, #tpu.memory_space<vmem_shared>>) dst(%dma_wait3A_428 : memref<128x128xf32, #tpu.memory_space<vmem>>)
      %mul3A_435 = arith.constant 1024 : i32
      %mul3A_436 = arith.muli %scan3A_36, %mul3A_435 : i32
      %add3A_437 = arith.addi %mul3A_4, %mul3A_436 : i32
      %add3A_438 = arith.constant 896 : i32
      %add3A_439 = arith.addi %add3A_437, %add3A_438 : i32
      %dma_start3A_440 = arith.constant 1 : i32
      %dma_start3A_441 = arith.constant 0 : i32
      %dma_start3A_442 = arith.constant 0 : i32
      %dma_start3A_443 = tpu.memref_slice %arg13[%dma_start3A_440, %dma_start3A_441, %dma_start3A_442] : memref<2x128x128xf32, #tpu.memory_space<vmem>> -> memref<1x128x128xf32, #tpu.memory_space<vmem>>
      %dma_start3A_444 = tpu.memref_squeeze %dma_start3A_443 : memref<1x128x128xf32, #tpu.memory_space<vmem>> -> memref<128x128xf32, #tpu.memory_space<vmem>>
      %dma_start3A_445 = arith.constant 0 : i32
      %dma_start3A_446 = tpu.memref_slice %arg8[%add3A_439, %dma_start3A_445] : memref<327680x128xf32, #tpu.memory_space<hbm>> -> memref<128x128xf32, #tpu.memory_space<hbm>>
      %dma_start3A_447 = arith.constant 0 : i32
      %dma_start3A_448 = tpu.memref_slice %arg8[%add3A_439, %dma_start3A_447] : memref<327680x128xf32, #tpu.memory_space<hbm>> -> memref<128x128xf32, #tpu.memory_space<hbm>>
      %dma_start3A_449 = arith.constant 0 : i32
      %dma_start3A_450 = arith.constant 0 : i32
      %dma_start3A_451 = tpu.memref_slice %arg13[%dma_start3A_440, %dma_start3A_449, %dma_start3A_450] : memref<2x128x128xf32, #tpu.memory_space<vmem>> -> memref<1x128x128xf32, #tpu.memory_space<vmem>>
      %dma_start3A_452 = tpu.memref_squeeze %dma_start3A_451 : memref<1x128x128xf32, #tpu.memory_space<vmem>> -> memref<128x128xf32, #tpu.memory_space<vmem>>
      tpu.enqueue_dma source(%dma_start3A_452 : memref<128x128xf32, #tpu.memory_space<vmem>>) target(%dma_start3A_448 : memref<128x128xf32, #tpu.memory_space<hbm>>) target_semaphore(%arg18 : memref<!tpu.dma_semaphore, #tpu.memory_space<semaphore_mem>>)
      %dma_wait3A_453 = arith.constant 0 : i32
      %dma_wait3A_454 = arith.constant 0 : i32
      %dma_wait3A_455 = arith.constant 0 : i32
      %dma_wait3A_456 = tpu.memref_slice %arg13[%dma_wait3A_453, %dma_wait3A_454, %dma_wait3A_455] : memref<2x128x128xf32, #tpu.memory_space<vmem>> -> memref<1x128x128xf32, #tpu.memory_space<vmem>>
      %dma_wait3A_457 = tpu.memref_squeeze %dma_wait3A_456 : memref<1x128x128xf32, #tpu.memory_space<vmem>> -> memref<128x128xf32, #tpu.memory_space<vmem>>
      %dma_wait3A_458 = arith.constant 0 : i32
      %dma_wait3A_459 = tpu.memref_slice %arg8[%add3A_409, %dma_wait3A_458] : memref<327680x128xf32, #tpu.memory_space<hbm>> -> memref<128x128xf32, #tpu.memory_space<hbm>>
      %dma_wait3A_460 = arith.constant 0 : i32
      %dma_wait3A_461 = tpu.memref_slice %arg8[%add3A_409, %dma_wait3A_460] : memref<327680x128xf32, #tpu.memory_space<hbm>> -> memref<128x128xf32, #tpu.memory_space<hbm>>
      %dma_wait3A_462 = arith.constant 0 : i32
      %dma_wait3A_463 = arith.constant 0 : i32
      %dma_wait3A_464 = tpu.memref_slice %arg13[%dma_wait3A_453, %dma_wait3A_462, %dma_wait3A_463] : memref<2x128x128xf32, #tpu.memory_space<vmem>> -> memref<1x128x128xf32, #tpu.memory_space<vmem>>
      %dma_wait3A_465 = tpu.memref_squeeze %dma_wait3A_464 : memref<1x128x128xf32, #tpu.memory_space<vmem>> -> memref<128x128xf32, #tpu.memory_space<vmem>>
      tpu.wait_dma2 semaphore(%arg17 : memref<!tpu.dma_semaphore, #tpu.memory_space<semaphore_mem>>) src(%dma_wait3A_465 : memref<128x128xf32, #tpu.memory_space<vmem>>) dst(%dma_wait3A_461 : memref<128x128xf32, #tpu.memory_space<hbm>>)
      %dma_wait3A_466 = arith.constant 1 : i32
      %dma_wait3A_467 = arith.constant 0 : i32
      %dma_wait3A_468 = arith.constant 0 : i32
      %dma_wait3A_469 = tpu.memref_slice %arg13[%dma_wait3A_466, %dma_wait3A_467, %dma_wait3A_468] : memref<2x128x128xf32, #tpu.memory_space<vmem>> -> memref<1x128x128xf32, #tpu.memory_space<vmem>>
      %dma_wait3A_470 = tpu.memref_squeeze %dma_wait3A_469 : memref<1x128x128xf32, #tpu.memory_space<vmem>> -> memref<128x128xf32, #tpu.memory_space<vmem>>
      %dma_wait3A_471 = arith.constant 0 : i32
      %dma_wait3A_472 = tpu.memref_slice %arg8[%add3A_439, %dma_wait3A_471] : memref<327680x128xf32, #tpu.memory_space<hbm>> -> memref<128x128xf32, #tpu.memory_space<hbm>>
      %dma_wait3A_473 = arith.constant 0 : i32
      %dma_wait3A_474 = tpu.memref_slice %arg8[%add3A_439, %dma_wait3A_473] : memref<327680x128xf32, #tpu.memory_space<hbm>> -> memref<128x128xf32, #tpu.memory_space<hbm>>
      %dma_wait3A_475 = arith.constant 0 : i32
      %dma_wait3A_476 = arith.constant 0 : i32
      %dma_wait3A_477 = tpu.memref_slice %arg13[%dma_wait3A_466, %dma_wait3A_475, %dma_wait3A_476] : memref<2x128x128xf32, #tpu.memory_space<vmem>> -> memref<1x128x128xf32, #tpu.memory_space<vmem>>
      %dma_wait3A_478 = tpu.memref_squeeze %dma_wait3A_477 : memref<1x128x128xf32, #tpu.memory_space<vmem>> -> memref<128x128xf32, #tpu.memory_space<vmem>>
      tpu.wait_dma2 semaphore(%arg18 : memref<!tpu.dma_semaphore, #tpu.memory_space<semaphore_mem>>) src(%dma_wait3A_478 : memref<128x128xf32, #tpu.memory_space<vmem>>) dst(%dma_wait3A_474 : memref<128x128xf32, #tpu.memory_space<hbm>>)
      %scan3A_479 = arith.constant 0 : i32
      scf.yield %scan3A_479 : i32
    }
    %scan3A_28 = arith.constant 10 : i32
    %scan3A_29 = arith.constant 0 : i32
    %scan3A_30 = arith.constant 0 : i32
    %scan3A_31 = arith.constant 10 : i32
    %scan3A_32 = arith.addi %scan3A_30, %scan3A_31 : i32
    %scan3A_33 = arith.constant 1 : i32
    %scan3A_34 = scf.for %scan3A_36 = %scan3A_30 to %scan3A_32 step %scan3A_33 iter_args(%scan3A_37 = %scan3A_29) -> (i32)  : i32 {
      %mul3A_38 = arith.constant 8 : i32
      %mul3A_39 = arith.muli %scan3A_36, %mul3A_38 : i32
      %add3A_40 = arith.addi %mul3A_2, %mul3A_39 : i32
      "tpu.region"() ({
        %run_scoped3A = tpu.sem_alloc : memref<!tpu.dma_semaphore, #tpu.memory_space<semaphore_mem>>
        %dma_start3A_171 = arith.constant 0 : i32
        %dma_start3A_172 = tpu.memref_slice %arg5[%add3A_40, %dma_start3A_171] : memref<2560x128xi32, #tpu.memory_space<hbm>> -> memref<8x128xi32, #tpu.memory_space<hbm>>
        %dma_start3A_173 = arith.constant 0 : i32
        %dma_start3A_174 = tpu.memref_slice %arg5[%add3A_40, %dma_start3A_173] : memref<2560x128xi32, #tpu.memory_space<hbm>> -> memref<8x128xi32, #tpu.memory_space<hbm>>
        tpu.enqueue_dma source(%dma_start3A_174 : memref<8x128xi32, #tpu.memory_space<hbm>>) target(%arg12 : memref<8x128xi32, #tpu.memory_space<vmem>>) target_semaphore(%run_scoped3A : memref<!tpu.dma_semaphore, #tpu.memory_space<semaphore_mem>>)
        %dma_wait3A_175 = arith.constant 0 : i32
        %dma_wait3A_176 = tpu.memref_slice %arg5[%add3A_40, %dma_wait3A_175] : memref<2560x128xi32, #tpu.memory_space<hbm>> -> memref<8x128xi32, #tpu.memory_space<hbm>>
        %dma_wait3A_177 = arith.constant 0 : i32
        %dma_wait3A_178 = tpu.memref_slice %arg5[%add3A_40, %dma_wait3A_177] : memref<2560x128xi32, #tpu.memory_space<hbm>> -> memref<8x128xi32, #tpu.memory_space<hbm>>
        tpu.wait_dma2 semaphore(%run_scoped3A : memref<!tpu.dma_semaphore, #tpu.memory_space<semaphore_mem>>) src(%dma_wait3A_178 : memref<8x128xi32, #tpu.memory_space<hbm>>) dst(%arg12 : memref<8x128xi32, #tpu.memory_space<vmem>>)
        tpu.yield
      }) : () -> ()
      %dma_start3A = arith.constant 0 : i32
      %dma_start3A_41 = arith.constant 0 : i32
      %dma_start3A_42 = tpu.memref_slice %arg14[%dma_start3A_41] : memref<1024xi32, #tpu.memory_space<vmem>> -> memref<128xi32, #tpu.memory_space<vmem>>
      %dma_start3A_43 = arith.constant 0 : i32
      %dma_start3A_44 = tpu.memref_slice %arg12[%dma_start3A, %dma_start3A_43] : memref<8x128xi32, #tpu.memory_space<vmem>> -> memref<1x128xi32, #tpu.memory_space<vmem>>
      %dma_start3A_45 = tpu.memref_squeeze %dma_start3A_44 : memref<1x128xi32, #tpu.memory_space<vmem>> -> memref<128xi32, #tpu.memory_space<vmem>>
      %dma_start3A_46 = arith.constant 0 : i32
      %dma_start3A_47 = tpu.memref_slice %arg11[%dma_start3A_46] : memref<10008xi32, #tpu.memory_space<vmem_shared>> -> memref<10008xi32, #tpu.memory_space<vmem_shared>>
      tpu.enqueue_indirect_dma source(%dma_start3A_47 : memref<10008xi32, #tpu.memory_space<vmem_shared>>) target(%dma_start3A_42 : memref<128xi32, #tpu.memory_space<vmem>>) offsets(%dma_start3A_45 : memref<128xi32, #tpu.memory_space<vmem>>) semaphore(%arg15 : memref<!tpu.dma_semaphore, #tpu.memory_space<semaphore_mem>>)
      %dma_start3A_48 = arith.constant 1 : i32
      %dma_start3A_49 = arith.constant 128 : i32
      %dma_start3A_50 = tpu.memref_slice %arg14[%dma_start3A_49] : memref<1024xi32, #tpu.memory_space<vmem>> -> memref<128xi32, #tpu.memory_space<vmem>>
      %dma_start3A_51 = arith.constant 0 : i32
      %dma_start3A_52 = tpu.memref_slice %arg12[%dma_start3A_48, %dma_start3A_51] : memref<8x128xi32, #tpu.memory_space<vmem>> -> memref<1x128xi32, #tpu.memory_space<vmem>>
      %dma_start3A_53 = tpu.memref_squeeze %dma_start3A_52 : memref<1x128xi32, #tpu.memory_space<vmem>> -> memref<128xi32, #tpu.memory_space<vmem>>
      %dma_start3A_54 = arith.constant 0 : i32
      %dma_start3A_55 = tpu.memref_slice %arg11[%dma_start3A_54] : memref<10008xi32, #tpu.memory_space<vmem_shared>> -> memref<10008xi32, #tpu.memory_space<vmem_shared>>
      tpu.enqueue_indirect_dma source(%dma_start3A_55 : memref<10008xi32, #tpu.memory_space<vmem_shared>>) target(%dma_start3A_50 : memref<128xi32, #tpu.memory_space<vmem>>) offsets(%dma_start3A_53 : memref<128xi32, #tpu.memory_space<vmem>>) semaphore(%arg15 : memref<!tpu.dma_semaphore, #tpu.memory_space<semaphore_mem>>)
      %dma_start3A_56 = arith.constant 2 : i32
      %dma_start3A_57 = arith.constant 256 : i32
      %dma_start3A_58 = tpu.memref_slice %arg14[%dma_start3A_57] : memref<1024xi32, #tpu.memory_space<vmem>> -> memref<128xi32, #tpu.memory_space<vmem>>
      %dma_start3A_59 = arith.constant 0 : i32
      %dma_start3A_60 = tpu.memref_slice %arg12[%dma_start3A_56, %dma_start3A_59] : memref<8x128xi32, #tpu.memory_space<vmem>> -> memref<1x128xi32, #tpu.memory_space<vmem>>
      %dma_start3A_61 = tpu.memref_squeeze %dma_start3A_60 : memref<1x128xi32, #tpu.memory_space<vmem>> -> memref<128xi32, #tpu.memory_space<vmem>>
      %dma_start3A_62 = arith.constant 0 : i32
      %dma_start3A_63 = tpu.memref_slice %arg11[%dma_start3A_62] : memref<10008xi32, #tpu.memory_space<vmem_shared>> -> memref<10008xi32, #tpu.memory_space<vmem_shared>>
      tpu.enqueue_indirect_dma source(%dma_start3A_63 : memref<10008xi32, #tpu.memory_space<vmem_shared>>) target(%dma_start3A_58 : memref<128xi32, #tpu.memory_space<vmem>>) offsets(%dma_start3A_61 : memref<128xi32, #tpu.memory_space<vmem>>) semaphore(%arg15 : memref<!tpu.dma_semaphore, #tpu.memory_space<semaphore_mem>>)
      %dma_start3A_64 = arith.constant 3 : i32
      %dma_start3A_65 = arith.constant 384 : i32
      %dma_start3A_66 = tpu.memref_slice %arg14[%dma_start3A_65] : memref<1024xi32, #tpu.memory_space<vmem>> -> memref<128xi32, #tpu.memory_space<vmem>>
      %dma_start3A_67 = arith.constant 0 : i32
      %dma_start3A_68 = tpu.memref_slice %arg12[%dma_start3A_64, %dma_start3A_67] : memref<8x128xi32, #tpu.memory_space<vmem>> -> memref<1x128xi32, #tpu.memory_space<vmem>>
      %dma_start3A_69 = tpu.memref_squeeze %dma_start3A_68 : memref<1x128xi32, #tpu.memory_space<vmem>> -> memref<128xi32, #tpu.memory_space<vmem>>
      %dma_start3A_70 = arith.constant 0 : i32
      %dma_start3A_71 = tpu.memref_slice %arg11[%dma_start3A_70] : memref<10008xi32, #tpu.memory_space<vmem_shared>> -> memref<10008xi32, #tpu.memory_space<vmem_shared>>
      tpu.enqueue_indirect_dma source(%dma_start3A_71 : memref<10008xi32, #tpu.memory_space<vmem_shared>>) target(%dma_start3A_66 : memref<128xi32, #tpu.memory_space<vmem>>) offsets(%dma_start3A_69 : memref<128xi32, #tpu.memory_space<vmem>>) semaphore(%arg15 : memref<!tpu.dma_semaphore, #tpu.memory_space<semaphore_mem>>)
      %dma_start3A_72 = arith.constant 4 : i32
      %dma_start3A_73 = arith.constant 512 : i32
      %dma_start3A_74 = tpu.memref_slice %arg14[%dma_start3A_73] : memref<1024xi32, #tpu.memory_space<vmem>> -> memref<128xi32, #tpu.memory_space<vmem>>
      %dma_start3A_75 = arith.constant 0 : i32
      %dma_start3A_76 = tpu.memref_slice %arg12[%dma_start3A_72, %dma_start3A_75] : memref<8x128xi32, #tpu.memory_space<vmem>> -> memref<1x128xi32, #tpu.memory_space<vmem>>
      %dma_start3A_77 = tpu.memref_squeeze %dma_start3A_76 : memref<1x128xi32, #tpu.memory_space<vmem>> -> memref<128xi32, #tpu.memory_space<vmem>>
      %dma_start3A_78 = arith.constant 0 : i32
      %dma_start3A_79 = tpu.memref_slice %arg11[%dma_start3A_78] : memref<10008xi32, #tpu.memory_space<vmem_shared>> -> memref<10008xi32, #tpu.memory_space<vmem_shared>>
      tpu.enqueue_indirect_dma source(%dma_start3A_79 : memref<10008xi32, #tpu.memory_space<vmem_shared>>) target(%dma_start3A_74 : memref<128xi32, #tpu.memory_space<vmem>>) offsets(%dma_start3A_77 : memref<128xi32, #tpu.memory_space<vmem>>) semaphore(%arg15 : memref<!tpu.dma_semaphore, #tpu.memory_space<semaphore_mem>>)
      %dma_start3A_80 = arith.constant 5 : i32
      %dma_start3A_81 = arith.constant 640 : i32
      %dma_start3A_82 = tpu.memref_slice %arg14[%dma_start3A_81] : memref<1024xi32, #tpu.memory_space<vmem>> -> memref<128xi32, #tpu.memory_space<vmem>>
      %dma_start3A_83 = arith.constant 0 : i32
      %dma_start3A_84 = tpu.memref_slice %arg12[%dma_start3A_80, %dma_start3A_83] : memref<8x128xi32, #tpu.memory_space<vmem>> -> memref<1x128xi32, #tpu.memory_space<vmem>>
      %dma_start3A_85 = tpu.memref_squeeze %dma_start3A_84 : memref<1x128xi32, #tpu.memory_space<vmem>> -> memref<128xi32, #tpu.memory_space<vmem>>
      %dma_start3A_86 = arith.constant 0 : i32
      %dma_start3A_87 = tpu.memref_slice %arg11[%dma_start3A_86] : memref<10008xi32, #tpu.memory_space<vmem_shared>> -> memref<10008xi32, #tpu.memory_space<vmem_shared>>
      tpu.enqueue_indirect_dma source(%dma_start3A_87 : memref<10008xi32, #tpu.memory_space<vmem_shared>>) target(%dma_start3A_82 : memref<128xi32, #tpu.memory_space<vmem>>) offsets(%dma_start3A_85 : memref<128xi32, #tpu.memory_space<vmem>>) semaphore(%arg15 : memref<!tpu.dma_semaphore, #tpu.memory_space<semaphore_mem>>)
      %dma_start3A_88 = arith.constant 6 : i32
      %dma_start3A_89 = arith.constant 768 : i32
      %dma_start3A_90 = tpu.memref_slice %arg14[%dma_start3A_89] : memref<1024xi32, #tpu.memory_space<vmem>> -> memref<128xi32, #tpu.memory_space<vmem>>
      %dma_start3A_91 = arith.constant 0 : i32
      %dma_start3A_92 = tpu.memref_slice %arg12[%dma_start3A_88, %dma_start3A_91] : memref<8x128xi32, #tpu.memory_space<vmem>> -> memref<1x128xi32, #tpu.memory_space<vmem>>
      %dma_start3A_93 = tpu.memref_squeeze %dma_start3A_92 : memref<1x128xi32, #tpu.memory_space<vmem>> -> memref<128xi32, #tpu.memory_space<vmem>>
      %dma_start3A_94 = arith.constant 0 : i32
      %dma_start3A_95 = tpu.memref_slice %arg11[%dma_start3A_94] : memref<10008xi32, #tpu.memory_space<vmem_shared>> -> memref<10008xi32, #tpu.memory_space<vmem_shared>>
      tpu.enqueue_indirect_dma source(%dma_start3A_95 : memref<10008xi32, #tpu.memory_space<vmem_shared>>) target(%dma_start3A_90 : memref<128xi32, #tpu.memory_space<vmem>>) offsets(%dma_start3A_93 : memref<128xi32, #tpu.memory_space<vmem>>) semaphore(%arg15 : memref<!tpu.dma_semaphore, #tpu.memory_space<semaphore_mem>>)
      %dma_start3A_96 = arith.constant 7 : i32
      %dma_start3A_97 = arith.constant 896 : i32
      %dma_start3A_98 = tpu.memref_slice %arg14[%dma_start3A_97] : memref<1024xi32, #tpu.memory_space<vmem>> -> memref<128xi32, #tpu.memory_space<vmem>>
      %dma_start3A_99 = arith.constant 0 : i32
      %dma_start3A_100 = tpu.memref_slice %arg12[%dma_start3A_96, %dma_start3A_99] : memref<8x128xi32, #tpu.memory_space<vmem>> -> memref<1x128xi32, #tpu.memory_space<vmem>>
      %dma_start3A_101 = tpu.memref_squeeze %dma_start3A_100 : memref<1x128xi32, #tpu.memory_space<vmem>> -> memref<128xi32, #tpu.memory_space<vmem>>
      %dma_start3A_102 = arith.constant 0 : i32
      %dma_start3A_103 = tpu.memref_slice %arg11[%dma_start3A_102] : memref<10008xi32, #tpu.memory_space<vmem_shared>> -> memref<10008xi32, #tpu.memory_space<vmem_shared>>
      tpu.enqueue_indirect_dma source(%dma_start3A_103 : memref<10008xi32, #tpu.memory_space<vmem_shared>>) target(%dma_start3A_98 : memref<128xi32, #tpu.memory_space<vmem>>) offsets(%dma_start3A_101 : memref<128xi32, #tpu.memory_space<vmem>>) semaphore(%arg15 : memref<!tpu.dma_semaphore, #tpu.memory_space<semaphore_mem>>)
      %dma_wait3A = arith.constant 0 : i32
      %dma_wait3A_104 = arith.constant 0 : i32
      %dma_wait3A_105 = tpu.memref_slice %arg14[%dma_wait3A_104] : memref<1024xi32, #tpu.memory_space<vmem>> -> memref<128xi32, #tpu.memory_space<vmem>>
      %dma_wait3A_106 = arith.constant 0 : i32
      %dma_wait3A_107 = tpu.memref_slice %arg12[%dma_wait3A, %dma_wait3A_106] : memref<8x128xi32, #tpu.memory_space<vmem>> -> memref<1x128xi32, #tpu.memory_space<vmem>>
      %dma_wait3A_108 = tpu.memref_squeeze %dma_wait3A_107 : memref<1x128xi32, #tpu.memory_space<vmem>> -> memref<128xi32, #tpu.memory_space<vmem>>
      %dma_wait3A_109 = arith.constant 0 : i32
      %dma_wait3A_110 = tpu.memref_slice %arg11[%dma_wait3A_109] : memref<10008xi32, #tpu.memory_space<vmem_shared>> -> memref<10008xi32, #tpu.memory_space<vmem_shared>>
      tpu.wait_indirect_dma semaphore(%arg15 : memref<!tpu.dma_semaphore, #tpu.memory_space<semaphore_mem>>) src(%dma_wait3A_110 : memref<10008xi32, #tpu.memory_space<vmem_shared>>) dst(%dma_wait3A_105 : memref<128xi32, #tpu.memory_space<vmem>>)
      %dma_wait3A_111 = arith.constant 1 : i32
      %dma_wait3A_112 = arith.constant 128 : i32
      %dma_wait3A_113 = tpu.memref_slice %arg14[%dma_wait3A_112] : memref<1024xi32, #tpu.memory_space<vmem>> -> memref<128xi32, #tpu.memory_space<vmem>>
      %dma_wait3A_114 = arith.constant 0 : i32
      %dma_wait3A_115 = tpu.memref_slice %arg12[%dma_wait3A_111, %dma_wait3A_114] : memref<8x128xi32, #tpu.memory_space<vmem>> -> memref<1x128xi32, #tpu.memory_space<vmem>>
      %dma_wait3A_116 = tpu.memref_squeeze %dma_wait3A_115 : memref<1x128xi32, #tpu.memory_space<vmem>> -> memref<128xi32, #tpu.memory_space<vmem>>
      %dma_wait3A_117 = arith.constant 0 : i32
      %dma_wait3A_118 = tpu.memref_slice %arg11[%dma_wait3A_117] : memref<10008xi32, #tpu.memory_space<vmem_shared>> -> memref<10008xi32, #tpu.memory_space<vmem_shared>>
      tpu.wait_indirect_dma semaphore(%arg15 : memref<!tpu.dma_semaphore, #tpu.memory_space<semaphore_mem>>) src(%dma_wait3A_118 : memref<10008xi32, #tpu.memory_space<vmem_shared>>) dst(%dma_wait3A_113 : memref<128xi32, #tpu.memory_space<vmem>>)
      %dma_wait3A_119 = arith.constant 2 : i32
      %dma_wait3A_120 = arith.constant 256 : i32
      %dma_wait3A_121 = tpu.memref_slice %arg14[%dma_wait3A_120] : memref<1024xi32, #tpu.memory_space<vmem>> -> memref<128xi32, #tpu.memory_space<vmem>>
      %dma_wait3A_122 = arith.constant 0 : i32
      %dma_wait3A_123 = tpu.memref_slice %arg12[%dma_wait3A_119, %dma_wait3A_122] : memref<8x128xi32, #tpu.memory_space<vmem>> -> memref<1x128xi32, #tpu.memory_space<vmem>>
      %dma_wait3A_124 = tpu.memref_squeeze %dma_wait3A_123 : memref<1x128xi32, #tpu.memory_space<vmem>> -> memref<128xi32, #tpu.memory_space<vmem>>
      %dma_wait3A_125 = arith.constant 0 : i32
      %dma_wait3A_126 = tpu.memref_slice %arg11[%dma_wait3A_125] : memref<10008xi32, #tpu.memory_space<vmem_shared>> -> memref<10008xi32, #tpu.memory_space<vmem_shared>>
      tpu.wait_indirect_dma semaphore(%arg15 : memref<!tpu.dma_semaphore, #tpu.memory_space<semaphore_mem>>) src(%dma_wait3A_126 : memref<10008xi32, #tpu.memory_space<vmem_shared>>) dst(%dma_wait3A_121 : memref<128xi32, #tpu.memory_space<vmem>>)
      %dma_wait3A_127 = arith.constant 3 : i32
      %dma_wait3A_128 = arith.constant 384 : i32
      %dma_wait3A_129 = tpu.memref_slice %arg14[%dma_wait3A_128] : memref<1024xi32, #tpu.memory_space<vmem>> -> memref<128xi32, #tpu.memory_space<vmem>>
      %dma_wait3A_130 = arith.constant 0 : i32
      %dma_wait3A_131 = tpu.memref_slice %arg12[%dma_wait3A_127, %dma_wait3A_130] : memref<8x128xi32, #tpu.memory_space<vmem>> -> memref<1x128xi32, #tpu.memory_space<vmem>>
      %dma_wait3A_132 = tpu.memref_squeeze %dma_wait3A_131 : memref<1x128xi32, #tpu.memory_space<vmem>> -> memref<128xi32, #tpu.memory_space<vmem>>
      %dma_wait3A_133 = arith.constant 0 : i32
      %dma_wait3A_134 = tpu.memref_slice %arg11[%dma_wait3A_133] : memref<10008xi32, #tpu.memory_space<vmem_shared>> -> memref<10008xi32, #tpu.memory_space<vmem_shared>>
      tpu.wait_indirect_dma semaphore(%arg15 : memref<!tpu.dma_semaphore, #tpu.memory_space<semaphore_mem>>) src(%dma_wait3A_134 : memref<10008xi32, #tpu.memory_space<vmem_shared>>) dst(%dma_wait3A_129 : memref<128xi32, #tpu.memory_space<vmem>>)
      %dma_wait3A_135 = arith.constant 4 : i32
      %dma_wait3A_136 = arith.constant 512 : i32
      %dma_wait3A_137 = tpu.memref_slice %arg14[%dma_wait3A_136] : memref<1024xi32, #tpu.memory_space<vmem>> -> memref<128xi32, #tpu.memory_space<vmem>>
      %dma_wait3A_138 = arith.constant 0 : i32
      %dma_wait3A_139 = tpu.memref_slice %arg12[%dma_wait3A_135, %dma_wait3A_138] : memref<8x128xi32, #tpu.memory_space<vmem>> -> memref<1x128xi32, #tpu.memory_space<vmem>>
      %dma_wait3A_140 = tpu.memref_squeeze %dma_wait3A_139 : memref<1x128xi32, #tpu.memory_space<vmem>> -> memref<128xi32, #tpu.memory_space<vmem>>
      %dma_wait3A_141 = arith.constant 0 : i32
      %dma_wait3A_142 = tpu.memref_slice %arg11[%dma_wait3A_141] : memref<10008xi32, #tpu.memory_space<vmem_shared>> -> memref<10008xi32, #tpu.memory_space<vmem_shared>>
      tpu.wait_indirect_dma semaphore(%arg15 : memref<!tpu.dma_semaphore, #tpu.memory_space<semaphore_mem>>) src(%dma_wait3A_142 : memref<10008xi32, #tpu.memory_space<vmem_shared>>) dst(%dma_wait3A_137 : memref<128xi32, #tpu.memory_space<vmem>>)
      %dma_wait3A_143 = arith.constant 5 : i32
      %dma_wait3A_144 = arith.constant 640 : i32
      %dma_wait3A_145 = tpu.memref_slice %arg14[%dma_wait3A_144] : memref<1024xi32, #tpu.memory_space<vmem>> -> memref<128xi32, #tpu.memory_space<vmem>>
      %dma_wait3A_146 = arith.constant 0 : i32
      %dma_wait3A_147 = tpu.memref_slice %arg12[%dma_wait3A_143, %dma_wait3A_146] : memref<8x128xi32, #tpu.memory_space<vmem>> -> memref<1x128xi32, #tpu.memory_space<vmem>>
      %dma_wait3A_148 = tpu.memref_squeeze %dma_wait3A_147 : memref<1x128xi32, #tpu.memory_space<vmem>> -> memref<128xi32, #tpu.memory_space<vmem>>
      %dma_wait3A_149 = arith.constant 0 : i32
      %dma_wait3A_150 = tpu.memref_slice %arg11[%dma_wait3A_149] : memref<10008xi32, #tpu.memory_space<vmem_shared>> -> memref<10008xi32, #tpu.memory_space<vmem_shared>>
      tpu.wait_indirect_dma semaphore(%arg15 : memref<!tpu.dma_semaphore, #tpu.memory_space<semaphore_mem>>) src(%dma_wait3A_150 : memref<10008xi32, #tpu.memory_space<vmem_shared>>) dst(%dma_wait3A_145 : memref<128xi32, #tpu.memory_space<vmem>>)
      %dma_wait3A_151 = arith.constant 6 : i32
      %dma_wait3A_152 = arith.constant 768 : i32
      %dma_wait3A_153 = tpu.memref_slice %arg14[%dma_wait3A_152] : memref<1024xi32, #tpu.memory_space<vmem>> -> memref<128xi32, #tpu.memory_space<vmem>>
      %dma_wait3A_154 = arith.constant 0 : i32
      %dma_wait3A_155 = tpu.memref_slice %arg12[%dma_wait3A_151, %dma_wait3A_154] : memref<8x128xi32, #tpu.memory_space<vmem>> -> memref<1x128xi32, #tpu.memory_space<vmem>>
      %dma_wait3A_156 = tpu.memref_squeeze %dma_wait3A_155 : memref<1x128xi32, #tpu.memory_space<vmem>> -> memref<128xi32, #tpu.memory_space<vmem>>
      %dma_wait3A_157 = arith.constant 0 : i32
      %dma_wait3A_158 = tpu.memref_slice %arg11[%dma_wait3A_157] : memref<10008xi32, #tpu.memory_space<vmem_shared>> -> memref<10008xi32, #tpu.memory_space<vmem_shared>>
      tpu.wait_indirect_dma semaphore(%arg15 : memref<!tpu.dma_semaphore, #tpu.memory_space<semaphore_mem>>) src(%dma_wait3A_158 : memref<10008xi32, #tpu.memory_space<vmem_shared>>) dst(%dma_wait3A_153 : memref<128xi32, #tpu.memory_space<vmem>>)
      %dma_wait3A_159 = arith.constant 7 : i32
      %dma_wait3A_160 = arith.constant 896 : i32
      %dma_wait3A_161 = tpu.memref_slice %arg14[%dma_wait3A_160] : memref<1024xi32, #tpu.memory_space<vmem>> -> memref<128xi32, #tpu.memory_space<vmem>>
      %dma_wait3A_162 = arith.constant 0 : i32
      %dma_wait3A_163 = tpu.memref_slice %arg12[%dma_wait3A_159, %dma_wait3A_162] : memref<8x128xi32, #tpu.memory_space<vmem>> -> memref<1x128xi32, #tpu.memory_space<vmem>>
      %dma_wait3A_164 = tpu.memref_squeeze %dma_wait3A_163 : memref<1x128xi32, #tpu.memory_space<vmem>> -> memref<128xi32, #tpu.memory_space<vmem>>
      %dma_wait3A_165 = arith.constant 0 : i32
      %dma_wait3A_166 = tpu.memref_slice %arg11[%dma_wait3A_165] : memref<10008xi32, #tpu.memory_space<vmem_shared>> -> memref<10008xi32, #tpu.memory_space<vmem_shared>>
      tpu.wait_indirect_dma semaphore(%arg15 : memref<!tpu.dma_semaphore, #tpu.memory_space<semaphore_mem>>) src(%dma_wait3A_166 : memref<10008xi32, #tpu.memory_space<vmem_shared>>) dst(%dma_wait3A_161 : memref<128xi32, #tpu.memory_space<vmem>>)
      %mul3A_167 = arith.constant 1024 : i32
      %mul3A_168 = arith.muli %scan3A_36, %mul3A_167 : i32
      %add3A_169 = arith.addi %mul3A_4, %mul3A_168 : i32
      "tpu.region"() ({
        %run_scoped3A = tpu.sem_alloc : memref<!tpu.dma_semaphore, #tpu.memory_space<semaphore_mem>>
        %dma_start3A_171 = tpu.memref_slice %arg9[%add3A_169] : memref<327680xi32, #tpu.memory_space<hbm>> -> memref<1024xi32, #tpu.memory_space<hbm>>
        %dma_start3A_172 = tpu.memref_slice %arg9[%add3A_169] : memref<327680xi32, #tpu.memory_space<hbm>> -> memref<1024xi32, #tpu.memory_space<hbm>>
        tpu.enqueue_dma source(%arg14 : memref<1024xi32, #tpu.memory_space<vmem>>) target(%dma_start3A_172 : memref<1024xi32, #tpu.memory_space<hbm>>) target_semaphore(%run_scoped3A : memref<!tpu.dma_semaphore, #tpu.memory_space<semaphore_mem>>)
        %dma_wait3A_173 = tpu.memref_slice %arg9[%add3A_169] : memref<327680xi32, #tpu.memory_space<hbm>> -> memref<1024xi32, #tpu.memory_space<hbm>>
        %dma_wait3A_174 = tpu.memref_slice %arg9[%add3A_169] : memref<327680xi32, #tpu.memory_space<hbm>> -> memref<1024xi32, #tpu.memory_space<hbm>>
        tpu.wait_dma2 semaphore(%run_scoped3A : memref<!tpu.dma_semaphore, #tpu.memory_space<semaphore_mem>>) src(%arg14 : memref<1024xi32, #tpu.memory_space<vmem>>) dst(%dma_wait3A_174 : memref<1024xi32, #tpu.memory_space<hbm>>)
        tpu.yield
      }) : () -> ()
      %scan3A_170 = arith.constant 0 : i32
      scf.yield %scan3A_170 : i32
    }
    %scan3A_35 = arith.constant 10 : i32
    return
  }
}

module attributes {stable_mosaic.version = 14 : i64} {
  func.func @_edge_body(%arg0: i32, %arg1: memref<1x1x2560xi32, #tpu.memory_space<vmem>>, %arg2: memref<2560x128xf32, #tpu.memory_space<vmem>>, %arg3: memref<2560x128xf32, #tpu.memory_space<vmem>>, %arg4: memref<2560x16xf32, #tpu.memory_space<vmem>>, %arg5: memref<64x64xf32, #tpu.memory_space<vmem>>, %arg6: memref<128x128xf32, #tpu.memory_space<vmem>>, %arg7: memref<16x128xf32, #tpu.memory_space<vmem>>, %arg8: memref<1x128xf32, #tpu.memory_space<vmem>>, %arg9: memref<128x128xf32, #tpu.memory_space<vmem>>, %arg10: memref<1x128xf32, #tpu.memory_space<vmem>>, %arg11: memref<16x16xf32, #tpu.memory_space<vmem>>, %arg12: memref<128x16xf32, #tpu.memory_space<vmem>>, %arg13: memref<128x16xf32, #tpu.memory_space<vmem>>, %arg14: memref<64x16xf32, #tpu.memory_space<vmem>>, %arg15: memref<1x16xf32, #tpu.memory_space<vmem>>, %arg16: memref<16x16xf32, #tpu.memory_space<vmem>>, %arg17: memref<1x16xf32, #tpu.memory_space<vmem>>, %arg18: memref<2560x128xf32, #tpu.memory_space<vmem>>, %arg19: memref<2560x16xf32, #tpu.memory_space<vmem>>, %arg20: memref<64x16xf32, #tpu.memory_space<vmem>>) attributes {dimension_semantics = [#tpu.dimension_semantics<arbitrary>], iteration_bounds = array<i64: 128>, scalar_prefetch = 0 : i64, scratch_operands = 0 : i64, tpu.core_type = #tpu.core_type<tc>, window_params = [{transform_indices = @transform_0, window_bounds = array<i64: 1, 1, 2560>}, {transform_indices = @transform_1, window_bounds = array<i64: 2560, 128>}, {transform_indices = @transform_2, window_bounds = array<i64: 2560, 128>}, {transform_indices = @transform_3, window_bounds = array<i64: 2560, 16>}, {pipeline_mode = #tpu.pipeline_mode<synchronous>, transform_indices = @transform_4, window_bounds = array<i64: 64, 64>}, {pipeline_mode = #tpu.pipeline_mode<synchronous>, transform_indices = @transform_5, window_bounds = array<i64: 128, 128>}, {pipeline_mode = #tpu.pipeline_mode<synchronous>, transform_indices = @transform_6, window_bounds = array<i64: 16, 128>}, {pipeline_mode = #tpu.pipeline_mode<synchronous>, transform_indices = @transform_7, window_bounds = array<i64: 1, 128>}, {pipeline_mode = #tpu.pipeline_mode<synchronous>, transform_indices = @transform_8, window_bounds = array<i64: 128, 128>}, {pipeline_mode = #tpu.pipeline_mode<synchronous>, transform_indices = @transform_9, window_bounds = array<i64: 1, 128>}, {pipeline_mode = #tpu.pipeline_mode<synchronous>, transform_indices = @transform_10, window_bounds = array<i64: 16, 16>}, {pipeline_mode = #tpu.pipeline_mode<synchronous>, transform_indices = @transform_11, window_bounds = array<i64: 128, 16>}, {pipeline_mode = #tpu.pipeline_mode<synchronous>, transform_indices = @transform_12, window_bounds = array<i64: 128, 16>}, {pipeline_mode = #tpu.pipeline_mode<synchronous>, transform_indices = @transform_13, window_bounds = array<i64: 64, 16>}, {pipeline_mode = #tpu.pipeline_mode<synchronous>, transform_indices = @transform_14, window_bounds = array<i64: 1, 16>}, {pipeline_mode = #tpu.pipeline_mode<synchronous>, transform_indices = @transform_15, window_bounds = array<i64: 16, 16>}, {pipeline_mode = #tpu.pipeline_mode<synchronous>, transform_indices = @transform_16, window_bounds = array<i64: 1, 16>}, {transform_indices = @transform_17, window_bounds = array<i64: 2560, 128>}, {transform_indices = @transform_18, window_bounds = array<i64: 2560, 16>}, {pipeline_mode = #tpu.pipeline_mode<synchronous>, transform_indices = @transform_19, window_bounds = array<i64: 64, 16>}]} {
    %get3A = arith.constant 0 : index
    %get3A_0 = arith.constant 0 : index
    %get3A_1 = vector.load %arg2[%get3A, %get3A_0] : memref<2560x128xf32, #tpu.memory_space<vmem>>, vector<2560x128xf32>
    %get3A_2 = arith.constant 0 : index
    %get3A_3 = arith.constant 0 : index
    %get3A_4 = vector.load %arg3[%get3A_2, %get3A_3] : memref<2560x128xf32, #tpu.memory_space<vmem>>, vector<2560x128xf32>
    %get3A_5 = arith.constant 0 : index
    %get3A_6 = arith.constant 0 : index
    %get3A_7 = vector.load %arg4[%get3A_5, %get3A_6] : memref<2560x16xf32, #tpu.memory_space<vmem>>, vector<2560x16xf32>
    %get3A_8 = arith.constant 0 : index
    %get3A_9 = arith.constant 0 : index
    %get3A_10 = vector.load %arg6[%get3A_8, %get3A_9] : memref<128x128xf32, #tpu.memory_space<vmem>>, vector<128x128xf32>
    %dot_general3A = arith.constant dense<0.000000e+00> : vector<2560x128xf32>
    %dot_general3A_11 = tpu.matmul %get3A_1, %get3A_10, %dot_general3A {dimension_numbers = #tpu.dot_dimension_numbers<[1], [0], [0], [1], [0, 0, 1, 1], [], []>, transpose_lhs_hint = false} : vector<2560x128xf32>, vector<128x128xf32>, vector<2560x128xf32> -> vector<2560x128xf32>
    %get3A_12 = arith.constant 0 : index
    %get3A_13 = arith.constant 0 : index
    %get3A_14 = vector.load %arg7[%get3A_12, %get3A_13] : memref<16x128xf32, #tpu.memory_space<vmem>>, vector<16x128xf32>
    %dot_general3A_15 = arith.constant dense<0.000000e+00> : vector<2560x128xf32>
    %dot_general3A_16 = tpu.matmul %get3A_7, %get3A_14, %dot_general3A_15 {dimension_numbers = #tpu.dot_dimension_numbers<[1], [0], [0], [1], [0, 0, 1, 1], [], []>, transpose_lhs_hint = false} : vector<2560x16xf32>, vector<16x128xf32>, vector<2560x128xf32> -> vector<2560x128xf32>
    %add3A = arith.addf %dot_general3A_11, %dot_general3A_16 : vector<2560x128xf32>
    %get3A_17 = arith.constant 0 : index
    %get3A_18 = arith.constant 0 : index
    %get3A_19 = vector.load %arg8[%get3A_17, %get3A_18] : memref<1x128xf32, #tpu.memory_space<vmem>>, vector<1x128xf32>
    %add3A_20 = vector.broadcast %get3A_19 : vector<1x128xf32> to vector<2560x128xf32>
    %add3A_21 = arith.addf %add3A, %add3A_20 : vector<2560x128xf32>
    %max3A = arith.constant 0.000000e+00 : f32
    %max3A_22 = vector.broadcast %max3A : f32 to vector<2560x128xf32>
    %max3A_23 = arith.maximumf %add3A_21, %max3A_22 : vector<2560x128xf32>
    %get3A_24 = arith.constant 0 : index
    %get3A_25 = arith.constant 0 : index
    %get3A_26 = vector.load %arg9[%get3A_24, %get3A_25] : memref<128x128xf32, #tpu.memory_space<vmem>>, vector<128x128xf32>
    %dot_general3A_27 = arith.constant dense<0.000000e+00> : vector<2560x128xf32>
    %dot_general3A_28 = tpu.matmul %max3A_23, %get3A_26, %dot_general3A_27 {dimension_numbers = #tpu.dot_dimension_numbers<[1], [0], [0], [1], [0, 0, 1, 1], [], []>, transpose_lhs_hint = false} : vector<2560x128xf32>, vector<128x128xf32>, vector<2560x128xf32> -> vector<2560x128xf32>
    %get3A_29 = arith.constant 0 : index
    %get3A_30 = arith.constant 0 : index
    %get3A_31 = vector.load %arg10[%get3A_29, %get3A_30] : memref<1x128xf32, #tpu.memory_space<vmem>>, vector<1x128xf32>
    %add3A_32 = vector.broadcast %get3A_31 : vector<1x128xf32> to vector<2560x128xf32>
    %add3A_33 = arith.addf %dot_general3A_28, %add3A_32 : vector<2560x128xf32>
    %swap3A = arith.constant 0 : index
    %swap3A_34 = arith.constant 0 : index
    %swap3A_35 = vector.load %arg18[%swap3A, %swap3A_34] : memref<2560x128xf32, #tpu.memory_space<vmem>>, vector<2560x128xf32>
    tpu.vector_store %arg18[%swap3A, %swap3A_34], %add3A_33 {strides = array<i32>} : memref<2560x128xf32, #tpu.memory_space<vmem>>, vector<2560x128xf32>,
    %get3A_36 = arith.constant 0 : index
    %get3A_37 = arith.constant 0 : index
    %get3A_38 = arith.constant 0 : index
    %get3A_39 = vector.load %arg1[%get3A_36, %get3A_37, %get3A_38] : memref<1x1x2560xi32, #tpu.memory_space<vmem>>, vector<1x1x2560xi32>
    %get3A_40 = vector.shape_cast %get3A_39 : vector<1x1x2560xi32> to vector<2560xi32>
    %broadcast_in_dim3A = vector.shape_cast %get3A_40 : vector<2560xi32> to vector<2560x1xi32>
    %iota3A = tpu.iota {dimensions = array<i32: 1>} : vector<2560x64xi32>
    %eq3A = vector.broadcast %broadcast_in_dim3A : vector<2560x1xi32> to vector<2560x64xi32>
    %eq3A_41 = arith.cmpi eq, %eq3A, %iota3A : vector<2560x64xi32>
    %convert_element_type3A = arith.extui %eq3A_41 : vector<2560x64xi1> to vector<2560x64xi32>
    %convert_element_type3A_42 = arith.sitofp %convert_element_type3A : vector<2560x64xi32> to vector<2560x64xf32>
    %get3A_43 = arith.constant 0 : index
    %get3A_44 = arith.constant 0 : index
    %get3A_45 = vector.load %arg5[%get3A_43, %get3A_44] : memref<64x64xf32, #tpu.memory_space<vmem>>, vector<64x64xf32>
    %get3A_46 = arith.constant 0 : index
    %get3A_47 = arith.constant 0 : index
    %get3A_48 = vector.load %arg14[%get3A_46, %get3A_47] : memref<64x16xf32, #tpu.memory_space<vmem>>, vector<64x16xf32>
    %dot_general3A_49 = arith.constant dense<0.000000e+00> : vector<64x16xf32>
    %dot_general3A_50 = tpu.matmul %get3A_45, %get3A_48, %dot_general3A_49 {dimension_numbers = #tpu.dot_dimension_numbers<[1], [0], [0], [1], [0, 0, 1, 1], [], []>, transpose_lhs_hint = false} : vector<64x64xf32>, vector<64x16xf32>, vector<64x16xf32> -> vector<64x16xf32>
    %get3A_51 = arith.constant 0 : index
    %get3A_52 = arith.constant 0 : index
    %get3A_53 = vector.load %arg11[%get3A_51, %get3A_52] : memref<16x16xf32, #tpu.memory_space<vmem>>, vector<16x16xf32>
    %dot_general3A_54 = arith.constant dense<0.000000e+00> : vector<2560x16xf32>
    %dot_general3A_55 = tpu.matmul %get3A_7, %get3A_53, %dot_general3A_54 {dimension_numbers = #tpu.dot_dimension_numbers<[1], [0], [0], [1], [0, 0, 1, 1], [], []>, transpose_lhs_hint = false} : vector<2560x16xf32>, vector<16x16xf32>, vector<2560x16xf32> -> vector<2560x16xf32>
    %get3A_56 = arith.constant 0 : index
    %get3A_57 = arith.constant 0 : index
    %get3A_58 = vector.load %arg12[%get3A_56, %get3A_57] : memref<128x16xf32, #tpu.memory_space<vmem>>, vector<128x16xf32>
    %dot_general3A_59 = arith.constant dense<0.000000e+00> : vector<2560x16xf32>
    %dot_general3A_60 = tpu.matmul %get3A_1, %get3A_58, %dot_general3A_59 {dimension_numbers = #tpu.dot_dimension_numbers<[1], [0], [0], [1], [0, 0, 1, 1], [], []>, transpose_lhs_hint = false} : vector<2560x128xf32>, vector<128x16xf32>, vector<2560x16xf32> -> vector<2560x16xf32>
    %add3A_61 = arith.addf %dot_general3A_55, %dot_general3A_60 : vector<2560x16xf32>
    %get3A_62 = arith.constant 0 : index
    %get3A_63 = arith.constant 0 : index
    %get3A_64 = vector.load %arg13[%get3A_62, %get3A_63] : memref<128x16xf32, #tpu.memory_space<vmem>>, vector<128x16xf32>
    %dot_general3A_65 = arith.constant dense<0.000000e+00> : vector<2560x16xf32>
    %dot_general3A_66 = tpu.matmul %get3A_4, %get3A_64, %dot_general3A_65 {dimension_numbers = #tpu.dot_dimension_numbers<[1], [0], [0], [1], [0, 0, 1, 1], [], []>, transpose_lhs_hint = false} : vector<2560x128xf32>, vector<128x16xf32>, vector<2560x16xf32> -> vector<2560x16xf32>
    %add3A_67 = arith.addf %add3A_61, %dot_general3A_66 : vector<2560x16xf32>
    %dot_general3A_68 = arith.constant dense<0.000000e+00> : vector<2560x16xf32>
    %dot_general3A_69 = tpu.matmul %convert_element_type3A_42, %dot_general3A_50, %dot_general3A_68 {dimension_numbers = #tpu.dot_dimension_numbers<[1], [0], [0], [1], [0, 0, 1, 1], [], []>, transpose_lhs_hint = false} : vector<2560x64xf32>, vector<64x16xf32>, vector<2560x16xf32> -> vector<2560x16xf32>
    %add3A_70 = arith.addf %add3A_67, %dot_general3A_69 : vector<2560x16xf32>
    %get3A_71 = arith.constant 0 : index
    %get3A_72 = arith.constant 0 : index
    %get3A_73 = vector.load %arg15[%get3A_71, %get3A_72] : memref<1x16xf32, #tpu.memory_space<vmem>>, vector<1x16xf32>
    %add3A_74 = vector.broadcast %get3A_73 : vector<1x16xf32> to vector<2560x16xf32>
    %add3A_75 = arith.addf %add3A_70, %add3A_74 : vector<2560x16xf32>
    %max3A_76 = arith.constant 0.000000e+00 : f32
    %max3A_77 = vector.broadcast %max3A_76 : f32 to vector<2560x16xf32>
    %max3A_78 = arith.maximumf %add3A_75, %max3A_77 : vector<2560x16xf32>
    %get3A_79 = arith.constant 0 : index
    %get3A_80 = arith.constant 0 : index
    %get3A_81 = vector.load %arg16[%get3A_79, %get3A_80] : memref<16x16xf32, #tpu.memory_space<vmem>>, vector<16x16xf32>
    %dot_general3A_82 = arith.constant dense<0.000000e+00> : vector<2560x16xf32>
    %dot_general3A_83 = tpu.matmul %max3A_78, %get3A_81, %dot_general3A_82 {dimension_numbers = #tpu.dot_dimension_numbers<[1], [0], [0], [1], [0, 0, 1, 1], [], []>, transpose_lhs_hint = false} : vector<2560x16xf32>, vector<16x16xf32>, vector<2560x16xf32> -> vector<2560x16xf32>
    %get3A_84 = arith.constant 0 : index
    %get3A_85 = arith.constant 0 : index
    %get3A_86 = vector.load %arg17[%get3A_84, %get3A_85] : memref<1x16xf32, #tpu.memory_space<vmem>>, vector<1x16xf32>
    %add3A_87 = vector.broadcast %get3A_86 : vector<1x16xf32> to vector<2560x16xf32>
    %add3A_88 = arith.addf %dot_general3A_83, %add3A_87 : vector<2560x16xf32>
    %swap3A_89 = arith.constant 0 : index
    %swap3A_90 = arith.constant 0 : index
    %swap3A_91 = vector.load %arg19[%swap3A_89, %swap3A_90] : memref<2560x16xf32, #tpu.memory_space<vmem>>, vector<2560x16xf32>
    tpu.vector_store %arg19[%swap3A_89, %swap3A_90], %add3A_88 {strides = array<i32>} : memref<2560x16xf32, #tpu.memory_space<vmem>>, vector<2560x16xf32>,
    %eq3A_92 = arith.constant 0 : i32
    %eq3A_93 = arith.cmpi eq, %arg0, %eq3A_92 : i32
    %convert_element_type3A_94 = arith.extui %eq3A_93 : i1 to i32
    %cond3A = arith.constant 0 : i32
    %cond3A_95 = arith.cmpi ne, %convert_element_type3A_94, %cond3A : i32
    scf.if %cond3A_95 {
      %broadcast_in_dim3A_105 = arith.constant 0.000000e+00 : f32
      %broadcast_in_dim3A_106 = vector.broadcast %broadcast_in_dim3A_105 : f32 to vector<64x16xf32>
      %swap3A_107 = arith.constant 0 : index
      %swap3A_108 = arith.constant 0 : index
      %swap3A_109 = vector.load %arg20[%swap3A_107, %swap3A_108] : memref<64x16xf32, #tpu.memory_space<vmem>>, vector<64x16xf32>
      tpu.vector_store %arg20[%swap3A_107, %swap3A_108], %broadcast_in_dim3A_106 {strides = array<i32>} : memref<64x16xf32, #tpu.memory_space<vmem>>, vector<64x16xf32>,
    } else {
    }
    %get3A_96 = arith.constant 0 : index
    %get3A_97 = arith.constant 0 : index
    %get3A_98 = vector.load %arg20[%get3A_96, %get3A_97] : memref<64x16xf32, #tpu.memory_space<vmem>>, vector<64x16xf32>
    %dot_general3A_99 = arith.constant dense<0.000000e+00> : vector<64x16xf32>
    %dot_general3A_100 = tpu.matmul %convert_element_type3A_42, %add3A_88, %dot_general3A_99 {dimension_numbers = #tpu.dot_dimension_numbers<[0], [0], [1], [1], [0, 1, 1, 1], [], []>, transpose_lhs_hint = false} : vector<2560x64xf32>, vector<2560x16xf32>, vector<64x16xf32> -> vector<64x16xf32>
    %add3A_101 = arith.addf %get3A_98, %dot_general3A_100 : vector<64x16xf32>
    %swap3A_102 = arith.constant 0 : index
    %swap3A_103 = arith.constant 0 : index
    %swap3A_104 = vector.load %arg20[%swap3A_102, %swap3A_103] : memref<64x16xf32, #tpu.memory_space<vmem>>, vector<64x16xf32>
    tpu.vector_store %arg20[%swap3A_102, %swap3A_103], %add3A_101 {strides = array<i32>} : memref<64x16xf32, #tpu.memory_space<vmem>>, vector<64x16xf32>,
    return
  }
  func.func @transform_0(%arg0: i32) -> (i32, i32, i32) {
    %add3A = arith.constant 125 : i32
    %add3A_0 = arith.addi %arg0, %add3A : i32
    %jit3A = arith.constant 128 : i32
    %eq3A = arith.constant 0 : i32
    %eq3A_1 = arith.cmpi eq, %jit3A, %eq3A : i32
    %jit3A_2 = arith.constant 1 : i32
    %select_n3A = arith.select %eq3A_1, %jit3A_2, %jit3A : i32
    %rem3A = arith.remsi %add3A_0, %select_n3A : i32
    %ne3A = arith.constant 0 : i32
    %ne3A_3 = arith.cmpi ne, %rem3A, %ne3A : i32
    %lt3A = arith.constant 0 : i32
    %lt3A_4 = arith.cmpi slt, %rem3A, %lt3A : i32
    %lt3A_5 = arith.constant 0 : i32
    %lt3A_6 = arith.cmpi slt, %select_n3A, %lt3A_5 : i32
    %ne3A_7 = arith.xori %lt3A_4, %lt3A_6 : i1
    %and3A = arith.andi %ne3A_7, %ne3A_3 : i1
    %add3A_8 = arith.addi %rem3A, %select_n3A : i32
    %select_n3A_9 = arith.select %and3A, %add3A_8, %rem3A : i32
    %c0_i32 = arith.constant 0 : i32
    %c0_i32_10 = arith.constant 0 : i32
    %c0_i32_11 = arith.constant 0 : i32
    return %select_n3A_9, %c0_i32, %c0_i32_10 : i32, i32, i32
  }
  func.func @transform_1(%arg0: i32) -> (i32, i32) {
    %add3A = arith.constant 125 : i32
    %add3A_0 = arith.addi %arg0, %add3A : i32
    %jit3A = arith.constant 128 : i32
    %eq3A = arith.constant 0 : i32
    %eq3A_1 = arith.cmpi eq, %jit3A, %eq3A : i32
    %jit3A_2 = arith.constant 1 : i32
    %select_n3A = arith.select %eq3A_1, %jit3A_2, %jit3A : i32
    %rem3A = arith.remsi %add3A_0, %select_n3A : i32
    %ne3A = arith.constant 0 : i32
    %ne3A_3 = arith.cmpi ne, %rem3A, %ne3A : i32
    %lt3A = arith.constant 0 : i32
    %lt3A_4 = arith.cmpi slt, %rem3A, %lt3A : i32
    %lt3A_5 = arith.constant 0 : i32
    %lt3A_6 = arith.cmpi slt, %select_n3A, %lt3A_5 : i32
    %ne3A_7 = arith.xori %lt3A_4, %lt3A_6 : i1
    %and3A = arith.andi %ne3A_7, %ne3A_3 : i1
    %add3A_8 = arith.addi %rem3A, %select_n3A : i32
    %select_n3A_9 = arith.select %and3A, %add3A_8, %rem3A : i32
    %c0_i32 = arith.constant 0 : i32
    %c0_i32_10 = arith.constant 0 : i32
    return %select_n3A_9, %c0_i32 : i32, i32
  }
  func.func @transform_2(%arg0: i32) -> (i32, i32) {
    %add3A = arith.constant 125 : i32
    %add3A_0 = arith.addi %arg0, %add3A : i32
    %jit3A = arith.constant 128 : i32
    %eq3A = arith.constant 0 : i32
    %eq3A_1 = arith.cmpi eq, %jit3A, %eq3A : i32
    %jit3A_2 = arith.constant 1 : i32
    %select_n3A = arith.select %eq3A_1, %jit3A_2, %jit3A : i32
    %rem3A = arith.remsi %add3A_0, %select_n3A : i32
    %ne3A = arith.constant 0 : i32
    %ne3A_3 = arith.cmpi ne, %rem3A, %ne3A : i32
    %lt3A = arith.constant 0 : i32
    %lt3A_4 = arith.cmpi slt, %rem3A, %lt3A : i32
    %lt3A_5 = arith.constant 0 : i32
    %lt3A_6 = arith.cmpi slt, %select_n3A, %lt3A_5 : i32
    %ne3A_7 = arith.xori %lt3A_4, %lt3A_6 : i1
    %and3A = arith.andi %ne3A_7, %ne3A_3 : i1
    %add3A_8 = arith.addi %rem3A, %select_n3A : i32
    %select_n3A_9 = arith.select %and3A, %add3A_8, %rem3A : i32
    %c0_i32 = arith.constant 0 : i32
    %c0_i32_10 = arith.constant 0 : i32
    return %select_n3A_9, %c0_i32 : i32, i32
  }
  func.func @transform_3(%arg0: i32) -> (i32, i32) {
    %add3A = arith.constant 125 : i32
    %add3A_0 = arith.addi %arg0, %add3A : i32
    %jit3A = arith.constant 128 : i32
    %eq3A = arith.constant 0 : i32
    %eq3A_1 = arith.cmpi eq, %jit3A, %eq3A : i32
    %jit3A_2 = arith.constant 1 : i32
    %select_n3A = arith.select %eq3A_1, %jit3A_2, %jit3A : i32
    %rem3A = arith.remsi %add3A_0, %select_n3A : i32
    %ne3A = arith.constant 0 : i32
    %ne3A_3 = arith.cmpi ne, %rem3A, %ne3A : i32
    %lt3A = arith.constant 0 : i32
    %lt3A_4 = arith.cmpi slt, %rem3A, %lt3A : i32
    %lt3A_5 = arith.constant 0 : i32
    %lt3A_6 = arith.cmpi slt, %select_n3A, %lt3A_5 : i32
    %ne3A_7 = arith.xori %lt3A_4, %lt3A_6 : i1
    %and3A = arith.andi %ne3A_7, %ne3A_3 : i1
    %add3A_8 = arith.addi %rem3A, %select_n3A : i32
    %select_n3A_9 = arith.select %and3A, %add3A_8, %rem3A : i32
    %min3A = arith.constant 124 : i32
    %min3A_10 = arith.minsi %select_n3A_9, %min3A : i32
    %c0_i32 = arith.constant 0 : i32
    %c0_i32_11 = arith.constant 0 : i32
    return %min3A_10, %c0_i32 : i32, i32
  }
  func.func @transform_4(%arg0: i32) -> (i32, i32) {
    %c0_i32 = arith.constant 0 : i32
    %c0_i32_0 = arith.constant 0 : i32
    %c0_i32_1 = arith.constant 0 : i32
    return %c0_i32, %c0_i32_0 : i32, i32
  }
  func.func @transform_5(%arg0: i32) -> (i32, i32) {
    %c0_i32 = arith.constant 0 : i32
    %c0_i32_0 = arith.constant 0 : i32
    %c0_i32_1 = arith.constant 0 : i32
    return %c0_i32, %c0_i32_0 : i32, i32
  }
  func.func @transform_6(%arg0: i32) -> (i32, i32) {
    %c0_i32 = arith.constant 0 : i32
    %c0_i32_0 = arith.constant 0 : i32
    %c0_i32_1 = arith.constant 0 : i32
    return %c0_i32, %c0_i32_0 : i32, i32
  }
  func.func @transform_7(%arg0: i32) -> (i32, i32) {
    %c0_i32 = arith.constant 0 : i32
    %c0_i32_0 = arith.constant 0 : i32
    %c0_i32_1 = arith.constant 0 : i32
    return %c0_i32, %c0_i32_0 : i32, i32
  }
  func.func @transform_8(%arg0: i32) -> (i32, i32) {
    %c0_i32 = arith.constant 0 : i32
    %c0_i32_0 = arith.constant 0 : i32
    %c0_i32_1 = arith.constant 0 : i32
    return %c0_i32, %c0_i32_0 : i32, i32
  }
  func.func @transform_9(%arg0: i32) -> (i32, i32) {
    %c0_i32 = arith.constant 0 : i32
    %c0_i32_0 = arith.constant 0 : i32
    %c0_i32_1 = arith.constant 0 : i32
    return %c0_i32, %c0_i32_0 : i32, i32
  }
  func.func @transform_10(%arg0: i32) -> (i32, i32) {
    %c0_i32 = arith.constant 0 : i32
    %c0_i32_0 = arith.constant 0 : i32
    %c0_i32_1 = arith.constant 0 : i32
    return %c0_i32, %c0_i32_0 : i32, i32
  }
  func.func @transform_11(%arg0: i32) -> (i32, i32) {
    %c0_i32 = arith.constant 0 : i32
    %c0_i32_0 = arith.constant 0 : i32
    %c0_i32_1 = arith.constant 0 : i32
    return %c0_i32, %c0_i32_0 : i32, i32
  }
  func.func @transform_12(%arg0: i32) -> (i32, i32) {
    %c0_i32 = arith.constant 0 : i32
    %c0_i32_0 = arith.constant 0 : i32
    %c0_i32_1 = arith.constant 0 : i32
    return %c0_i32, %c0_i32_0 : i32, i32
  }
  func.func @transform_13(%arg0: i32) -> (i32, i32) {
    %c0_i32 = arith.constant 0 : i32
    %c0_i32_0 = arith.constant 0 : i32
    %c0_i32_1 = arith.constant 0 : i32
    return %c0_i32, %c0_i32_0 : i32, i32
  }
  func.func @transform_14(%arg0: i32) -> (i32, i32) {
    %c0_i32 = arith.constant 0 : i32
    %c0_i32_0 = arith.constant 0 : i32
    %c0_i32_1 = arith.constant 0 : i32
    return %c0_i32, %c0_i32_0 : i32, i32
  }
  func.func @transform_15(%arg0: i32) -> (i32, i32) {
    %c0_i32 = arith.constant 0 : i32
    %c0_i32_0 = arith.constant 0 : i32
    %c0_i32_1 = arith.constant 0 : i32
    return %c0_i32, %c0_i32_0 : i32, i32
  }
  func.func @transform_16(%arg0: i32) -> (i32, i32) {
    %c0_i32 = arith.constant 0 : i32
    %c0_i32_0 = arith.constant 0 : i32
    %c0_i32_1 = arith.constant 0 : i32
    return %c0_i32, %c0_i32_0 : i32, i32
  }
  func.func @transform_17(%arg0: i32) -> (i32, i32) {
    %add3A = arith.constant 125 : i32
    %add3A_0 = arith.addi %arg0, %add3A : i32
    %jit3A = arith.constant 128 : i32
    %eq3A = arith.constant 0 : i32
    %eq3A_1 = arith.cmpi eq, %jit3A, %eq3A : i32
    %jit3A_2 = arith.constant 1 : i32
    %select_n3A = arith.select %eq3A_1, %jit3A_2, %jit3A : i32
    %rem3A = arith.remsi %add3A_0, %select_n3A : i32
    %ne3A = arith.constant 0 : i32
    %ne3A_3 = arith.cmpi ne, %rem3A, %ne3A : i32
    %lt3A = arith.constant 0 : i32
    %lt3A_4 = arith.cmpi slt, %rem3A, %lt3A : i32
    %lt3A_5 = arith.constant 0 : i32
    %lt3A_6 = arith.cmpi slt, %select_n3A, %lt3A_5 : i32
    %ne3A_7 = arith.xori %lt3A_4, %lt3A_6 : i1
    %and3A = arith.andi %ne3A_7, %ne3A_3 : i1
    %add3A_8 = arith.addi %rem3A, %select_n3A : i32
    %select_n3A_9 = arith.select %and3A, %add3A_8, %rem3A : i32
    %c0_i32 = arith.constant 0 : i32
    %c0_i32_10 = arith.constant 0 : i32
    return %select_n3A_9, %c0_i32 : i32, i32
  }
  func.func @transform_18(%arg0: i32) -> (i32, i32) {
    %add3A = arith.constant 125 : i32
    %add3A_0 = arith.addi %arg0, %add3A : i32
    %jit3A = arith.constant 128 : i32
    %eq3A = arith.constant 0 : i32
    %eq3A_1 = arith.cmpi eq, %jit3A, %eq3A : i32
    %jit3A_2 = arith.constant 1 : i32
    %select_n3A = arith.select %eq3A_1, %jit3A_2, %jit3A : i32
    %rem3A = arith.remsi %add3A_0, %select_n3A : i32
    %ne3A = arith.constant 0 : i32
    %ne3A_3 = arith.cmpi ne, %rem3A, %ne3A : i32
    %lt3A = arith.constant 0 : i32
    %lt3A_4 = arith.cmpi slt, %rem3A, %lt3A : i32
    %lt3A_5 = arith.constant 0 : i32
    %lt3A_6 = arith.cmpi slt, %select_n3A, %lt3A_5 : i32
    %ne3A_7 = arith.xori %lt3A_4, %lt3A_6 : i1
    %and3A = arith.andi %ne3A_7, %ne3A_3 : i1
    %add3A_8 = arith.addi %rem3A, %select_n3A : i32
    %select_n3A_9 = arith.select %and3A, %add3A_8, %rem3A : i32
    %min3A = arith.constant 124 : i32
    %min3A_10 = arith.minsi %select_n3A_9, %min3A : i32
    %c0_i32 = arith.constant 0 : i32
    %c0_i32_11 = arith.constant 0 : i32
    return %min3A_10, %c0_i32 : i32, i32
  }
  func.func @transform_19(%arg0: i32) -> (i32, i32) {
    %c0_i32 = arith.constant 0 : i32
    %c0_i32_0 = arith.constant 0 : i32
    %c0_i32_1 = arith.constant 0 : i32
    return %c0_i32, %c0_i32_0 : i32, i32
  }
}

module attributes {stable_mosaic.version = 14 : i64} {
  func.func @_node_body(%arg0: i32, %arg1: memref<1x1x2000xi32, #tpu.memory_space<vmem>>, %arg2: memref<2000x128xf32, #tpu.memory_space<vmem>>, %arg3: memref<2x2000x128xf32, #tpu.memory_space<vmem>>, %arg4: memref<64x64xf32, #tpu.memory_space<vmem>>, %arg5: memref<128x128xf32, #tpu.memory_space<vmem>>, %arg6: memref<128x128xf32, #tpu.memory_space<vmem>>, %arg7: memref<64x128xf32, #tpu.memory_space<vmem>>, %arg8: memref<1x128xf32, #tpu.memory_space<vmem>>, %arg9: memref<128x128xf32, #tpu.memory_space<vmem>>, %arg10: memref<1x128xf32, #tpu.memory_space<vmem>>, %arg11: memref<2000x128xf32, #tpu.memory_space<vmem>>, %arg12: memref<64x128xf32, #tpu.memory_space<vmem>>) attributes {dimension_semantics = [#tpu.dimension_semantics<arbitrary>], iteration_bounds = array<i64: 5>, scalar_prefetch = 0 : i64, scratch_operands = 0 : i64, tpu.core_type = #tpu.core_type<tc>, window_params = [{transform_indices = @transform_0, window_bounds = array<i64: 1, 1, 2000>}, {transform_indices = @transform_1, window_bounds = array<i64: 2000, 128>}, {transform_indices = @transform_2, window_bounds = array<i64: 2, 2000, 128>}, {pipeline_mode = #tpu.pipeline_mode<synchronous>, transform_indices = @transform_3, window_bounds = array<i64: 64, 64>}, {pipeline_mode = #tpu.pipeline_mode<synchronous>, transform_indices = @transform_4, window_bounds = array<i64: 128, 128>}, {pipeline_mode = #tpu.pipeline_mode<synchronous>, transform_indices = @transform_5, window_bounds = array<i64: 128, 128>}, {pipeline_mode = #tpu.pipeline_mode<synchronous>, transform_indices = @transform_6, window_bounds = array<i64: 64, 128>}, {pipeline_mode = #tpu.pipeline_mode<synchronous>, transform_indices = @transform_7, window_bounds = array<i64: 1, 128>}, {pipeline_mode = #tpu.pipeline_mode<synchronous>, transform_indices = @transform_8, window_bounds = array<i64: 128, 128>}, {pipeline_mode = #tpu.pipeline_mode<synchronous>, transform_indices = @transform_9, window_bounds = array<i64: 1, 128>}, {transform_indices = @transform_10, window_bounds = array<i64: 2000, 128>}, {pipeline_mode = #tpu.pipeline_mode<synchronous>, transform_indices = @transform_11, window_bounds = array<i64: 64, 128>}]} {
    %get3A = arith.constant 0 : index
    %get3A_0 = arith.constant 0 : index
    %get3A_1 = vector.load %arg2[%get3A, %get3A_0] : memref<2000x128xf32, #tpu.memory_space<vmem>>, vector<2000x128xf32>
    %get3A_2 = arith.constant 0 : index
    %get3A_3 = arith.constant 0 : index
    %get3A_4 = arith.constant 0 : index
    %get3A_5 = vector.load %arg3[%get3A_2, %get3A_3, %get3A_4] : memref<2x2000x128xf32, #tpu.memory_space<vmem>>, vector<1x2000x128xf32>
    %get3A_6 = vector.shape_cast %get3A_5 : vector<1x2000x128xf32> to vector<2000x128xf32>
    %get3A_7 = arith.constant 1 : index
    %get3A_8 = arith.constant 0 : index
    %get3A_9 = arith.constant 0 : index
    %get3A_10 = vector.load %arg3[%get3A_7, %get3A_8, %get3A_9] : memref<2x2000x128xf32, #tpu.memory_space<vmem>>, vector<1x2000x128xf32>
    %get3A_11 = vector.shape_cast %get3A_10 : vector<1x2000x128xf32> to vector<2000x128xf32>
    %add3A = arith.addf %get3A_6, %get3A_11 : vector<2000x128xf32>
    %get3A_12 = arith.constant 0 : index
    %get3A_13 = arith.constant 0 : index
    %get3A_14 = arith.constant 0 : index
    %get3A_15 = vector.load %arg1[%get3A_12, %get3A_13, %get3A_14] : memref<1x1x2000xi32, #tpu.memory_space<vmem>>, vector<1x1x2000xi32>
    %get3A_16 = vector.shape_cast %get3A_15 : vector<1x1x2000xi32> to vector<2000xi32>
    %broadcast_in_dim3A = vector.shape_cast %get3A_16 : vector<2000xi32> to vector<2000x1xi32>
    %iota3A = tpu.iota {dimensions = array<i32: 1>} : vector<2000x64xi32>
    %eq3A = vector.broadcast %broadcast_in_dim3A : vector<2000x1xi32> to vector<2000x64xi32>
    %eq3A_17 = arith.cmpi eq, %eq3A, %iota3A : vector<2000x64xi32>
    %convert_element_type3A = arith.extui %eq3A_17 : vector<2000x64xi1> to vector<2000x64xi32>
    %convert_element_type3A_18 = arith.sitofp %convert_element_type3A : vector<2000x64xi32> to vector<2000x64xf32>
    %get3A_19 = arith.constant 0 : index
    %get3A_20 = arith.constant 0 : index
    %get3A_21 = vector.load %arg4[%get3A_19, %get3A_20] : memref<64x64xf32, #tpu.memory_space<vmem>>, vector<64x64xf32>
    %get3A_22 = arith.constant 0 : index
    %get3A_23 = arith.constant 0 : index
    %get3A_24 = vector.load %arg7[%get3A_22, %get3A_23] : memref<64x128xf32, #tpu.memory_space<vmem>>, vector<64x128xf32>
    %dot_general3A = arith.constant dense<0.000000e+00> : vector<64x128xf32>
    %dot_general3A_25 = tpu.matmul %get3A_21, %get3A_24, %dot_general3A {dimension_numbers = #tpu.dot_dimension_numbers<[1], [0], [0], [1], [0, 0, 1, 1], [], []>, transpose_lhs_hint = false} : vector<64x64xf32>, vector<64x128xf32>, vector<64x128xf32> -> vector<64x128xf32>
    %get3A_26 = arith.constant 0 : index
    %get3A_27 = arith.constant 0 : index
    %get3A_28 = vector.load %arg5[%get3A_26, %get3A_27] : memref<128x128xf32, #tpu.memory_space<vmem>>, vector<128x128xf32>
    %dot_general3A_29 = arith.constant dense<0.000000e+00> : vector<2000x128xf32>
    %dot_general3A_30 = tpu.matmul %get3A_1, %get3A_28, %dot_general3A_29 {dimension_numbers = #tpu.dot_dimension_numbers<[1], [0], [0], [1], [0, 0, 1, 1], [], []>, transpose_lhs_hint = false} : vector<2000x128xf32>, vector<128x128xf32>, vector<2000x128xf32> -> vector<2000x128xf32>
    %get3A_31 = arith.constant 0 : index
    %get3A_32 = arith.constant 0 : index
    %get3A_33 = vector.load %arg6[%get3A_31, %get3A_32] : memref<128x128xf32, #tpu.memory_space<vmem>>, vector<128x128xf32>
    %dot_general3A_34 = arith.constant dense<0.000000e+00> : vector<2000x128xf32>
    %dot_general3A_35 = tpu.matmul %add3A, %get3A_33, %dot_general3A_34 {dimension_numbers = #tpu.dot_dimension_numbers<[1], [0], [0], [1], [0, 0, 1, 1], [], []>, transpose_lhs_hint = false} : vector<2000x128xf32>, vector<128x128xf32>, vector<2000x128xf32> -> vector<2000x128xf32>
    %add3A_36 = arith.addf %dot_general3A_30, %dot_general3A_35 : vector<2000x128xf32>
    %dot_general3A_37 = arith.constant dense<0.000000e+00> : vector<2000x128xf32>
    %dot_general3A_38 = tpu.matmul %convert_element_type3A_18, %dot_general3A_25, %dot_general3A_37 {dimension_numbers = #tpu.dot_dimension_numbers<[1], [0], [0], [1], [0, 0, 1, 1], [], []>, transpose_lhs_hint = false} : vector<2000x64xf32>, vector<64x128xf32>, vector<2000x128xf32> -> vector<2000x128xf32>
    %add3A_39 = arith.addf %add3A_36, %dot_general3A_38 : vector<2000x128xf32>
    %get3A_40 = arith.constant 0 : index
    %get3A_41 = arith.constant 0 : index
    %get3A_42 = vector.load %arg8[%get3A_40, %get3A_41] : memref<1x128xf32, #tpu.memory_space<vmem>>, vector<1x128xf32>
    %add3A_43 = vector.broadcast %get3A_42 : vector<1x128xf32> to vector<2000x128xf32>
    %add3A_44 = arith.addf %add3A_39, %add3A_43 : vector<2000x128xf32>
    %max3A = arith.constant 0.000000e+00 : f32
    %max3A_45 = vector.broadcast %max3A : f32 to vector<2000x128xf32>
    %max3A_46 = arith.maximumf %add3A_44, %max3A_45 : vector<2000x128xf32>
    %get3A_47 = arith.constant 0 : index
    %get3A_48 = arith.constant 0 : index
    %get3A_49 = vector.load %arg9[%get3A_47, %get3A_48] : memref<128x128xf32, #tpu.memory_space<vmem>>, vector<128x128xf32>
    %dot_general3A_50 = arith.constant dense<0.000000e+00> : vector<2000x128xf32>
    %dot_general3A_51 = tpu.matmul %max3A_46, %get3A_49, %dot_general3A_50 {dimension_numbers = #tpu.dot_dimension_numbers<[1], [0], [0], [1], [0, 0, 1, 1], [], []>, transpose_lhs_hint = false} : vector<2000x128xf32>, vector<128x128xf32>, vector<2000x128xf32> -> vector<2000x128xf32>
    %get3A_52 = arith.constant 0 : index
    %get3A_53 = arith.constant 0 : index
    %get3A_54 = vector.load %arg10[%get3A_52, %get3A_53] : memref<1x128xf32, #tpu.memory_space<vmem>>, vector<1x128xf32>
    %add3A_55 = vector.broadcast %get3A_54 : vector<1x128xf32> to vector<2000x128xf32>
    %add3A_56 = arith.addf %dot_general3A_51, %add3A_55 : vector<2000x128xf32>
    %swap3A = arith.constant 0 : index
    %swap3A_57 = arith.constant 0 : index
    %swap3A_58 = vector.load %arg11[%swap3A, %swap3A_57] : memref<2000x128xf32, #tpu.memory_space<vmem>>, vector<2000x128xf32>
    tpu.vector_store %arg11[%swap3A, %swap3A_57], %add3A_56 {strides = array<i32>} : memref<2000x128xf32, #tpu.memory_space<vmem>>, vector<2000x128xf32>,
    %eq3A_59 = arith.constant 0 : i32
    %eq3A_60 = arith.cmpi eq, %arg0, %eq3A_59 : i32
    %convert_element_type3A_61 = arith.extui %eq3A_60 : i1 to i32
    %cond3A = arith.constant 0 : i32
    %cond3A_62 = arith.cmpi ne, %convert_element_type3A_61, %cond3A : i32
    scf.if %cond3A_62 {
      %broadcast_in_dim3A_72 = arith.constant 0.000000e+00 : f32
      %broadcast_in_dim3A_73 = vector.broadcast %broadcast_in_dim3A_72 : f32 to vector<64x128xf32>
      %swap3A_74 = arith.constant 0 : index
      %swap3A_75 = arith.constant 0 : index
      %swap3A_76 = vector.load %arg12[%swap3A_74, %swap3A_75] : memref<64x128xf32, #tpu.memory_space<vmem>>, vector<64x128xf32>
      tpu.vector_store %arg12[%swap3A_74, %swap3A_75], %broadcast_in_dim3A_73 {strides = array<i32>} : memref<64x128xf32, #tpu.memory_space<vmem>>, vector<64x128xf32>,
    } else {
    }
    %get3A_63 = arith.constant 0 : index
    %get3A_64 = arith.constant 0 : index
    %get3A_65 = vector.load %arg12[%get3A_63, %get3A_64] : memref<64x128xf32, #tpu.memory_space<vmem>>, vector<64x128xf32>
    %dot_general3A_66 = arith.constant dense<0.000000e+00> : vector<64x128xf32>
    %dot_general3A_67 = tpu.matmul %convert_element_type3A_18, %add3A_56, %dot_general3A_66 {dimension_numbers = #tpu.dot_dimension_numbers<[0], [0], [1], [1], [0, 1, 1, 1], [], []>, transpose_lhs_hint = false} : vector<2000x64xf32>, vector<2000x128xf32>, vector<64x128xf32> -> vector<64x128xf32>
    %add3A_68 = arith.addf %get3A_65, %dot_general3A_67 : vector<64x128xf32>
    %swap3A_69 = arith.constant 0 : index
    %swap3A_70 = arith.constant 0 : index
    %swap3A_71 = vector.load %arg12[%swap3A_69, %swap3A_70] : memref<64x128xf32, #tpu.memory_space<vmem>>, vector<64x128xf32>
    tpu.vector_store %arg12[%swap3A_69, %swap3A_70], %add3A_68 {strides = array<i32>} : memref<64x128xf32, #tpu.memory_space<vmem>>, vector<64x128xf32>,
    return
  }
  func.func @transform_0(%arg0: i32) -> (i32, i32, i32) {
    %c0_i32 = arith.constant 0 : i32
    %c0_i32_0 = arith.constant 0 : i32
    %c0_i32_1 = arith.constant 0 : i32
    return %arg0, %c0_i32, %c0_i32_0 : i32, i32, i32
  }
  func.func @transform_1(%arg0: i32) -> (i32, i32) {
    %c0_i32 = arith.constant 0 : i32
    %c0_i32_0 = arith.constant 0 : i32
    return %arg0, %c0_i32 : i32, i32
  }
  func.func @transform_2(%arg0: i32) -> (i32, i32, i32) {
    %c0_i32 = arith.constant 0 : i32
    %c0_i32_0 = arith.constant 0 : i32
    %c0_i32_1 = arith.constant 0 : i32
    return %c0_i32, %arg0, %c0_i32_0 : i32, i32, i32
  }
  func.func @transform_3(%arg0: i32) -> (i32, i32) {
    %c0_i32 = arith.constant 0 : i32
    %c0_i32_0 = arith.constant 0 : i32
    %c0_i32_1 = arith.constant 0 : i32
    return %c0_i32, %c0_i32_0 : i32, i32
  }
  func.func @transform_4(%arg0: i32) -> (i32, i32) {
    %c0_i32 = arith.constant 0 : i32
    %c0_i32_0 = arith.constant 0 : i32
    %c0_i32_1 = arith.constant 0 : i32
    return %c0_i32, %c0_i32_0 : i32, i32
  }
  func.func @transform_5(%arg0: i32) -> (i32, i32) {
    %c0_i32 = arith.constant 0 : i32
    %c0_i32_0 = arith.constant 0 : i32
    %c0_i32_1 = arith.constant 0 : i32
    return %c0_i32, %c0_i32_0 : i32, i32
  }
  func.func @transform_6(%arg0: i32) -> (i32, i32) {
    %c0_i32 = arith.constant 0 : i32
    %c0_i32_0 = arith.constant 0 : i32
    %c0_i32_1 = arith.constant 0 : i32
    return %c0_i32, %c0_i32_0 : i32, i32
  }
  func.func @transform_7(%arg0: i32) -> (i32, i32) {
    %c0_i32 = arith.constant 0 : i32
    %c0_i32_0 = arith.constant 0 : i32
    %c0_i32_1 = arith.constant 0 : i32
    return %c0_i32, %c0_i32_0 : i32, i32
  }
  func.func @transform_8(%arg0: i32) -> (i32, i32) {
    %c0_i32 = arith.constant 0 : i32
    %c0_i32_0 = arith.constant 0 : i32
    %c0_i32_1 = arith.constant 0 : i32
    return %c0_i32, %c0_i32_0 : i32, i32
  }
  func.func @transform_9(%arg0: i32) -> (i32, i32) {
    %c0_i32 = arith.constant 0 : i32
    %c0_i32_0 = arith.constant 0 : i32
    %c0_i32_1 = arith.constant 0 : i32
    return %c0_i32, %c0_i32_0 : i32, i32
  }
  func.func @transform_10(%arg0: i32) -> (i32, i32) {
    %c0_i32 = arith.constant 0 : i32
    %c0_i32_0 = arith.constant 0 : i32
    return %arg0, %c0_i32 : i32, i32
  }
  func.func @transform_11(%arg0: i32) -> (i32, i32) {
    %c0_i32 = arith.constant 0 : i32
    %c0_i32_0 = arith.constant 0 : i32
    %c0_i32_1 = arith.constant 0 : i32
    return %c0_i32, %c0_i32_0 : i32, i32
  }
}

module attributes {stable_mosaic.version = 14 : i64} {
  func.func @_global_body(%arg0: i32, %arg1: memref<64x64xf32, #tpu.memory_space<vmem>>, %arg2: memref<64x128xf32, #tpu.memory_space<vmem>>, %arg3: memref<64x16xf32, #tpu.memory_space<vmem>>, %arg4: memref<64x64xf32, #tpu.memory_space<vmem>>, %arg5: memref<128x64xf32, #tpu.memory_space<vmem>>, %arg6: memref<16x64xf32, #tpu.memory_space<vmem>>, %arg7: memref<1x64xf32, #tpu.memory_space<vmem>>, %arg8: memref<64x64xf32, #tpu.memory_space<vmem>>, %arg9: memref<1x64xf32, #tpu.memory_space<vmem>>, %arg10: memref<64x64xf32, #tpu.memory_space<vmem>>) attributes {dimension_semantics = [#tpu.dimension_semantics<arbitrary>], iteration_bounds = array<i64: 1>, scalar_prefetch = 0 : i64, scratch_operands = 0 : i64, tpu.core_type = #tpu.core_type<tc>, window_params = [{pipeline_mode = #tpu.pipeline_mode<synchronous>, transform_indices = @transform_0, window_bounds = array<i64: 64, 64>}, {pipeline_mode = #tpu.pipeline_mode<synchronous>, transform_indices = @transform_1, window_bounds = array<i64: 64, 128>}, {pipeline_mode = #tpu.pipeline_mode<synchronous>, transform_indices = @transform_2, window_bounds = array<i64: 64, 16>}, {pipeline_mode = #tpu.pipeline_mode<synchronous>, transform_indices = @transform_3, window_bounds = array<i64: 64, 64>}, {pipeline_mode = #tpu.pipeline_mode<synchronous>, transform_indices = @transform_4, window_bounds = array<i64: 128, 64>}, {pipeline_mode = #tpu.pipeline_mode<synchronous>, transform_indices = @transform_5, window_bounds = array<i64: 16, 64>}, {pipeline_mode = #tpu.pipeline_mode<synchronous>, transform_indices = @transform_6, window_bounds = array<i64: 1, 64>}, {pipeline_mode = #tpu.pipeline_mode<synchronous>, transform_indices = @transform_7, window_bounds = array<i64: 64, 64>}, {pipeline_mode = #tpu.pipeline_mode<synchronous>, transform_indices = @transform_8, window_bounds = array<i64: 1, 64>}, {pipeline_mode = #tpu.pipeline_mode<synchronous>, transform_indices = @transform_9, window_bounds = array<i64: 64, 64>}]} {
    %get3A = arith.constant 0 : index
    %get3A_0 = arith.constant 0 : index
    %get3A_1 = vector.load %arg1[%get3A, %get3A_0] : memref<64x64xf32, #tpu.memory_space<vmem>>, vector<64x64xf32>
    %get3A_2 = arith.constant 0 : index
    %get3A_3 = arith.constant 0 : index
    %get3A_4 = vector.load %arg4[%get3A_2, %get3A_3] : memref<64x64xf32, #tpu.memory_space<vmem>>, vector<64x64xf32>
    %dot_general3A = arith.constant dense<0.000000e+00> : vector<64x64xf32>
    %dot_general3A_5 = tpu.matmul %get3A_1, %get3A_4, %dot_general3A {dimension_numbers = #tpu.dot_dimension_numbers<[1], [0], [0], [1], [0, 0, 1, 1], [], []>, transpose_lhs_hint = false} : vector<64x64xf32>, vector<64x64xf32>, vector<64x64xf32> -> vector<64x64xf32>
    %get3A_6 = arith.constant 0 : index
    %get3A_7 = arith.constant 0 : index
    %get3A_8 = vector.load %arg2[%get3A_6, %get3A_7] : memref<64x128xf32, #tpu.memory_space<vmem>>, vector<64x128xf32>
    %get3A_9 = arith.constant 0 : index
    %get3A_10 = arith.constant 0 : index
    %get3A_11 = vector.load %arg5[%get3A_9, %get3A_10] : memref<128x64xf32, #tpu.memory_space<vmem>>, vector<128x64xf32>
    %dot_general3A_12 = arith.constant dense<0.000000e+00> : vector<64x64xf32>
    %dot_general3A_13 = tpu.matmul %get3A_8, %get3A_11, %dot_general3A_12 {dimension_numbers = #tpu.dot_dimension_numbers<[1], [0], [0], [1], [0, 0, 1, 1], [], []>, transpose_lhs_hint = false} : vector<64x128xf32>, vector<128x64xf32>, vector<64x64xf32> -> vector<64x64xf32>
    %add3A = arith.addf %dot_general3A_5, %dot_general3A_13 : vector<64x64xf32>
    %get3A_14 = arith.constant 0 : index
    %get3A_15 = arith.constant 0 : index
    %get3A_16 = vector.load %arg3[%get3A_14, %get3A_15] : memref<64x16xf32, #tpu.memory_space<vmem>>, vector<64x16xf32>
    %get3A_17 = arith.constant 0 : index
    %get3A_18 = arith.constant 0 : index
    %get3A_19 = vector.load %arg6[%get3A_17, %get3A_18] : memref<16x64xf32, #tpu.memory_space<vmem>>, vector<16x64xf32>
    %dot_general3A_20 = arith.constant dense<0.000000e+00> : vector<64x64xf32>
    %dot_general3A_21 = tpu.matmul %get3A_16, %get3A_19, %dot_general3A_20 {dimension_numbers = #tpu.dot_dimension_numbers<[1], [0], [0], [1], [0, 0, 1, 1], [], []>, transpose_lhs_hint = false} : vector<64x16xf32>, vector<16x64xf32>, vector<64x64xf32> -> vector<64x64xf32>
    %add3A_22 = arith.addf %add3A, %dot_general3A_21 : vector<64x64xf32>
    %get3A_23 = arith.constant 0 : index
    %get3A_24 = arith.constant 0 : index
    %get3A_25 = vector.load %arg7[%get3A_23, %get3A_24] : memref<1x64xf32, #tpu.memory_space<vmem>>, vector<1x64xf32>
    %add3A_26 = vector.broadcast %get3A_25 : vector<1x64xf32> to vector<64x64xf32>
    %add3A_27 = arith.addf %add3A_22, %add3A_26 : vector<64x64xf32>
    %max3A = arith.constant 0.000000e+00 : f32
    %max3A_28 = vector.broadcast %max3A : f32 to vector<64x64xf32>
    %max3A_29 = arith.maximumf %add3A_27, %max3A_28 : vector<64x64xf32>
    %get3A_30 = arith.constant 0 : index
    %get3A_31 = arith.constant 0 : index
    %get3A_32 = vector.load %arg8[%get3A_30, %get3A_31] : memref<64x64xf32, #tpu.memory_space<vmem>>, vector<64x64xf32>
    %dot_general3A_33 = arith.constant dense<0.000000e+00> : vector<64x64xf32>
    %dot_general3A_34 = tpu.matmul %max3A_29, %get3A_32, %dot_general3A_33 {dimension_numbers = #tpu.dot_dimension_numbers<[1], [0], [0], [1], [0, 0, 1, 1], [], []>, transpose_lhs_hint = false} : vector<64x64xf32>, vector<64x64xf32>, vector<64x64xf32> -> vector<64x64xf32>
    %get3A_35 = arith.constant 0 : index
    %get3A_36 = arith.constant 0 : index
    %get3A_37 = vector.load %arg9[%get3A_35, %get3A_36] : memref<1x64xf32, #tpu.memory_space<vmem>>, vector<1x64xf32>
    %add3A_38 = vector.broadcast %get3A_37 : vector<1x64xf32> to vector<64x64xf32>
    %add3A_39 = arith.addf %dot_general3A_34, %add3A_38 : vector<64x64xf32>
    %swap3A = arith.constant 0 : index
    %swap3A_40 = arith.constant 0 : index
    %swap3A_41 = vector.load %arg10[%swap3A, %swap3A_40] : memref<64x64xf32, #tpu.memory_space<vmem>>, vector<64x64xf32>
    tpu.vector_store %arg10[%swap3A, %swap3A_40], %add3A_39 {strides = array<i32>} : memref<64x64xf32, #tpu.memory_space<vmem>>, vector<64x64xf32>,
    return
  }
  func.func @transform_0(%arg0: i32) -> (i32, i32) {
    %c0_i32 = arith.constant 0 : i32
    %c0_i32_0 = arith.constant 0 : i32
    %c0_i32_1 = arith.constant 0 : i32
    return %c0_i32, %c0_i32_0 : i32, i32
  }
  func.func @transform_1(%arg0: i32) -> (i32, i32) {
    %c0_i32 = arith.constant 0 : i32
    %c0_i32_0 = arith.constant 0 : i32
    %c0_i32_1 = arith.constant 0 : i32
    return %c0_i32, %c0_i32_0 : i32, i32
  }
  func.func @transform_2(%arg0: i32) -> (i32, i32) {
    %c0_i32 = arith.constant 0 : i32
    %c0_i32_0 = arith.constant 0 : i32
    %c0_i32_1 = arith.constant 0 : i32
    return %c0_i32, %c0_i32_0 : i32, i32
  }
  func.func @transform_3(%arg0: i32) -> (i32, i32) {
    %c0_i32 = arith.constant 0 : i32
    %c0_i32_0 = arith.constant 0 : i32
    %c0_i32_1 = arith.constant 0 : i32
    return %c0_i32, %c0_i32_0 : i32, i32
  }
  func.func @transform_4(%arg0: i32) -> (i32, i32) {
    %c0_i32 = arith.constant 0 : i32
    %c0_i32_0 = arith.constant 0 : i32
    %c0_i32_1 = arith.constant 0 : i32
    return %c0_i32, %c0_i32_0 : i32, i32
  }
  func.func @transform_5(%arg0: i32) -> (i32, i32) {
    %c0_i32 = arith.constant 0 : i32
    %c0_i32_0 = arith.constant 0 : i32
    %c0_i32_1 = arith.constant 0 : i32
    return %c0_i32, %c0_i32_0 : i32, i32
  }
  func.func @transform_6(%arg0: i32) -> (i32, i32) {
    %c0_i32 = arith.constant 0 : i32
    %c0_i32_0 = arith.constant 0 : i32
    %c0_i32_1 = arith.constant 0 : i32
    return %c0_i32, %c0_i32_0 : i32, i32
  }
  func.func @transform_7(%arg0: i32) -> (i32, i32) {
    %c0_i32 = arith.constant 0 : i32
    %c0_i32_0 = arith.constant 0 : i32
    %c0_i32_1 = arith.constant 0 : i32
    return %c0_i32, %c0_i32_0 : i32, i32
  }
  func.func @transform_8(%arg0: i32) -> (i32, i32) {
    %c0_i32 = arith.constant 0 : i32
    %c0_i32_0 = arith.constant 0 : i32
    %c0_i32_1 = arith.constant 0 : i32
    return %c0_i32, %c0_i32_0 : i32, i32
  }
  func.func @transform_9(%arg0: i32) -> (i32, i32) {
    %c0_i32 = arith.constant 0 : i32
    %c0_i32_0 = arith.constant 0 : i32
    %c0_i32_1 = arith.constant 0 : i32
    return %c0_i32, %c0_i32_0 : i32, i32
  }
}

</mosaic_0001>

<sc_bundles>
// kernel: kernel.10.cloned.1.call-start
scs
__scs_entry_jumppad:
0x0: {  	(pc) =	sbr.rel $0x88, $3  }
0x1: {  	(tag) =	ssettag $0x0;
	lr =	simm.s32 $0x1  }
0x2: {  	[smem:$0x3F8C] =	sst lr;
	_ =	strace $0xD0000000  }
0x3: {  	_ = 	snop  }
0x4: {  	_ = 	snop  }
0x5: {  	_ = 	snop  }
0x6: {  	_ = 	snop  }
0x7: {  	_ = 	snop  }
__scs_overlays_trampoline_lowered:
0x8: {  	[smem:$0x3F9B] =	sst s0  }
0x9: {  	[smem:$0x3F9C] =	sst s1  }
0xa: {  	[smem:$0x3F9D] =	sst s2  }
0xb: {  	[smem:$0x3F9E] =	sst s3  }
0xc: {  	[smem:$0x3F9F] =	sst s4  }
0xd: {  	[smem:$0x3FA0] =	sst s5  }
0xe: {  	[smem:$0x3FA1] =	sst s6  }
0xf: {  	[smem:$0x3FA2] =	sst s7  }
0x10: {  	[smem:$0x3FA3] =	sst s8  }
0x11: {  	[smem:$0x3FA4] =	sst s9;
	s0 =	simm.s32 @!p0 $0x0  }
0x12: {  	s1 =	sld [smem:$0x3F8A];
	s0 =	simm.s32 @p0 $0x1  }
0x13: {  	[smem:$0x3FA5] =	sst s0;
	s0 =	simm.s32 @!p1 $0x0  }
0x14: {  	s2 =	sld [smem:$0x3F89];
	s0 =	simm.s32 @p1 $0x1  }
0x15: {  	[smem:$0x3FA6] =	sst s0;
	s0 =	simm.s32 @!p2 $0x0  }
0x16: {  	s3 =	sld [smem:$0x3FDB];
	s0 =	simm.s32 @p2 $0x1  }
0x17: {  	s4 =	simm.s32 $0x1BF5;
	[smem:$0x3FA8] =	sst s0  }
0x18: {  	s0 =	sld [smem:$0x3F8B];
	_ =	swait.ge [sflag:s4], $0x0  }
0x19: {  	s7 =	sld [smem:$0x3F8C]  }
0x1a: {  	s8 =	sadd.s32 $0xFFFFE003, lr  }
0x1b: {  	s9 =	sadd.s32 $0xFFFFFEF7, lr;
	s5 =	simm.s32 $0xFFFFFFFF;
	p2 =	slt.u32 s8, $0xFFFFF086  }
0x1c: {  	p1 =	slt.u32 s9, $0xF7A;
	s5 =	simm.s32 @!p2 $0x0  }
0x1d: {  	s5 =	simm.s32 @p1 $0x1;
	p0 =	seq.s32 s7, s2  }
0x1e: {  	s7 =	smul.u32 @!p0 $0xF7A, s2;
	p2 =	seq.s32 @!p0 s5, $0x0  }
0x1f: {  	s9 =	smul.u32 $0xF7A, s1;
	s8 =	simm.s32 @!p0 $0x1BF5;
	p2 =	por !p2, p0  }
0x20: {  	[sflag:s8] =	ssyncset.s32 @!p0 $0xFFFFF086;
	s6 =	sadd.s32 @!p0 s3, s7;
	s7 =	simm.s32 @!p0 $0x108  }
0x21: {  	s3 =	sadd.s32 s3, s9;
	s6 =	sadd.s32 @!p0 $0x88, s6;
	s7 =	simm.s32 @p2 $0x1082  }
0x22: {  	[simem:s7], [sflag:s8] =	dma.local @!p0 [hbm:s6], $0xF7A  }
0x23: {  	s9 =	sor.u32 $0xD0000000, s2;
	s6 =	simm.s32 $0x108;
	_ =	swait.ge @!p0 [sflag:s8], $0x0  }
0x24: {  	s3 =	sadd.s32 $0x88, s3;
	s6 =	simm.s32 @!p1 $0x1082;
	[sflag:s4] =	ssyncset.s32 $0xFFFFF086  }
0x25: {  	[simem:s6], [sflag:s4] =	dma.local [hbm:s3], $0xF7A  }
0x26: {  	[smem:$0x3F8C] =	sst s1;
	(tag) =	ssettag s2;
	_ =	strace s9  }
0x27: {  	s1 =	sld [smem:$0x3F9C]  }
0x28: {  	s2 =	sld [smem:$0x3F9D]  }
0x29: {  	s4 =	sld [smem:$0x3F9F]  }
0x2a: {  	p0 =	seq.s32 s5, $0x0;
	s5 =	sld [smem:$0x3FA0]  }
0x2b: {  	s6 =	sld [smem:$0x3FA1]  }
0x2c: {  	s7 =	sld [smem:$0x3FA2]  }
0x2d: {  	s3 =	simm.s32 $0x108;
	s8 =	sld [smem:$0x3FA3]  }
0x2e: {  	s3 =	simm.s32 @!p0 $0x1082;
	s9 =	sld [smem:$0x3FA4]  }
0x2f: {  	lr =	sadd.s32 s0, s3;
	s0 =	sld [smem:$0x3F9B]  }
0x30: {  	s3 =	sld [smem:$0x3F9E]  }
0x31: {  	[smem:$0x3FA7] =	sst s10  }
0x32: {  	s10 =	sld [smem:$0x3FA5];
	_ =	sdelay $0x3  }
0x33: {  	p0 =	seq.s32 s10, $0x1;
	s10 =	sld [smem:$0x3FA7];
	_ =	sdelay $0x3  }
0x34: {  	[smem:$0x3FA7] =	sst s10  }
0x35: {  	s10 =	sld [smem:$0x3FA6];
	_ =	sdelay $0x3  }
0x36: {  	p1 =	seq.s32 s10, $0x1;
	s10 =	sld [smem:$0x3FA7];
	_ =	sdelay $0x3  }
0x37: {  	[smem:$0x3FA7] =	sst s10  }
0x38: {  	s10 =	sld [smem:$0x3FA8]  }
0x39: {  	_ = 	snop;
	(pc) =	sbr.ind lr, $3  }
0x3a: {  	_ = 	snop  }
0x3b: {  	_ = 	snop  }
0x3c: {  	p2 =	seq.s32 s10, $0x1;
	s10 =	sld [smem:$0x3FA7]  }
0x3d: {  	_ =	shalt  }
0x3e: {  	_ =	shalt  }
0x3f: {  	_ =	shalt  }
0x40: {  	_ =	shalt  }
0x41: {  	_ =	shalt  }
0x42: {  	_ =	shalt  }
0x43: {  	_ =	shalt  }
0x44: {  	_ =	shalt  }
0x45: {  	_ =	shalt  }
0x46: {  	_ =	shalt  }
0x47: {  	_ =	shalt  }
0x48: {  	_ =	shalt  }
0x49: {  	_ =	shalt  }
0x4a: {  	_ =	shalt  }
0x4b: {  	_ =	shalt  }
0x4c: {  	_ =	shalt  }
0x4d: {  	_ =	shalt  }
0x4e: {  	_ =	shalt  }
0x4f: {  	_ =	shalt  }
0x50: {  	_ =	shalt  }
0x51: {  	_ =	shalt  }
0x52: {  	_ =	shalt  }
0x53: {  	_ =	shalt  }
0x54: {  	_ =	shalt  }
0x55: {  	_ =	shalt  }
0x56: {  	_ =	shalt  }
0x57: {  	_ =	shalt  }
0x58: {  	_ =	shalt  }
0x59: {  	_ =	shalt  }
0x5a: {  	_ =	shalt  }
0x5b: {  	_ =	shalt  }
0x5c: {  	_ =	shalt  }
0x5d: {  	_ =	shalt  }
0x5e: {  	_ =	shalt  }
0x5f: {  	_ =	shalt  }
0x60: {  	_ =	shalt  }
0x61: {  	_ =	shalt  }
0x62: {  	_ =	shalt  }
0x63: {  	_ =	shalt  }
0x64: {  	_ =	shalt  }
0x65: {  	_ =	shalt  }
0x66: {  	_ =	shalt  }
0x67: {  	_ =	shalt  }
0x68: {  	_ =	shalt  }
0x69: {  	_ =	shalt  }
0x6a: {  	_ =	shalt  }
0x6b: {  	_ =	shalt  }
0x6c: {  	_ =	shalt  }
0x6d: {  	_ =	shalt  }
0x6e: {  	_ =	shalt  }
0x6f: {  	_ =	shalt  }
0x70: {  	_ =	shalt  }
0x71: {  	_ =	shalt  }
0x72: {  	_ =	shalt  }
0x73: {  	_ =	shalt  }
0x74: {  	_ =	shalt  }
0x75: {  	_ =	shalt  }
0x76: {  	_ =	shalt  }
0x77: {  	_ =	shalt  }
0x78: {  	_ =	shalt  }
0x79: {  	_ =	shalt  }
0x7a: {  	_ =	shalt  }
0x7b: {  	_ =	shalt  }
0x7c: {  	_ =	shalt  }
0x7d: {  	_ =	shalt  }
0x7e: {  	_ =	shalt  }
0x7f: {  	_ =	shalt  }
0x80: {  	_ =	shalt  }
0x81: {  	_ =	shalt  }
0x82: {  	_ =	shalt  }
0x83: {  	_ =	shalt  }
0x84: {  	_ =	shalt  }
0x85: {  	_ =	shalt  }
0x86: {  	_ =	shalt  }
0x87: {  	_ =	shalt  }
.Lfunc_end0:
.L_simem_size_0:
called_computation.1_lowered:
.L_overlay_start_0:
0x88: {  	s2 =	sld [smem:$0x3FD9]  }
0x89: {  	s3 =	sld [smem:$0x3FFE];
	_ =	sdelay $0x1  }
0x8a: {  	s1 =	srdreg.scid  }
0x8b: {  	s0 =	sand.u32 $0x1, s1  }
0x8c: {  	s14 =	sshll.u32 s0, $0xA;
	s2 =	sadd.s32 s3, s2  }
0x8d: {  	s2 =	sadd.s32 s2, s14  }
0x8e: {  	[smem:$0x3FB3] =	sst s2  }
0x8f: {  	_ = 	snop  }
0x90: {  	s2 =	sld [smem:$0x3FD0];
	_ =	sdelay $0x2  }
0x91: {  	s15 =	simm.s32 $0xA;
	s4 =	simm.s32 $0x10  }
0x92: {  	[smem:s4], [sflag:s15] =	dma.local [hbm:s2], $0x1  }
0x93: {  	_ =	swait.eq [sflag:s15], $0x1  }
0x94: {  	[sflag:s15] =	ssyncset.done $0x0  }
0x95: {  	[sflag:s15] =	ssyncadd.s32 $0xFFFFFFFF  }
0x96: {  	s16 =	sld [smem:$0x10];
	(tm) =	ssettm $0x1  }
0x97: {  	s17 =	sld [smem:$0x3FFB];
	_ =	sdelay $0x3  }
0x98: {  	_ =	strace s17  }
0x99: {  	s3 =	sld [smem:$0x3FFC];
	_ =	sdelay $0x3  }
0x9a: {  	_ =	strace s3  }
0x9b: {  	s3 =	sld [smem:$0x3FFD];
	_ =	sdelay $0x3  }
0x9c: {  	_ =	strace s3  }
0x9d: {  	_ =	strace $0x8FFFFFFF  }
0x9e: {  	s18 =	sld [smem:$0x3FDB];
	_ =	sdelay $0x1  }
0x9f: {  	s19 =	simm.s32 $_scs_section_size  }
0xa0: {  	s5 =	simm.s32 $_size__tile_overlayer_lowered;
	s6 =	simm.s32 $_tile_overlayer_lowered  }
0xa1: {  	s22 =	simm.s32 $0x1BFF;
	s21 =	sshll.u32 s6, $0x1;
	s3 =	sadd.s32 s19, s18  }
0xa2: {  	s7 =	simm.s32 $0x0;
	s20 =	sshll.u32 s5, $0x1;
	s5 =	sadd.s32 s21, s3  }
0xa3: {  	[timem:s7], [sflag:s22] =	dma.local [hbm:s5], s20  }
0xa4: {  	_ =	swait.ge [sflag:s22], s20  }
0xa5: {  	s4 =	ssub.s32 $0x0, s20;
	[sflag:s22] =	ssyncset.done $0x0  }
0xa6: {  	[sflag:s22] =	ssyncadd.s32 s4;
	_ =	sdelay $0x1  }
0xa7: {  	s23 =	simm.s32 $0x1B8B  }
0xa8: {  	_ =	swait.ge [sflag:s23], $0x1  }
0xa9: {  	[sflag:s23] =	ssyncset.done $0x0  }
0xaa: {  	s25 =	simm.s32 $0x1B8E;
	s24 =	sld [smem:$0x3FFE];
	[sflag:s23] =	ssyncadd.s32 $0xFFFFFFFF  }
0xab: {  	s26 =	simm.s32 $execute0_lowered;
	[smem:$0x3FD2] =	sst s25  }
0xac: {  	s5 =	sshll.u32 s26, $0x1;
	_ =	strace $0x80000049;
	[dreg:$0x1] =	wrdreg $0xFFFFFFFF  }
0xad: {  	s28 =	simm.s32 $_size_execute0_lowered;
	s3 =	sadd.s32 s3, s5;
	[dreg:$0x0] =	wrdreg $0x0  }
0xae: {  	s5 =	sshll.u32 s28, $0x1;
	[dreg:$0x2] =	wrdreg s3  }
0xaf: {  	[dreg:$0x3] =	wrdreg s5  }
0xb0: {  	[dreg:$0x4] =	wrdreg $0xC0  }
0xb1: {  	_ =	task [dreg:s7], $0x5FFFF  }
0xb2: {  	[dreg:$0x1] =	wrdreg $0xFFFFFFFF  }
0xb3: {  	[dreg:$0x0] =	wrdreg $0x60  }
0xb4: {  	[dreg:$0x2] =	wrdreg s24  }
0xb5: {  	[dreg:$0x3] =	wrdreg s16  }
0xb6: {  	[dreg:$0x4] =	wrdreg $0x0  }
0xb7: {  	[dreg:$0x5] =	wrdreg $0x9  }
0xb8: {  	_ =	task.clear_ibuf [dreg:s7], $0x6FFFF;
	_ =	strace $0x90000049  }
0xb9: {  	s29 =	simm.s32 $0x9;
	_ =	strace $0x8000004B  }
0xba: {  	_ =	swait.ge [sflag:s29], $0x1  }
0xbb: {  	[sflag:s29] =	ssyncadd.s32 $0xFFFFFFFF  }
0xbc: {  	_ =	strace $0x9000004B  }
0xbd: {  	_ =	sfence  }
0xbe: {  	s30 =	sld [smem:$0x0];
	_ =	sdelay $0x2  }
0xbf: {  	s31 =	sshll.u32 s1, $0xD;
	s1 =	sshrl.u32 s1, $0x2  }
0xc0: {  	s3 =	sand.u32 $0x4000, s31;
	s1 =	sadd.s32 s1, s30  }
0xc1: {  	s0 =	sor.u32 s3, s0;
	s1 =	sshll.u32 s1, $0x11  }
0xc2: {  	s0 =	sor.u32 s1, s0  }
0xc3: {  	s0 =	sadd.s32 $0x8F2B, s0  }
0xc4: {  	[sflag:s0] =	ssyncadd.remote.s32 $0x1  }
0xc5: {  	_ =	sfence.sel $0xFFFF  }
0xc6: {  	[dreg:$0x0] =	wrdreg $0xFFFFFFFF;
	(pc) =	sbr.abs _section_cstart, $3  }
0xc7: {  	[dreg:$0x1] =	wrdreg $0xFFFFFFFF  }
0xc8: {  	_ =	task.clear_ibuf [dreg:s7], $0x2FFFF;
	_ =	strace $0x9FFFFFFF  }
0xc9: {  	(tm) =	ssettm $0x7FFFFFFF  }
tec
execute0_lowered:
.L_overlay_start_1:
0x0: {  	(tag) =	ssettag $0x1  }
0x1: {  	s5 =	rddreg [dreg:$0x0]  }
0x2: {  	s0 =	stileid.u32;
	s7 =	rddreg [dreg:$0x1]  }
0x3: {  	s1 =	srdreg.scid;
	s2 =	rddreg [dreg:$0x2];
	s3 =	simm.s32 $0x0  }
0x4: {  	s16 =	simm.s32 $0x18400;
	s17 =	simm.s32 $0x14100;
	s18 =	simm.s32 $0x14180  }
0x5: {  	s19 =	simm.s32 $0x14200;
	s20 =	simm.s32 $0x14280;
	s6 =	smul.u32 $0x50000, s0  }
0x6: {  	s21 =	simm.s32 $0x14300;
	s22 =	simm.s32 $0x14380;
	s9 =	smul.u32 $0x14000, s0  }
0x7: {  	s8 =	sand.u32 $0x1, s1;
	s1 =	rddreg [dreg:$0x3];
	s12 =	smul.u32 $0xA00, s0  }
0x8: {  	s23 =	simm.s32 $0x0;
	[smem:$0x7FF] =	sst s3;
	s4 =	smul.u32 $0x140000, s8  }
0x9: {  	s29 =	sshll.u32 s0, $0x6;
	_ =	strace $0x8000004A;
	s13 =	smul.u32 $0x500, s8  }
0xa: {  	s11 =	ssub.s32 $0x2, s8;
	s15 =	smul.u32 $0x28000, s8;
	s10 =	sadd.s32 s6, s5  }
0xb: {  	s26 =	sshrl.u32 s11, $0x1;
	s28 =	sshrl.u32 s6, $0x2;
	s30 =	sadd.s32 s12, s7  }
0xc: {  	s12 =	simm.s32 $0x14000;
	s9 =	sadd.s32 s9, s4;
	s4 =	sadd.s32 $0x6200, s5  }
0xd: {  	s11 =	ssub.s32 s11, s26;
	s14 =	sadd.s32 s28, s2;
	s8 =	sadd.s32 s13, s30  }
0xe: {  	s31 =	sadd.s32 s15, s10;
	s13 =	simm.s32 $0x14400;
	s15 =	simm.s32 $0x14080  }
0xf: {  	s9 =	sshrl.u32 s9, $0x3;
	s7 =	smax.u32 s11, $0x1;
	s10 =	sshrl.u32 s14, $0x3  }
0x10: {  	s11 =	simm.s32 $0x1;
	s14 =	simm.s32 $0x80;
	s9 =	sadd.s32 s9, s5  }
0x11: {  	s5 =	sor.u32 $0x1C01, s29;
	s6 =	sadd.s32 $0x8A00, s9;
	s9 =	sadd.s32 $0x13E8800, s31  }
.LBB2_1:
0x12: {  	[spmem:s10], [sflag:s5] =	dma.local [hbm:s4], $0x2800  }
0x13: {  	_ =	swait.ge [sflag:s11], $0x2800  }
0x14: {  	[sflag:s11] =	ssyncset.done $0x0  }
0x15: {  	[sflag:s11] =	ssyncadd.s32 $0xFFFFD800  }
0x16: {  	[bflag:$0x0] =	sbarrier.arrive $0xFFFF  }
0x17: {  	[tilespmem:s12], [sflag:$0x1] =	stream.linear.gather [hbm4b:s8+s3], $0x400, $0x38;
	[tilespmem:$0x1C400] =	vst v63  }
0x18: {  	_ =	swait.ge [sflag:s11], $0x400  }
0x19: {  	[sflag:s11] =	ssyncset.done $0x0  }
0x1a: {  	s24 =	sadd.s32 $0x0, s9;
	[sflag:s11] =	ssyncadd.s32 $0xFFFFFC00  }
0x1b: {  	[tilespmem:s13], [sflag:$0x1] =	stream.linear.gather [hbm4b:s24+s3], $0x8000, $0x38;
	[tilespmem:$0x1C400] =	vst v63  }
0x1c: {  	_ =	swait.ge [sflag:s11], $0x8000  }
0x1d: {  	[sflag:s11] =	ssyncset.done $0x0  }
0x1e: {  	[sflag:s11] =	ssyncadd.s32 $0xFFFF8000  }
0x1f: {  	[spmem:s2] =	stream.indirect.scatter.add.f32 [tilespmem:s13], [sflag:$0x1], $0x80, s12, s14, $0xb8;
	[tilespmem:$0x1C400] =	vst v63  }
0x20: {  	_ =	swait.ge [sflag:s11], $0x4000  }
0x21: {  	[sflag:s11] =	ssyncset.done $0x0  }
0x22: {  	[sflag:s11] =	ssyncadd.s32 $0xFFFFC000  }
0x23: {  	[spmem:s2] =	stream.indirect.scatter.add.f32 [tilespmem:s16], [sflag:$0x1], $0x80, s15, s14, $0xb8;
	[tilespmem:$0x1C400] =	vst v63  }
0x24: {  	_ =	swait.ge [sflag:s11], $0x4000  }
0x25: {  	[sflag:s11] =	ssyncset.done $0x0  }
0x26: {  	s25 =	sadd.s32 $0x1000, s24;
	[sflag:s11] =	ssyncadd.s32 $0xFFFFC000  }
0x27: {  	[tilespmem:s13], [sflag:$0x1] =	stream.linear.gather [hbm4b:s25+s3], $0x8000, $0x38;
	[tilespmem:$0x1C400] =	vst v63  }
0x28: {  	_ =	swait.ge [sflag:s11], $0x8000  }
0x29: {  	[sflag:s11] =	ssyncset.done $0x0  }
0x2a: {  	[sflag:s11] =	ssyncadd.s32 $0xFFFF8000  }
0x2b: {  	[spmem:s2] =	stream.indirect.scatter.add.f32 [tilespmem:s13], [sflag:$0x1], $0x80, s17, s14, $0xb8;
	[tilespmem:$0x1C400] =	vst v63  }
0x2c: {  	_ =	swait.ge [sflag:s11], $0x4000  }
0x2d: {  	[sflag:s11] =	ssyncset.done $0x0  }
0x2e: {  	[sflag:s11] =	ssyncadd.s32 $0xFFFFC000  }
0x2f: {  	[spmem:s2] =	stream.indirect.scatter.add.f32 [tilespmem:s16], [sflag:$0x1], $0x80, s18, s14, $0xb8;
	[tilespmem:$0x1C400] =	vst v63  }
0x30: {  	_ =	swait.ge [sflag:s11], $0x4000  }
0x31: {  	[sflag:s11] =	ssyncset.done $0x0  }
0x32: {  	s31 =	sadd.s32 $0x2000, s24;
	[sflag:s11] =	ssyncadd.s32 $0xFFFFC000  }
0x33: {  	[tilespmem:s13], [sflag:$0x1] =	stream.linear.gather [hbm4b:s31+s3], $0x8000, $0x38;
	[tilespmem:$0x1C400] =	vst v63  }
0x34: {  	_ =	swait.ge [sflag:s11], $0x8000  }
0x35: {  	[sflag:s11] =	ssyncset.done $0x0  }
0x36: {  	[sflag:s11] =	ssyncadd.s32 $0xFFFF8000  }
0x37: {  	[spmem:s2] =	stream.indirect.scatter.add.f32 [tilespmem:s13], [sflag:$0x1], $0x80, s19, s14, $0xb8;
	[tilespmem:$0x1C400] =	vst v63  }
0x38: {  	_ =	swait.ge [sflag:s11], $0x4000  }
0x39: {  	[sflag:s11] =	ssyncset.done $0x0  }
0x3a: {  	[sflag:s11] =	ssyncadd.s32 $0xFFFFC000  }
0x3b: {  	[spmem:s2] =	stream.indirect.scatter.add.f32 [tilespmem:s16], [sflag:$0x1], $0x80, s20, s14, $0xb8;
	[tilespmem:$0x1C400] =	vst v63  }
0x3c: {  	_ =	swait.ge [sflag:s11], $0x4000  }
0x3d: {  	[sflag:s11] =	ssyncset.done $0x0  }
0x3e: {  	s24 =	sadd.s32 $0x3000, s24;
	[sflag:s11] =	ssyncadd.s32 $0xFFFFC000  }
0x3f: {  	[tilespmem:s13], [sflag:$0x1] =	stream.linear.gather [hbm4b:s24+s3], $0x8000, $0x38;
	[tilespmem:$0x1C400] =	vst v63  }
0x40: {  	_ =	swait.ge [sflag:s11], $0x8000  }
0x41: {  	[sflag:s11] =	ssyncset.done $0x0  }
0x42: {  	[sflag:s11] =	ssyncadd.s32 $0xFFFF8000  }
0x43: {  	[spmem:s2] =	stream.indirect.scatter.add.f32 [tilespmem:s13], [sflag:$0x1], $0x80, s21, s14, $0xb8;
	[tilespmem:$0x1C400] =	vst v63  }
0x44: {  	_ =	swait.ge [sflag:s11], $0x4000  }
0x45: {  	[sflag:s11] =	ssyncset.done $0x0  }
0x46: {  	[sflag:s11] =	ssyncadd.s32 $0xFFFFC000  }
0x47: {  	[spmem:s2] =	stream.indirect.scatter.add.f32 [tilespmem:s16], [sflag:$0x1], $0x80, s22, s14, $0xb8;
	[tilespmem:$0x1C400] =	vst v63  }
0x48: {  	_ =	swait.ge [sflag:s11], $0x4000  }
0x49: {  	s25 =	smov.u32 s8;
	s24 =	simm.s32 $0x4000;
	[sflag:s11] =	ssyncset.done $0x0  }
.LBB2_2:
0x4a: {  	p0 =	sne.s32 s24, $0x24000;
	[sflag:s11] =	ssyncadd.s32 $0xFFFFC000;
	s25 =	sadd.s32 $0x80, s25  }
0x4b: {  	[tilespmem:s12], [sflag:$0x1] =	stream.linear.gather [hbm4b:s25+s3], $0x400, $0x38;
	[tilespmem:$0x1C400] =	vst v63  }
0x4c: {  	s26 =	smov.u32 s24;
	s24 =	sadd.s32 $0x4000, s24;
	_ =	swait.ge [sflag:s11], $0x400  }
0x4d: {  	[sflag:s11] =	ssyncset.done $0x0  }
0x4e: {  	s26 =	sadd.s32 s26, s9;
	[sflag:s11] =	ssyncadd.s32 $0xFFFFFC00  }
0x4f: {  	[tilespmem:s13], [sflag:$0x1] =	stream.linear.gather [hbm4b:s26+s3], $0x8000, $0x38;
	[tilespmem:$0x1C400] =	vst v63  }
0x50: {  	_ =	swait.ge [sflag:s11], $0x8000  }
0x51: {  	[sflag:s11] =	ssyncset.done $0x0  }
0x52: {  	[sflag:s11] =	ssyncadd.s32 $0xFFFF8000  }
0x53: {  	[spmem:s2] =	stream.indirect.scatter.add.f32 [tilespmem:s13], [sflag:$0x1], $0x80, s12, s14, $0xb8;
	[tilespmem:$0x1C400] =	vst v63  }
0x54: {  	_ =	swait.ge [sflag:s11], $0x4000  }
0x55: {  	[sflag:s11] =	ssyncset.done $0x0  }
0x56: {  	[sflag:s11] =	ssyncadd.s32 $0xFFFFC000  }
0x57: {  	[spmem:s2] =	stream.indirect.scatter.add.f32 [tilespmem:s16], [sflag:$0x1], $0x80, s15, s14, $0xb8;
	[tilespmem:$0x1C400] =	vst v63  }
0x58: {  	_ =	swait.ge [sflag:s11], $0x4000  }
0x59: {  	[sflag:s11] =	ssyncset.done $0x0  }
0x5a: {  	s28 =	sadd.s32 $0x1000, s26;
	[sflag:s11] =	ssyncadd.s32 $0xFFFFC000  }
0x5b: {  	[tilespmem:s13], [sflag:$0x1] =	stream.linear.gather [hbm4b:s28+s3], $0x8000, $0x38;
	[tilespmem:$0x1C400] =	vst v63  }
0x5c: {  	_ =	swait.ge [sflag:s11], $0x8000  }
0x5d: {  	[sflag:s11] =	ssyncset.done $0x0  }
0x5e: {  	[sflag:s11] =	ssyncadd.s32 $0xFFFF8000  }
0x5f: {  	[spmem:s2] =	stream.indirect.scatter.add.f32 [tilespmem:s13], [sflag:$0x1], $0x80, s17, s14, $0xb8;
	[tilespmem:$0x1C400] =	vst v63  }
0x60: {  	_ =	swait.ge [sflag:s11], $0x4000  }
0x61: {  	[sflag:s11] =	ssyncset.done $0x0  }
0x62: {  	[sflag:s11] =	ssyncadd.s32 $0xFFFFC000  }
0x63: {  	[spmem:s2] =	stream.indirect.scatter.add.f32 [tilespmem:s16], [sflag:$0x1], $0x80, s18, s14, $0xb8;
	[tilespmem:$0x1C400] =	vst v63  }
0x64: {  	_ =	swait.ge [sflag:s11], $0x4000  }
0x65: {  	[sflag:s11] =	ssyncset.done $0x0  }
0x66: {  	s28 =	sadd.s32 $0x2000, s26;
	[sflag:s11] =	ssyncadd.s32 $0xFFFFC000  }
0x67: {  	[tilespmem:s13], [sflag:$0x1] =	stream.linear.gather [hbm4b:s28+s3], $0x8000, $0x38;
	[tilespmem:$0x1C400] =	vst v63  }
0x68: {  	_ =	swait.ge [sflag:s11], $0x8000  }
0x69: {  	[sflag:s11] =	ssyncset.done $0x0  }
0x6a: {  	[sflag:s11] =	ssyncadd.s32 $0xFFFF8000  }
0x6b: {  	[spmem:s2] =	stream.indirect.scatter.add.f32 [tilespmem:s13], [sflag:$0x1], $0x80, s19, s14, $0xb8;
	[tilespmem:$0x1C400] =	vst v63  }
0x6c: {  	_ =	swait.ge [sflag:s11], $0x4000  }
0x6d: {  	[sflag:s11] =	ssyncset.done $0x0  }
0x6e: {  	[sflag:s11] =	ssyncadd.s32 $0xFFFFC000  }
0x6f: {  	[spmem:s2] =	stream.indirect.scatter.add.f32 [tilespmem:s16], [sflag:$0x1], $0x80, s20, s14, $0xb8;
	[tilespmem:$0x1C400] =	vst v63  }
0x70: {  	_ =	swait.ge [sflag:s11], $0x4000  }
0x71: {  	[sflag:s11] =	ssyncset.done $0x0  }
0x72: {  	s26 =	sadd.s32 $0x3000, s26;
	[sflag:s11] =	ssyncadd.s32 $0xFFFFC000  }
0x73: {  	[tilespmem:s13], [sflag:$0x1] =	stream.linear.gather [hbm4b:s26+s3], $0x8000, $0x38;
	[tilespmem:$0x1C400] =	vst v63  }
0x74: {  	_ =	swait.ge [sflag:s11], $0x8000  }
0x75: {  	[sflag:s11] =	ssyncset.done $0x0  }
0x76: {  	[sflag:s11] =	ssyncadd.s32 $0xFFFF8000  }
0x77: {  	[spmem:s2] =	stream.indirect.scatter.add.f32 [tilespmem:s13], [sflag:$0x1], $0x80, s21, s14, $0xb8;
	[tilespmem:$0x1C400] =	vst v63  }
0x78: {  	_ =	swait.ge [sflag:s11], $0x4000  }
.Ltmp0:
0x79: {  	[sflag:s11] =	ssyncset.done $0x0;
	(pc) =	sbr.rel @p0 .LBB2_2-.Ltmp0, $4  }
0x7a: {  	[sflag:s11] =	ssyncadd.s32 $0xFFFFC000  }
0x7b: {  	[spmem:s2] =	stream.indirect.scatter.add.f32 [tilespmem:s16], [sflag:$0x1], $0x80, s22, s14, $0xb8;
	[tilespmem:$0x1C400] =	vst v63  }
0x7c: {  	_ =	swait.ge [sflag:s11], $0x4000  }
0x7d: {  	[sflag:s11] =	ssyncset.done $0x0  }
0x7e: {  	s23 =	sadd.s32 $0x1, s23  }
0x7f: {  	[sflag:s11] =	ssyncadd.s32 $0xFFFFC000;
	p0 =	sne.s32 s23, s7  }
.Ltmp1:
0x80: {  	[bflag:$0x0] =	sbarrier.arrive $0xFFFF;
	(pc) =	sbr.rel @p0 .LBB2_1-.Ltmp1, $4  }
0x81: {  	[hbm:s6], [sflag:s5] =	dma.local [spmem:s10], $0x2800  }
0x82: {  	_ =	swait.ge [sflag:s11], $0x2800  }
0x83: {  	[sflag:s11] =	ssyncset.done $0x0  }
0x84: {  	[sflag:s11] =	ssyncadd.s32 $0xFFFFD800  }
0x85: {  	_ =	sfence.sel $0x180000  }
0x86: {  	[bflag:$0x0] =	sbarrier.arrive $0xFFFF  }
0x87: {  	p0 =	sne.s32 s0, $0x0;
	_ =	strace $0x9000004A  }
0x88: {  	s0 =	sadd.s32 @!p0 $0x100000, s1;
	[bflag:$0x2] =	sbarrier.arrive $0xFFFF  }
0x89: {  	[sflag:s0] =	ssyncadd.tile.s32 @!p0 $0x1;
	_ =	shalt  }
.Lfunc_end2:
_tile_overlayer_lowered:
.L_overlay_start_2:
0x8a: {  	(tag) =	ssettag $0x2  }
0x8b: {  	s0 =	rddreg [dreg:$0x0];
	s2 =	stileid.u32  }
0x8c: {  	s1 =	rddreg [dreg:$0x1];
	p0 =	sne.s32 s2, $0x0  }
0x8d: {  	s3 =	rddreg [dreg:$0x2];
	[bflag:$0x3] =	sbarrier.arrive $0xFFFF;
	s2 =	simm.s32 @!p0 $0x1C01  }
0x8e: {  	[timem:s3], [sflag:s2] =	dma.local @!p0 [hbm:s0], s1  }
0x8f: {  	s0 =	simm.s32 @!p0 $0x1  }
0x90: {  	_ =	swait.ge @!p0 [sflag:s0], s1  }
0x91: {  	s1 =	ssub.s32 @!p0 $0x0, s1;
	[sflag:s0] =	ssyncset.done @!p0 $0x0  }
0x92: {  	[sflag:s0] =	ssyncadd.s32 @!p0 s1  }
0x93: {  	[bflag:$0x3] =	sbarrier.arrive $0xFFFF  }
0x94: {  	_ =	shalt  }

// kernel: kernel.7.cloned.1.call-start
scs
__scs_entry_jumppad:
0x0: {  	(pc) =	sbr.rel $0x88, $3  }
0x1: {  	(tag) =	ssettag $0x0;
	lr =	simm.s32 $0x1  }
0x2: {  	[smem:$0x3F8C] =	sst lr;
	_ =	strace $0xD0000000  }
0x3: {  	_ = 	snop  }
0x4: {  	_ = 	snop  }
0x5: {  	_ = 	snop  }
0x6: {  	_ = 	snop  }
0x7: {  	_ = 	snop  }
__scs_overlays_trampoline_lowered:
0x8: {  	[smem:$0x3F9B] =	sst s0  }
0x9: {  	[smem:$0x3F9C] =	sst s1  }
0xa: {  	[smem:$0x3F9D] =	sst s2  }
0xb: {  	[smem:$0x3F9E] =	sst s3  }
0xc: {  	[smem:$0x3F9F] =	sst s4  }
0xd: {  	[smem:$0x3FA0] =	sst s5  }
0xe: {  	[smem:$0x3FA1] =	sst s6  }
0xf: {  	[smem:$0x3FA2] =	sst s7  }
0x10: {  	[smem:$0x3FA3] =	sst s8  }
0x11: {  	[smem:$0x3FA4] =	sst s9;
	s0 =	simm.s32 @!p0 $0x0  }
0x12: {  	s1 =	sld [smem:$0x3F8A];
	s0 =	simm.s32 @p0 $0x1  }
0x13: {  	[smem:$0x3FA5] =	sst s0;
	s0 =	simm.s32 @!p1 $0x0  }
0x14: {  	s2 =	sld [smem:$0x3F89];
	s0 =	simm.s32 @p1 $0x1  }
0x15: {  	[smem:$0x3FA6] =	sst s0;
	s0 =	simm.s32 @!p2 $0x0  }
0x16: {  	s3 =	sld [smem:$0x3FDB];
	s0 =	simm.s32 @p2 $0x1  }
0x17: {  	s4 =	simm.s32 $0x1BF5;
	[smem:$0x3FA8] =	sst s0  }
0x18: {  	s0 =	sld [smem:$0x3F8B];
	_ =	swait.ge [sflag:s4], $0x0  }
0x19: {  	s7 =	sld [smem:$0x3F8C]  }
0x1a: {  	s8 =	sadd.s32 $0xFFFFE003, lr  }
0x1b: {  	s9 =	sadd.s32 $0xFFFFFEF7, lr;
	s5 =	simm.s32 $0xFFFFFFFF;
	p2 =	slt.u32 s8, $0xFFFFF086  }
0x1c: {  	p1 =	slt.u32 s9, $0xF7A;
	s5 =	simm.s32 @!p2 $0x0  }
0x1d: {  	s5 =	simm.s32 @p1 $0x1;
	p0 =	seq.s32 s7, s2  }
0x1e: {  	s7 =	smul.u32 @!p0 $0xF7A, s2;
	p2 =	seq.s32 @!p0 s5, $0x0  }
0x1f: {  	s9 =	smul.u32 $0xF7A, s1;
	s8 =	simm.s32 @!p0 $0x1BF5;
	p2 =	por !p2, p0  }
0x20: {  	[sflag:s8] =	ssyncset.s32 @!p0 $0xFFFFF086;
	s6 =	sadd.s32 @!p0 s3, s7;
	s7 =	simm.s32 @!p0 $0x108  }
0x21: {  	s3 =	sadd.s32 s3, s9;
	s6 =	sadd.s32 @!p0 $0x88, s6;
	s7 =	simm.s32 @p2 $0x1082  }
0x22: {  	[simem:s7], [sflag:s8] =	dma.local @!p0 [hbm:s6], $0xF7A  }
0x23: {  	s9 =	sor.u32 $0xD0000000, s2;
	s6 =	simm.s32 $0x108;
	_ =	swait.ge @!p0 [sflag:s8], $0x0  }
0x24: {  	s3 =	sadd.s32 $0x88, s3;
	s6 =	simm.s32 @!p1 $0x1082;
	[sflag:s4] =	ssyncset.s32 $0xFFFFF086  }
0x25: {  	[simem:s6], [sflag:s4] =	dma.local [hbm:s3], $0xF7A  }
0x26: {  	[smem:$0x3F8C] =	sst s1;
	(tag) =	ssettag s2;
	_ =	strace s9  }
0x27: {  	s1 =	sld [smem:$0x3F9C]  }
0x28: {  	s2 =	sld [smem:$0x3F9D]  }
0x29: {  	s4 =	sld [smem:$0x3F9F]  }
0x2a: {  	p0 =	seq.s32 s5, $0x0;
	s5 =	sld [smem:$0x3FA0]  }
0x2b: {  	s6 =	sld [smem:$0x3FA1]  }
0x2c: {  	s7 =	sld [smem:$0x3FA2]  }
0x2d: {  	s3 =	simm.s32 $0x108;
	s8 =	sld [smem:$0x3FA3]  }
0x2e: {  	s3 =	simm.s32 @!p0 $0x1082;
	s9 =	sld [smem:$0x3FA4]  }
0x2f: {  	lr =	sadd.s32 s0, s3;
	s0 =	sld [smem:$0x3F9B]  }
0x30: {  	s3 =	sld [smem:$0x3F9E]  }
0x31: {  	[smem:$0x3FA7] =	sst s10  }
0x32: {  	s10 =	sld [smem:$0x3FA5];
	_ =	sdelay $0x3  }
0x33: {  	p0 =	seq.s32 s10, $0x1;
	s10 =	sld [smem:$0x3FA7];
	_ =	sdelay $0x3  }
0x34: {  	[smem:$0x3FA7] =	sst s10  }
0x35: {  	s10 =	sld [smem:$0x3FA6];
	_ =	sdelay $0x3  }
0x36: {  	p1 =	seq.s32 s10, $0x1;
	s10 =	sld [smem:$0x3FA7];
	_ =	sdelay $0x3  }
0x37: {  	[smem:$0x3FA7] =	sst s10  }
0x38: {  	s10 =	sld [smem:$0x3FA8]  }
0x39: {  	_ = 	snop;
	(pc) =	sbr.ind lr, $3  }
0x3a: {  	_ = 	snop  }
0x3b: {  	_ = 	snop  }
0x3c: {  	p2 =	seq.s32 s10, $0x1;
	s10 =	sld [smem:$0x3FA7]  }
0x3d: {  	_ =	shalt  }
0x3e: {  	_ =	shalt  }
0x3f: {  	_ =	shalt  }
0x40: {  	_ =	shalt  }
0x41: {  	_ =	shalt  }
0x42: {  	_ =	shalt  }
0x43: {  	_ =	shalt  }
0x44: {  	_ =	shalt  }
0x45: {  	_ =	shalt  }
0x46: {  	_ =	shalt  }
0x47: {  	_ =	shalt  }
0x48: {  	_ =	shalt  }
0x49: {  	_ =	shalt  }
0x4a: {  	_ =	shalt  }
0x4b: {  	_ =	shalt  }
0x4c: {  	_ =	shalt  }
0x4d: {  	_ =	shalt  }
0x4e: {  	_ =	shalt  }
0x4f: {  	_ =	shalt  }
0x50: {  	_ =	shalt  }
0x51: {  	_ =	shalt  }
0x52: {  	_ =	shalt  }
0x53: {  	_ =	shalt  }
0x54: {  	_ =	shalt  }
0x55: {  	_ =	shalt  }
0x56: {  	_ =	shalt  }
0x57: {  	_ =	shalt  }
0x58: {  	_ =	shalt  }
0x59: {  	_ =	shalt  }
0x5a: {  	_ =	shalt  }
0x5b: {  	_ =	shalt  }
0x5c: {  	_ =	shalt  }
0x5d: {  	_ =	shalt  }
0x5e: {  	_ =	shalt  }
0x5f: {  	_ =	shalt  }
0x60: {  	_ =	shalt  }
0x61: {  	_ =	shalt  }
0x62: {  	_ =	shalt  }
0x63: {  	_ =	shalt  }
0x64: {  	_ =	shalt  }
0x65: {  	_ =	shalt  }
0x66: {  	_ =	shalt  }
0x67: {  	_ =	shalt  }
0x68: {  	_ =	shalt  }
0x69: {  	_ =	shalt  }
0x6a: {  	_ =	shalt  }
0x6b: {  	_ =	shalt  }
0x6c: {  	_ =	shalt  }
0x6d: {  	_ =	shalt  }
0x6e: {  	_ =	shalt  }
0x6f: {  	_ =	shalt  }
0x70: {  	_ =	shalt  }
0x71: {  	_ =	shalt  }
0x72: {  	_ =	shalt  }
0x73: {  	_ =	shalt  }
0x74: {  	_ =	shalt  }
0x75: {  	_ =	shalt  }
0x76: {  	_ =	shalt  }
0x77: {  	_ =	shalt  }
0x78: {  	_ =	shalt  }
0x79: {  	_ =	shalt  }
0x7a: {  	_ =	shalt  }
0x7b: {  	_ =	shalt  }
0x7c: {  	_ =	shalt  }
0x7d: {  	_ =	shalt  }
0x7e: {  	_ =	shalt  }
0x7f: {  	_ =	shalt  }
0x80: {  	_ =	shalt  }
0x81: {  	_ =	shalt  }
0x82: {  	_ =	shalt  }
0x83: {  	_ =	shalt  }
0x84: {  	_ =	shalt  }
0x85: {  	_ =	shalt  }
0x86: {  	_ =	shalt  }
0x87: {  	_ =	shalt  }
.Lfunc_end0:
.L_simem_size_0:
called_computation_lowered:
.L_overlay_start_0:
0x88: {  	s2 =	sld [smem:$0x3FD9]  }
0x89: {  	s3 =	sld [smem:$0x3FFE];
	_ =	sdelay $0x1  }
0x8a: {  	s1 =	srdreg.scid  }
0x8b: {  	s0 =	sand.u32 $0x1, s1  }
0x8c: {  	s14 =	sshll.u32 s0, $0xA;
	s2 =	sadd.s32 s3, s2  }
0x8d: {  	s2 =	sadd.s32 s2, s14  }
0x8e: {  	[smem:$0x3FB3] =	sst s2  }
0x8f: {  	_ = 	snop  }
0x90: {  	s2 =	sld [smem:$0x3FD0];
	_ =	sdelay $0x2  }
0x91: {  	s4 =	simm.s32 $0xA;
	s5 =	simm.s32 $0x10;
	s15 =	sld [smem:$0x3FC9]  }
0x92: {  	[smem:s5], [sflag:s4] =	dma.local [hbm:s2], $0x1  }
0x93: {  	_ =	swait.eq [sflag:s4], $0x1  }
0x94: {  	[sflag:s4] =	ssyncset.done $0x0  }
0x95: {  	[sflag:s4] =	ssyncadd.s32 $0xFFFFFFFF  }
0x96: {  	s16 =	sld [smem:$0x11];
	(tm) =	ssettm $0x1  }
0x97: {  	s17 =	sld [smem:$0x3FFB];
	_ =	sdelay $0x3  }
0x98: {  	_ =	strace s17  }
0x99: {  	s4 =	sld [smem:$0x3FFC];
	_ =	sdelay $0x3  }
0x9a: {  	_ =	strace s4  }
0x9b: {  	s4 =	sld [smem:$0x3FFD];
	_ =	sdelay $0x3  }
0x9c: {  	_ =	strace s4  }
0x9d: {  	_ =	strace $0x8FFFFFFF  }
0x9e: {  	s18 =	sld [smem:$0x3FDB];
	_ =	sdelay $0x1  }
0x9f: {  	s19 =	simm.s32 $_scs_section_size  }
0xa0: {  	s6 =	simm.s32 $_size__tile_overlayer_lowered;
	s7 =	simm.s32 $_tile_overlayer_lowered  }
0xa1: {  	s22 =	simm.s32 $0x1BFF;
	s21 =	sshll.u32 s7, $0x1;
	s4 =	sadd.s32 s19, s18  }
0xa2: {  	s8 =	simm.s32 $0x0;
	s20 =	sshll.u32 s6, $0x1;
	s6 =	sadd.s32 s21, s4  }
0xa3: {  	[timem:s8], [sflag:s22] =	dma.local [hbm:s6], s20  }
0xa4: {  	_ =	swait.ge [sflag:s22], s20  }
0xa5: {  	s5 =	ssub.s32 $0x0, s20;
	[sflag:s22] =	ssyncset.done $0x0  }
0xa6: {  	[sflag:s22] =	ssyncadd.s32 s5;
	_ =	sdelay $0x1  }
0xa7: {  	s23 =	simm.s32 $0x1B8B  }
0xa8: {  	_ =	swait.ge [sflag:s23], $0x1  }
0xa9: {  	[sflag:s23] =	ssyncset.done $0x0  }
0xaa: {  	s25 =	simm.s32 $0x1B8E;
	s24 =	sld [smem:$0x3FFE];
	[sflag:s23] =	ssyncadd.s32 $0xFFFFFFFF  }
0xab: {  	s26 =	simm.s32 $execute0_lowered;
	[smem:$0x3FD2] =	sst s25  }
0xac: {  	s6 =	sshll.u32 s26, $0x1;
	_ =	strace $0x80000046;
	[dreg:$0x1] =	wrdreg $0xFFFFFFFF  }
0xad: {  	s28 =	simm.s32 $_size_execute0_lowered;
	s4 =	sadd.s32 s4, s6;
	[dreg:$0x0] =	wrdreg $0x0  }
0xae: {  	s6 =	sshll.u32 s28, $0x1;
	[dreg:$0x2] =	wrdreg s4  }
0xaf: {  	[dreg:$0x3] =	wrdreg s6  }
0xb0: {  	[dreg:$0x4] =	wrdreg $0xC0  }
0xb1: {  	_ =	task [dreg:s8], $0x5FFFF  }
0xb2: {  	[dreg:$0x1] =	wrdreg $0xFFFFFFFF  }
0xb3: {  	[dreg:$0x0] =	wrdreg $0x60  }
0xb4: {  	[dreg:$0x2] =	wrdreg s15  }
0xb5: {  	[dreg:$0x3] =	wrdreg s24  }
0xb6: {  	[dreg:$0x4] =	wrdreg s16  }
0xb7: {  	[dreg:$0x5] =	wrdreg $0x0  }
0xb8: {  	[dreg:$0x6] =	wrdreg $0x138800  }
0xb9: {  	[dreg:$0x7] =	wrdreg $0x9  }
0xba: {  	_ =	task.clear_ibuf [dreg:s8], $0x8FFFF;
	_ =	strace $0x90000046  }
0xbb: {  	s29 =	simm.s32 $0x9;
	_ =	strace $0x80000048  }
0xbc: {  	_ =	swait.ge [sflag:s29], $0x1  }
0xbd: {  	[sflag:s29] =	ssyncadd.s32 $0xFFFFFFFF  }
0xbe: {  	_ =	strace $0x90000048  }
0xbf: {  	_ =	sfence  }
0xc0: {  	s30 =	sld [smem:$0x0];
	_ =	sdelay $0x2  }
0xc1: {  	s31 =	sshll.u32 s1, $0xD;
	s1 =	sshrl.u32 s1, $0x2  }
0xc2: {  	s3 =	sand.u32 $0x4000, s31;
	s1 =	sadd.s32 s1, s30  }
0xc3: {  	s0 =	sor.u32 s3, s0;
	s1 =	sshll.u32 s1, $0x11  }
0xc4: {  	s0 =	sor.u32 s1, s0  }
0xc5: {  	s0 =	sadd.s32 $0x8F2B, s0  }
0xc6: {  	[sflag:s0] =	ssyncadd.remote.s32 $0x1  }
0xc7: {  	_ =	sfence.sel $0xFFFF  }
0xc8: {  	[dreg:$0x0] =	wrdreg $0xFFFFFFFF;
	(pc) =	sbr.abs _section_cstart, $3  }
0xc9: {  	[dreg:$0x1] =	wrdreg $0xFFFFFFFF  }
0xca: {  	_ =	task.clear_ibuf [dreg:s8], $0x2FFFF;
	_ =	strace $0x9FFFFFFF  }
0xcb: {  	(tm) =	ssettm $0x7FFFFFFF  }
tec
execute0_lowered:
.L_overlay_start_1:
0x0: {  	(tag) =	ssettag $0x1  }
0x1: {  	s0 =	rddreg [dreg:$0x0]  }
0x2: {  	s1 =	rddreg [dreg:$0x1]  }
0x3: {  	s5 =	rddreg [dreg:$0x2]  }
0x4: {  	s2 =	rddreg [dreg:$0x3]  }
0x5: {  	s3 =	rddreg [dreg:$0x4];
	s17 =	stileid.u32  }
0x6: {  	s7 =	srdreg.scid;
	s4 =	simm.s32 $0x0;
	s6 =	smul.u32 $0xA00, s17  }
0x7: {  	s28 =	simm.s32 $0x13BF8;
	s29 =	simm.s32 $0x2;
	s8 =	smul.u32 $0x5000, s17  }
0x8: {  	s30 =	simm.s32 $0x4;
	s31 =	simm.s32 $0x1C078;
	s10 =	smul.u32 $0x50000, s17  }
0x9: {  	s7 =	sand.u32 $0x1, s7;
	[smem:$0x7FF] =	sst s4;
	s13 =	smul.u32 $0x2800, s17  }
0xa: {  	s12 =	sadd.s32 $0x1A200, s1;
	s16 =	sadd.s32 $0x12C000, s2;
	s9 =	smul.u32 $0x2800, s7  }
0xb: {  	p0 =	seq.s32 s17, $0xF;
	_ =	strace $0x80000047;
	s22 =	smul.u32 $0x500, s7  }
0xc: {  	[dreg:$0x6] =	wrdreg s12;
	s20 =	ssub.s32 $0x2, s7;
	s7 =	smul.u32 $0x28000, s7  }
0xd: {  	p1 =	seq.s32 @!p0 s17, $0x0;
	s11 =	sadd.s32 s6, s1;
	s19 =	sadd.s32 s10, s1  }
0xe: {  	s21 =	sshrl.u32 s20, $0x1;
	s10 =	sshrl.u32 s10, $0x2;
	s23 =	sadd.s32 s0, s13  }
0xf: {  	s0 =	sadd.s32 $0x25800, s0;
	s5 =	sadd.s32 s6, s5;
	p1 =	por !p1, p0  }
0x10: {  	s6 =	simm.s32 $0x13E78;
	s8 =	sadd.s32 s9, s8;
	[dreg:$0x7] =	wrdreg s23  }
0x11: {  	s15 =	sadd.s32 s10, s2;
	[dreg:$0x8] =	wrdreg s0;
	s25 =	sadd.s32 s22, s11  }
0x12: {  	s7 =	sadd.s32 s7, s19;
	s5 =	sadd.s32 s22, s5;
	s0 =	sshll.u32 @!p0 s17, $0x6  }
0x13: {  	s19 =	simm.s32 $0x13AF8;
	s22 =	simm.s32 $0x13EF8;
	s23 =	simm.s32 $0x13B78  }
0x14: {  	s11 =	simm.s32 $0x13C78;
	s8 =	sshrl.u32 s8, $0x3;
	s26 =	sadd.s32 $0x6200, s25  }
0x15: {  	s10 =	sadd.s32 $0x24800, s7;
	[dreg:$0xb] =	wrdreg s5;
	s12 =	sadd.s32 $0x524800, s7  }
0x16: {  	s14 =	sadd.s32 $0x10200, s25;
	s0 =	sor.u32 @!p0 $0x1C05, s0;
	[dreg:$0xa] =	wrdreg s26  }
0x17: {  	s25 =	simm.s32 $0x1;
	s5 =	simm.s32 $0x13DF8;
	[dreg:$0xd] =	wrdreg s0  }
0x18: {  	s7 =	simm.s32 $0x1BEF8;
	s1 =	sadd.s32 s8, s1;
	[dreg:$0x10] =	wrdreg s10  }
0x19: {  	s8 =	ssub.s32 s20, s21;
	s0 =	sshrl.u32 @!p0 s15, $0x3;
	[dreg:$0x11] =	wrdreg s12  }
0x1a: {  	s20 =	simm.s32 $0x5;
	s24 =	smax.u32 s8, $0x1;
	[dreg:$0xe] =	wrdreg s0  }
0x1b: {  	s13 =	sadd.s32 $0x1A800, s1;
	s1 =	sshrl.u32 @p0 s16, $0x3;
	[dreg:$0x9] =	wrdreg s24  }
0x1c: {  	s21 =	simm.s32 $0x80;
	s0 =	sshrl.u32 @!p1 s3, $0x3;
	[dreg:$0xc] =	wrdreg s1  }
0x1d: {  	s26 =	simm.s32 $0x3;
	s16 =	simm.s32 $0x0;
	[dreg:$0xf] =	wrdreg s0  }
0x1e: {  	s24 =	simm.s32 $0x17EF8;
	s0 =	simm.s32 $0x13CF8;
	s1 =	simm.s32 $0x13D78  }
.LBB2_1:
0x1f: {  	[dreg:$0x12] =	wrdreg s16  }
0x20: {  	s9 =	rddreg [dreg:$0x8]  }
0x21: {  	s8 =	simm.s32 @p0 $0x1FC5;
	s15 =	rddreg [dreg:$0xc]  }
0x22: {  	[spmem:s15], [sflag:s8] =	dma.local @p0 [hbm:s9], $0x1900  }
0x23: {  	s8 =	simm.s32 @p0 $0x5  }
0x24: {  	_ =	swait.ge @p0 [sflag:s8], $0x1900  }
0x25: {  	s9 =	rddreg [dreg:$0xd]  }
0x26: {  	[sflag:s8] =	ssyncset.done @p0 $0x0;
	s15 =	rddreg [dreg:$0xe]  }
0x27: {  	[sflag:s8] =	ssyncadd.s32 @p0 $0xFFFFE700;
	s8 =	rddreg [dreg:$0x7]  }
0x28: {  	[spmem:s15], [sflag:s9] =	dma.local @!p0 [hbm:s8], $0x2800  }
0x29: {  	s8 =	simm.s32 @!p0 $0x5  }
0x2a: {  	_ =	swait.ge @!p0 [sflag:s8], $0x2800  }
0x2b: {  	[sflag:s8] =	ssyncset.done @!p0 $0x0;
	s15 =	rddreg [dreg:$0xf]  }
0x2c: {  	[sflag:s8] =	ssyncadd.s32 @!p0 $0xFFFFD800;
	s8 =	rddreg [dreg:$0x6]  }
0x2d: {  	[spmem:s15], [sflag:s9] =	dma.local @!p1 [hbm:s8], $0x4F0  }
0x2e: {  	s8 =	simm.s32 @!p1 $0x5  }
0x2f: {  	_ =	swait.ge @!p1 [sflag:s8], $0x4F0  }
0x30: {  	[sflag:s8] =	ssyncset.done @!p1 $0x0  }
0x31: {  	[sflag:s8] =	ssyncadd.s32 @!p1 $0xFFFFFB10  }
0x32: {  	[bflag:$0x0] =	sbarrier.arrive $0xFFFF  }
0x33: {  	s17 =	rddreg [dreg:$0xa]  }
0x34: {  	[tilespmem:s19], [sflag:$0x5] =	stream.linear.gather [hbm4b:s17+s4], $0x400, $0x38;
	[tilespmem:$0x1C2F8] =	vst v63  }
0x35: {  	_ =	swait.ge [sflag:s20], $0x400  }
0x36: {  	[sflag:s20] =	ssyncset.done $0x0  }
0x37: {  	[sflag:s20] =	ssyncadd.s32 $0xFFFFFC00  }
0x38: {  	[tilespmem:s22], [sflag:$0x1] =	stream.indirect.gather [spmem:s2], $0x80, s19, s21, $0xb8;
	[tilespmem:$0x1C2F8] =	vst v63  }
0x39: {  	_ = 	snop  }
0x3a: {  	[tilespmem:s24], [sflag:$0x2] =	stream.indirect.gather [spmem:s2], $0x80, s23, s21, $0xb8;
	[tilespmem:$0x1C2F8] =	vst v63  }
0x3b: {  	_ =	swait.ge [sflag:s25], $0x4000  }
0x3c: {  	[sflag:s25] =	ssyncset.done $0x0  }
0x3d: {  	s8 =	sadd.s32 $0x0, s10;
	[sflag:s25] =	ssyncadd.s32 $0xFFFFC000  }
0x3e: {  	[hbm4b:s8+s4] =	stream.linear.scatter [tilespmem:s22], [sflag:$0x3], $0x4000, $0x38;
	[tilespmem:$0x1C2F8] =	vst v63  }
0x3f: {  	_ =	swait.ge [sflag:s26], $0x4000  }
0x40: {  	[sflag:s26] =	ssyncset.done $0x0  }
0x41: {  	[sflag:s26] =	ssyncadd.s32 $0xFFFFC000  }
0x42: {  	[tilespmem:s22], [sflag:$0x1] =	stream.indirect.gather [spmem:s2], $0x80, s28, s21, $0xb8;
	[tilespmem:$0x1C2F8] =	vst v63  }
0x43: {  	_ =	swait.ge [sflag:s29], $0x4000  }
0x44: {  	[sflag:s29] =	ssyncset.done $0x0  }
0x45: {  	s15 =	sadd.s32 $0x800, s8;
	[sflag:s29] =	ssyncadd.s32 $0xFFFFC000  }
0x46: {  	[hbm4b:s15+s4] =	stream.linear.scatter [tilespmem:s24], [sflag:$0x4], $0x4000, $0x38;
	[tilespmem:$0x1C2F8] =	vst v63  }
0x47: {  	_ =	swait.ge [sflag:s30], $0x4000  }
0x48: {  	[sflag:s30] =	ssyncset.done $0x0  }
0x49: {  	[sflag:s30] =	ssyncadd.s32 $0xFFFFC000  }
0x4a: {  	[tilespmem:s24], [sflag:$0x2] =	stream.indirect.gather [spmem:s2], $0x80, s11, s21, $0xb8;
	[tilespmem:$0x1C2F8] =	vst v63  }
0x4b: {  	_ =	swait.ge [sflag:s25], $0x4000  }
0x4c: {  	[sflag:s25] =	ssyncset.done $0x0  }
0x4d: {  	s16 =	sadd.s32 $0x1000, s8;
	[sflag:s25] =	ssyncadd.s32 $0xFFFFC000  }
0x4e: {  	[hbm4b:s16+s4] =	stream.linear.scatter [tilespmem:s22], [sflag:$0x3], $0x4000, $0x38;
	[tilespmem:$0x1C2F8] =	vst v63  }
0x4f: {  	_ =	swait.ge [sflag:s26], $0x4000  }
0x50: {  	[sflag:s26] =	ssyncset.done $0x0  }
0x51: {  	[sflag:s26] =	ssyncadd.s32 $0xFFFFC000  }
0x52: {  	[tilespmem:s22], [sflag:$0x1] =	stream.indirect.gather [spmem:s2], $0x80, s0, s21, $0xb8;
	[tilespmem:$0x1C2F8] =	vst v63  }
0x53: {  	_ =	swait.ge [sflag:s29], $0x4000  }
0x54: {  	[sflag:s29] =	ssyncset.done $0x0  }
0x55: {  	s18 =	sadd.s32 $0x1800, s8;
	[sflag:s29] =	ssyncadd.s32 $0xFFFFC000  }
0x56: {  	[hbm4b:s18+s4] =	stream.linear.scatter [tilespmem:s24], [sflag:$0x4], $0x4000, $0x38;
	[tilespmem:$0x1C2F8] =	vst v63  }
0x57: {  	_ =	swait.ge [sflag:s30], $0x4000  }
0x58: {  	[sflag:s30] =	ssyncset.done $0x0  }
0x59: {  	[sflag:s30] =	ssyncadd.s32 $0xFFFFC000  }
0x5a: {  	[tilespmem:s24], [sflag:$0x2] =	stream.indirect.gather [spmem:s2], $0x80, s1, s21, $0xb8;
	[tilespmem:$0x1C2F8] =	vst v63  }
0x5b: {  	_ =	swait.ge [sflag:s25], $0x4000  }
0x5c: {  	[sflag:s25] =	ssyncset.done $0x0  }
0x5d: {  	s15 =	sadd.s32 $0x2000, s8;
	[sflag:s25] =	ssyncadd.s32 $0xFFFFC000  }
0x5e: {  	[hbm4b:s15+s4] =	stream.linear.scatter [tilespmem:s22], [sflag:$0x3], $0x4000, $0x38;
	[tilespmem:$0x1C2F8] =	vst v63  }
0x5f: {  	_ =	swait.ge [sflag:s26], $0x4000  }
0x60: {  	[sflag:s26] =	ssyncset.done $0x0  }
0x61: {  	[sflag:s26] =	ssyncadd.s32 $0xFFFFC000  }
0x62: {  	[tilespmem:s22], [sflag:$0x1] =	stream.indirect.gather [spmem:s2], $0x80, s5, s21, $0xb8;
	[tilespmem:$0x1C2F8] =	vst v63  }
0x63: {  	_ =	swait.ge [sflag:s29], $0x4000  }
0x64: {  	[sflag:s29] =	ssyncset.done $0x0  }
0x65: {  	s16 =	sadd.s32 $0x2800, s8;
	[sflag:s29] =	ssyncadd.s32 $0xFFFFC000  }
0x66: {  	[hbm4b:s16+s4] =	stream.linear.scatter [tilespmem:s24], [sflag:$0x4], $0x4000, $0x38;
	[tilespmem:$0x1C2F8] =	vst v63  }
0x67: {  	_ =	swait.ge [sflag:s30], $0x4000  }
0x68: {  	[sflag:s30] =	ssyncset.done $0x0  }
0x69: {  	[sflag:s30] =	ssyncadd.s32 $0xFFFFC000  }
0x6a: {  	[tilespmem:s24], [sflag:$0x2] =	stream.indirect.gather [spmem:s2], $0x80, s6, s21, $0xb8;
	[tilespmem:$0x1C2F8] =	vst v63  }
0x6b: {  	_ =	swait.ge [sflag:s25], $0x4000  }
0x6c: {  	[sflag:s25] =	ssyncset.done $0x0  }
0x6d: {  	s18 =	sadd.s32 $0x3000, s8;
	[sflag:s25] =	ssyncadd.s32 $0xFFFFC000  }
0x6e: {  	[hbm4b:s18+s4] =	stream.linear.scatter [tilespmem:s22], [sflag:$0x3], $0x4000, $0x38;
	[tilespmem:$0x1C2F8] =	vst v63  }
0x6f: {  	_ =	swait.ge [sflag:s29], $0x4000  }
0x70: {  	[sflag:s29] =	ssyncset.done $0x0  }
0x71: {  	s8 =	sadd.s32 $0x3800, s8;
	[sflag:s29] =	ssyncadd.s32 $0xFFFFC000  }
0x72: {  	[hbm4b:s8+s4] =	stream.linear.scatter [tilespmem:s24], [sflag:$0x4], $0x4000, $0x38;
	[tilespmem:$0x1C2F8] =	vst v63  }
0x73: {  	_ =	swait.ge [sflag:s26], $0x4000  }
0x74: {  	[sflag:s26] =	ssyncset.done $0x0  }
0x75: {  	[sflag:s26] =	ssyncadd.s32 $0xFFFFC000  }
0x76: {  	_ =	swait.ge [sflag:s30], $0x4000  }
0x77: {  	s15 =	simm.s32 $0x4000;
	s18 =	simm.s32 $0x8000;
	[sflag:s30] =	ssyncset.done $0x0  }
.LBB2_2:
0x78: {  	s8 =	simm.s32 $0x0  }
0x79: {  	[sflag:s30] =	ssyncadd.s32 $0xFFFFC000;
	s17 =	sadd.s32 $0x80, s17;
	s16 =	smov.u32 s18  }
0x7a: {  	[tilespmem:s19], [sflag:$0x5] =	stream.linear.gather [hbm4b:s17+s8], $0x400, $0x38;
	[tilespmem:$0x1C2F8] =	vst v63  }
0x7b: {  	p2 =	sne.s32 s18, $0x24000;
	s18 =	sadd.s32 $0x4000, s18;
	_ =	swait.ge [sflag:s20], $0x400  }
0x7c: {  	[sflag:s20] =	ssyncset.done $0x0  }
0x7d: {  	[sflag:s20] =	ssyncadd.s32 $0xFFFFFC00  }
0x7e: {  	[tilespmem:s22], [sflag:$0x1] =	stream.indirect.gather [spmem:s2], $0x80, s19, s21, $0xb8;
	[tilespmem:$0x1C2F8] =	vst v63  }
0x7f: {  	_ = 	snop  }
0x80: {  	[tilespmem:s24], [sflag:$0x2] =	stream.indirect.gather [spmem:s2], $0x80, s23, s21, $0xb8;
	[tilespmem:$0x1C2F8] =	vst v63  }
0x81: {  	_ =	swait.ge [sflag:s25], $0x4000  }
0x82: {  	[sflag:s25] =	ssyncset.done $0x0  }
0x83: {  	s9 =	sadd.s32 s15, s10;
	s15 =	smov.u32 s16;
	[sflag:s25] =	ssyncadd.s32 $0xFFFFC000  }
0x84: {  	[hbm4b:s9+s8] =	stream.linear.scatter [tilespmem:s22], [sflag:$0x3], $0x4000, $0x38;
	[tilespmem:$0x1C2F8] =	vst v63  }
0x85: {  	_ =	swait.ge [sflag:s26], $0x4000  }
0x86: {  	[sflag:s26] =	ssyncset.done $0x0  }
0x87: {  	[sflag:s26] =	ssyncadd.s32 $0xFFFFC000  }
0x88: {  	[tilespmem:s22], [sflag:$0x1] =	stream.indirect.gather [spmem:s2], $0x80, s28, s21, $0xb8;
	[tilespmem:$0x1C2F8] =	vst v63  }
0x89: {  	_ =	swait.ge [sflag:s29], $0x4000  }
0x8a: {  	[sflag:s29] =	ssyncset.done $0x0  }
0x8b: {  	s16 =	sadd.s32 $0x800, s9;
	[sflag:s29] =	ssyncadd.s32 $0xFFFFC000  }
0x8c: {  	[hbm4b:s16+s8] =	stream.linear.scatter [tilespmem:s24], [sflag:$0x4], $0x4000, $0x38;
	[tilespmem:$0x1C2F8] =	vst v63  }
0x8d: {  	_ =	swait.ge [sflag:s30], $0x4000  }
0x8e: {  	[sflag:s30] =	ssyncset.done $0x0  }
0x8f: {  	[sflag:s30] =	ssyncadd.s32 $0xFFFFC000  }
0x90: {  	[tilespmem:s24], [sflag:$0x2] =	stream.indirect.gather [spmem:s2], $0x80, s11, s21, $0xb8;
	[tilespmem:$0x1C2F8] =	vst v63  }
0x91: {  	_ =	swait.ge [sflag:s25], $0x4000  }
0x92: {  	[sflag:s25] =	ssyncset.done $0x0  }
0x93: {  	s16 =	sadd.s32 $0x1000, s9;
	[sflag:s25] =	ssyncadd.s32 $0xFFFFC000  }
0x94: {  	[hbm4b:s16+s8] =	stream.linear.scatter [tilespmem:s22], [sflag:$0x3], $0x4000, $0x38;
	[tilespmem:$0x1C2F8] =	vst v63  }
0x95: {  	_ =	swait.ge [sflag:s26], $0x4000  }
0x96: {  	[sflag:s26] =	ssyncset.done $0x0  }
0x97: {  	[sflag:s26] =	ssyncadd.s32 $0xFFFFC000  }
0x98: {  	[tilespmem:s22], [sflag:$0x1] =	stream.indirect.gather [spmem:s2], $0x80, s0, s21, $0xb8;
	[tilespmem:$0x1C2F8] =	vst v63  }
0x99: {  	_ =	swait.ge [sflag:s29], $0x4000  }
0x9a: {  	[sflag:s29] =	ssyncset.done $0x0  }
0x9b: {  	s16 =	sadd.s32 $0x1800, s9;
	[sflag:s29] =	ssyncadd.s32 $0xFFFFC000  }
0x9c: {  	[hbm4b:s16+s8] =	stream.linear.scatter [tilespmem:s24], [sflag:$0x4], $0x4000, $0x38;
	[tilespmem:$0x1C2F8] =	vst v63  }
0x9d: {  	_ =	swait.ge [sflag:s30], $0x4000  }
0x9e: {  	[sflag:s30] =	ssyncset.done $0x0  }
0x9f: {  	[sflag:s30] =	ssyncadd.s32 $0xFFFFC000  }
0xa0: {  	[tilespmem:s24], [sflag:$0x2] =	stream.indirect.gather [spmem:s2], $0x80, s1, s21, $0xb8;
	[tilespmem:$0x1C2F8] =	vst v63  }
0xa1: {  	_ =	swait.ge [sflag:s25], $0x4000  }
0xa2: {  	[sflag:s25] =	ssyncset.done $0x0  }
0xa3: {  	s16 =	sadd.s32 $0x2000, s9;
	[sflag:s25] =	ssyncadd.s32 $0xFFFFC000  }
0xa4: {  	[hbm4b:s16+s8] =	stream.linear.scatter [tilespmem:s22], [sflag:$0x3], $0x4000, $0x38;
	[tilespmem:$0x1C2F8] =	vst v63  }
0xa5: {  	_ =	swait.ge [sflag:s26], $0x4000  }
0xa6: {  	[sflag:s26] =	ssyncset.done $0x0  }
0xa7: {  	[sflag:s26] =	ssyncadd.s32 $0xFFFFC000  }
0xa8: {  	[tilespmem:s22], [sflag:$0x1] =	stream.indirect.gather [spmem:s2], $0x80, s5, s21, $0xb8;
	[tilespmem:$0x1C2F8] =	vst v63  }
0xa9: {  	_ =	swait.ge [sflag:s29], $0x4000  }
0xaa: {  	[sflag:s29] =	ssyncset.done $0x0  }
0xab: {  	s16 =	sadd.s32 $0x2800, s9;
	[sflag:s29] =	ssyncadd.s32 $0xFFFFC000  }
0xac: {  	[hbm4b:s16+s8] =	stream.linear.scatter [tilespmem:s24], [sflag:$0x4], $0x4000, $0x38;
	[tilespmem:$0x1C2F8] =	vst v63  }
0xad: {  	_ =	swait.ge [sflag:s30], $0x4000  }
0xae: {  	[sflag:s30] =	ssyncset.done $0x0  }
0xaf: {  	[sflag:s30] =	ssyncadd.s32 $0xFFFFC000  }
0xb0: {  	[tilespmem:s24], [sflag:$0x2] =	stream.indirect.gather [spmem:s2], $0x80, s6, s21, $0xb8;
	[tilespmem:$0x1C2F8] =	vst v63  }
0xb1: {  	_ =	swait.ge [sflag:s25], $0x4000  }
0xb2: {  	[sflag:s25] =	ssyncset.done $0x0  }
0xb3: {  	s16 =	sadd.s32 $0x3000, s9;
	[sflag:s25] =	ssyncadd.s32 $0xFFFFC000  }
0xb4: {  	[hbm4b:s16+s8] =	stream.linear.scatter [tilespmem:s22], [sflag:$0x3], $0x4000, $0x38;
	[tilespmem:$0x1C2F8] =	vst v63  }
0xb5: {  	_ =	swait.ge [sflag:s29], $0x4000  }
0xb6: {  	[sflag:s29] =	ssyncset.done $0x0  }
0xb7: {  	s9 =	sadd.s32 $0x3800, s9;
	[sflag:s29] =	ssyncadd.s32 $0xFFFFC000  }
0xb8: {  	[hbm4b:s9+s8] =	stream.linear.scatter [tilespmem:s24], [sflag:$0x4], $0x4000, $0x38;
	[tilespmem:$0x1C2F8] =	vst v63  }
.Ltmp0:
0xb9: {  	_ =	swait.ge [sflag:s26], $0x4000;
	(pc) =	sbr.rel @p2 .LBB2_2-.Ltmp0, $4  }
0xba: {  	[sflag:s26] =	ssyncset.done $0x0  }
0xbb: {  	[sflag:s26] =	ssyncadd.s32 $0xFFFFC000  }
0xbc: {  	_ =	swait.ge [sflag:s30], $0x4000  }
0xbd: {  	[sflag:s30] =	ssyncset.done $0x0  }
0xbe: {  	[sflag:s30] =	ssyncadd.s32 $0xFFFFC000;
	s9 =	sadd.s32 $0x80, s17  }
0xbf: {  	[tilespmem:s19], [sflag:$0x5] =	stream.linear.gather [hbm4b:s9+s8], $0x400, $0x38;
	[tilespmem:$0x1C2F8] =	vst v63  }
0xc0: {  	_ =	swait.ge [sflag:s20], $0x400  }
0xc1: {  	[sflag:s20] =	ssyncset.done $0x0  }
0xc2: {  	[sflag:s20] =	ssyncadd.s32 $0xFFFFFC00  }
0xc3: {  	[tilespmem:s22], [sflag:$0x1] =	stream.indirect.gather [spmem:s2], $0x80, s19, s21, $0xb8;
	[tilespmem:$0x1C2F8] =	vst v63  }
0xc4: {  	_ = 	snop  }
0xc5: {  	[tilespmem:s24], [sflag:$0x2] =	stream.indirect.gather [spmem:s2], $0x80, s23, s21, $0xb8;
	[tilespmem:$0x1C2F8] =	vst v63  }
0xc6: {  	_ =	swait.ge [sflag:s25], $0x4000  }
0xc7: {  	[sflag:s25] =	ssyncset.done $0x0  }
0xc8: {  	s9 =	sadd.s32 s15, s10;
	[sflag:s25] =	ssyncadd.s32 $0xFFFFC000  }
0xc9: {  	[hbm4b:s9+s8] =	stream.linear.scatter [tilespmem:s22], [sflag:$0x3], $0x4000, $0x38;
	[tilespmem:$0x1C2F8] =	vst v63  }
0xca: {  	_ =	swait.ge [sflag:s26], $0x4000  }
0xcb: {  	[sflag:s26] =	ssyncset.done $0x0  }
0xcc: {  	[sflag:s26] =	ssyncadd.s32 $0xFFFFC000  }
0xcd: {  	[tilespmem:s22], [sflag:$0x1] =	stream.indirect.gather [spmem:s2], $0x80, s28, s21, $0xb8;
	[tilespmem:$0x1C2F8] =	vst v63  }
0xce: {  	_ =	swait.ge [sflag:s29], $0x4000  }
0xcf: {  	[sflag:s29] =	ssyncset.done $0x0  }
0xd0: {  	s15 =	sadd.s32 $0x800, s9;
	[sflag:s29] =	ssyncadd.s32 $0xFFFFC000  }
0xd1: {  	[hbm4b:s15+s8] =	stream.linear.scatter [tilespmem:s24], [sflag:$0x4], $0x4000, $0x38;
	[tilespmem:$0x1C2F8] =	vst v63  }
0xd2: {  	_ =	swait.ge [sflag:s30], $0x4000  }
0xd3: {  	[sflag:s30] =	ssyncset.done $0x0  }
0xd4: {  	[sflag:s30] =	ssyncadd.s32 $0xFFFFC000  }
0xd5: {  	[tilespmem:s24], [sflag:$0x2] =	stream.indirect.gather [spmem:s2], $0x80, s11, s21, $0xb8;
	[tilespmem:$0x1C2F8] =	vst v63  }
0xd6: {  	_ =	swait.ge [sflag:s25], $0x4000  }
0xd7: {  	[sflag:s25] =	ssyncset.done $0x0  }
0xd8: {  	s17 =	sadd.s32 $0x1000, s9;
	[sflag:s25] =	ssyncadd.s32 $0xFFFFC000  }
0xd9: {  	[hbm4b:s17+s8] =	stream.linear.scatter [tilespmem:s22], [sflag:$0x3], $0x4000, $0x38;
	[tilespmem:$0x1C2F8] =	vst v63  }
0xda: {  	_ =	swait.ge [sflag:s26], $0x4000  }
0xdb: {  	[sflag:s26] =	ssyncset.done $0x0  }
0xdc: {  	[sflag:s26] =	ssyncadd.s32 $0xFFFFC000  }
0xdd: {  	[tilespmem:s22], [sflag:$0x1] =	stream.indirect.gather [spmem:s2], $0x80, s0, s21, $0xb8;
	[tilespmem:$0x1C2F8] =	vst v63  }
0xde: {  	_ =	swait.ge [sflag:s29], $0x4000  }
0xdf: {  	[sflag:s29] =	ssyncset.done $0x0  }
0xe0: {  	s18 =	sadd.s32 $0x1800, s9;
	[sflag:s29] =	ssyncadd.s32 $0xFFFFC000  }
0xe1: {  	[hbm4b:s18+s8] =	stream.linear.scatter [tilespmem:s24], [sflag:$0x4], $0x4000, $0x38;
	[tilespmem:$0x1C2F8] =	vst v63  }
0xe2: {  	_ =	swait.ge [sflag:s30], $0x4000  }
0xe3: {  	[sflag:s30] =	ssyncset.done $0x0  }
0xe4: {  	[sflag:s30] =	ssyncadd.s32 $0xFFFFC000  }
0xe5: {  	[tilespmem:s24], [sflag:$0x2] =	stream.indirect.gather [spmem:s2], $0x80, s1, s21, $0xb8;
	[tilespmem:$0x1C2F8] =	vst v63  }
0xe6: {  	_ =	swait.ge [sflag:s25], $0x4000  }
0xe7: {  	[sflag:s25] =	ssyncset.done $0x0  }
0xe8: {  	s16 =	sadd.s32 $0x2000, s9;
	[sflag:s25] =	ssyncadd.s32 $0xFFFFC000  }
0xe9: {  	[hbm4b:s16+s8] =	stream.linear.scatter [tilespmem:s22], [sflag:$0x3], $0x4000, $0x38;
	[tilespmem:$0x1C2F8] =	vst v63  }
0xea: {  	_ =	swait.ge [sflag:s26], $0x4000  }
0xeb: {  	[sflag:s26] =	ssyncset.done $0x0  }
0xec: {  	[sflag:s26] =	ssyncadd.s32 $0xFFFFC000  }
0xed: {  	[tilespmem:s22], [sflag:$0x1] =	stream.indirect.gather [spmem:s2], $0x80, s5, s21, $0xb8;
	[tilespmem:$0x1C2F8] =	vst v63  }
0xee: {  	_ =	swait.ge [sflag:s29], $0x4000  }
0xef: {  	[sflag:s29] =	ssyncset.done $0x0  }
0xf0: {  	s17 =	sadd.s32 $0x2800, s9;
	[sflag:s29] =	ssyncadd.s32 $0xFFFFC000  }
0xf1: {  	[hbm4b:s17+s8] =	stream.linear.scatter [tilespmem:s24], [sflag:$0x4], $0x4000, $0x38;
	[tilespmem:$0x1C2F8] =	vst v63  }
0xf2: {  	_ =	swait.ge [sflag:s30], $0x4000  }
0xf3: {  	[sflag:s30] =	ssyncset.done $0x0  }
0xf4: {  	[sflag:s30] =	ssyncadd.s32 $0xFFFFC000  }
0xf5: {  	[tilespmem:s24], [sflag:$0x2] =	stream.indirect.gather [spmem:s2], $0x80, s6, s21, $0xb8;
	[tilespmem:$0x1C2F8] =	vst v63  }
0xf6: {  	_ =	swait.ge [sflag:s25], $0x4000  }
0xf7: {  	[sflag:s25] =	ssyncset.done $0x0  }
0xf8: {  	s18 =	sadd.s32 $0x3000, s9;
	[sflag:s25] =	ssyncadd.s32 $0xFFFFC000  }
0xf9: {  	[hbm4b:s18+s8] =	stream.linear.scatter [tilespmem:s22], [sflag:$0x3], $0x4000, $0x38;
	[tilespmem:$0x1C2F8] =	vst v63  }
0xfa: {  	_ =	swait.ge [sflag:s29], $0x4000  }
0xfb: {  	[sflag:s29] =	ssyncset.done $0x0  }
0xfc: {  	s9 =	sadd.s32 $0x3800, s9;
	[sflag:s29] =	ssyncadd.s32 $0xFFFFC000  }
0xfd: {  	[hbm4b:s9+s8] =	stream.linear.scatter [tilespmem:s24], [sflag:$0x4], $0x4000, $0x38;
	[tilespmem:$0x1C2F8] =	vst v63  }
0xfe: {  	_ =	swait.ge [sflag:s26], $0x4000  }
0xff: {  	[sflag:s26] =	ssyncset.done $0x0  }
0x100: {  	[sflag:s26] =	ssyncadd.s32 $0xFFFFC000  }
0x101: {  	_ =	swait.ge [sflag:s30], $0x4000  }
0x102: {  	[sflag:s30] =	ssyncset.done $0x0  }
0x103: {  	s17 =	rddreg [dreg:$0xb];
	[sflag:s30] =	ssyncadd.s32 $0xFFFFC000  }
0x104: {  	[tilespmem:s19], [sflag:$0x5] =	stream.linear.gather [hbm4b:s17+s8], $0x400, $0x38;
	[tilespmem:$0x1C2F8] =	vst v63  }
0x105: {  	_ =	swait.ge [sflag:s20], $0x400  }
0x106: {  	[sflag:s20] =	ssyncset.done $0x0  }
0x107: {  	[sflag:s20] =	ssyncadd.s32 $0xFFFFFC00  }
0x108: {  	[tilespmem:s22], [sflag:$0x1] =	stream.indirect.gather [spmem:s2], $0x80, s19, s21, $0xb8;
	[tilespmem:$0x1C2F8] =	vst v63  }
0x109: {  	_ = 	snop  }
0x10a: {  	[tilespmem:s24], [sflag:$0x2] =	stream.indirect.gather [spmem:s2], $0x80, s23, s21, $0xb8;
	[tilespmem:$0x1C2F8] =	vst v63  }
0x10b: {  	_ =	swait.ge [sflag:s25], $0x4000  }
0x10c: {  	[sflag:s25] =	ssyncset.done $0x0  }
0x10d: {  	s9 =	sadd.s32 $0x0, s12;
	[sflag:s25] =	ssyncadd.s32 $0xFFFFC000  }
0x10e: {  	[hbm4b:s9+s8] =	stream.linear.scatter [tilespmem:s22], [sflag:$0x3], $0x4000, $0x38;
	[tilespmem:$0x1C2F8] =	vst v63  }
0x10f: {  	_ =	swait.ge [sflag:s26], $0x4000  }
0x110: {  	[sflag:s26] =	ssyncset.done $0x0  }
0x111: {  	[sflag:s26] =	ssyncadd.s32 $0xFFFFC000  }
0x112: {  	[tilespmem:s22], [sflag:$0x1] =	stream.indirect.gather [spmem:s2], $0x80, s28, s21, $0xb8;
	[tilespmem:$0x1C2F8] =	vst v63  }
0x113: {  	_ =	swait.ge [sflag:s29], $0x4000  }
0x114: {  	[sflag:s29] =	ssyncset.done $0x0  }
0x115: {  	s16 =	sadd.s32 $0x800, s9;
	[sflag:s29] =	ssyncadd.s32 $0xFFFFC000  }
0x116: {  	[hbm4b:s16+s8] =	stream.linear.scatter [tilespmem:s24], [sflag:$0x4], $0x4000, $0x38;
	[tilespmem:$0x1C2F8] =	vst v63  }
0x117: {  	_ =	swait.ge [sflag:s30], $0x4000  }
0x118: {  	[sflag:s30] =	ssyncset.done $0x0  }
0x119: {  	[sflag:s30] =	ssyncadd.s32 $0xFFFFC000  }
0x11a: {  	[tilespmem:s24], [sflag:$0x2] =	stream.indirect.gather [spmem:s2], $0x80, s11, s21, $0xb8;
	[tilespmem:$0x1C2F8] =	vst v63  }
0x11b: {  	_ =	swait.ge [sflag:s25], $0x4000  }
0x11c: {  	[sflag:s25] =	ssyncset.done $0x0  }
0x11d: {  	s18 =	sadd.s32 $0x1000, s9;
	[sflag:s25] =	ssyncadd.s32 $0xFFFFC000  }
0x11e: {  	[hbm4b:s18+s8] =	stream.linear.scatter [tilespmem:s22], [sflag:$0x3], $0x4000, $0x38;
	[tilespmem:$0x1C2F8] =	vst v63  }
0x11f: {  	_ =	swait.ge [sflag:s26], $0x4000  }
0x120: {  	[sflag:s26] =	ssyncset.done $0x0  }
0x121: {  	[sflag:s26] =	ssyncadd.s32 $0xFFFFC000  }
0x122: {  	[tilespmem:s22], [sflag:$0x1] =	stream.indirect.gather [spmem:s2], $0x80, s0, s21, $0xb8;
	[tilespmem:$0x1C2F8] =	vst v63  }
0x123: {  	_ =	swait.ge [sflag:s29], $0x4000  }
0x124: {  	[sflag:s29] =	ssyncset.done $0x0  }
0x125: {  	s16 =	sadd.s32 $0x1800, s9;
	[sflag:s29] =	ssyncadd.s32 $0xFFFFC000  }
0x126: {  	[hbm4b:s16+s8] =	stream.linear.scatter [tilespmem:s24], [sflag:$0x4], $0x4000, $0x38;
	[tilespmem:$0x1C2F8] =	vst v63  }
0x127: {  	_ =	swait.ge [sflag:s30], $0x4000  }
0x128: {  	[sflag:s30] =	ssyncset.done $0x0  }
0x129: {  	[sflag:s30] =	ssyncadd.s32 $0xFFFFC000  }
0x12a: {  	[tilespmem:s24], [sflag:$0x2] =	stream.indirect.gather [spmem:s2], $0x80, s1, s21, $0xb8;
	[tilespmem:$0x1C2F8] =	vst v63  }
0x12b: {  	_ =	swait.ge [sflag:s25], $0x4000  }
0x12c: {  	[sflag:s25] =	ssyncset.done $0x0  }
0x12d: {  	s18 =	sadd.s32 $0x2000, s9;
	[sflag:s25] =	ssyncadd.s32 $0xFFFFC000  }
0x12e: {  	[hbm4b:s18+s8] =	stream.linear.scatter [tilespmem:s22], [sflag:$0x3], $0x4000, $0x38;
	[tilespmem:$0x1C2F8] =	vst v63  }
0x12f: {  	_ =	swait.ge [sflag:s26], $0x4000  }
0x130: {  	[sflag:s26] =	ssyncset.done $0x0  }
0x131: {  	[sflag:s26] =	ssyncadd.s32 $0xFFFFC000  }
0x132: {  	[tilespmem:s22], [sflag:$0x1] =	stream.indirect.gather [spmem:s2], $0x80, s5, s21, $0xb8;
	[tilespmem:$0x1C2F8] =	vst v63  }
0x133: {  	_ =	swait.ge [sflag:s29], $0x4000  }
0x134: {  	[sflag:s29] =	ssyncset.done $0x0  }
0x135: {  	s16 =	sadd.s32 $0x2800, s9;
	[sflag:s29] =	ssyncadd.s32 $0xFFFFC000  }
0x136: {  	[hbm4b:s16+s8] =	stream.linear.scatter [tilespmem:s24], [sflag:$0x4], $0x4000, $0x38;
	[tilespmem:$0x1C2F8] =	vst v63  }
0x137: {  	_ =	swait.ge [sflag:s30], $0x4000  }
0x138: {  	[sflag:s30] =	ssyncset.done $0x0  }
0x139: {  	[sflag:s30] =	ssyncadd.s32 $0xFFFFC000  }
0x13a: {  	[tilespmem:s24], [sflag:$0x2] =	stream.indirect.gather [spmem:s2], $0x80, s6, s21, $0xb8;
	[tilespmem:$0x1C2F8] =	vst v63  }
0x13b: {  	_ =	swait.ge [sflag:s25], $0x4000  }
0x13c: {  	[sflag:s25] =	ssyncset.done $0x0  }
0x13d: {  	s18 =	sadd.s32 $0x3000, s9;
	[sflag:s25] =	ssyncadd.s32 $0xFFFFC000  }
0x13e: {  	[hbm4b:s18+s8] =	stream.linear.scatter [tilespmem:s22], [sflag:$0x3], $0x4000, $0x38;
	[tilespmem:$0x1C2F8] =	vst v63  }
0x13f: {  	_ =	swait.ge [sflag:s29], $0x4000  }
0x140: {  	[sflag:s29] =	ssyncset.done $0x0  }
0x141: {  	p2 =	por $0x1, $0x1;
	s9 =	sadd.s32 $0x3800, s9;
	[sflag:s29] =	ssyncadd.s32 $0xFFFFC000  }
0x142: {  	[hbm4b:s9+s8] =	stream.linear.scatter [tilespmem:s24], [sflag:$0x4], $0x4000, $0x38;
	[tilespmem:$0x1C2F8] =	vst v63  }
.Ltmp1:
0x143: {  	_ =	swait.ge [sflag:s26], $0x4000;
	(pc) =	sbr.rel @!p2 .LBB2_5-.Ltmp1, $4  }
0x144: {  	[sflag:s26] =	ssyncset.done $0x0  }
0x145: {  	[sflag:s26] =	ssyncadd.s32 $0xFFFFC000  }
0x146: {  	_ =	swait.ge [sflag:s30], $0x4000  }
0x147: {  	s15 =	simm.s32 $0x4000;
	[sflag:s30] =	ssyncset.done $0x0  }
.LBB2_4:
0x148: {  	p2 =	sne.s32 s15, $0x24000;
	[sflag:s30] =	ssyncadd.s32 $0xFFFFC000;
	s17 =	sadd.s32 $0x80, s17  }
0x149: {  	[tilespmem:s19], [sflag:$0x5] =	stream.linear.gather [hbm4b:s17+s8], $0x400, $0x38;
	[tilespmem:$0x1C2F8] =	vst v63  }
0x14a: {  	s9 =	smov.u32 s15;
	s15 =	sadd.s32 $0x4000, s15;
	_ =	swait.ge [sflag:s20], $0x400  }
0x14b: {  	[sflag:s20] =	ssyncset.done $0x0  }
0x14c: {  	[sflag:s20] =	ssyncadd.s32 $0xFFFFFC00  }
0x14d: {  	[tilespmem:s22], [sflag:$0x1] =	stream.indirect.gather [spmem:s2], $0x80, s19, s21, $0xb8;
	[tilespmem:$0x1C2F8] =	vst v63  }
0x14e: {  	_ = 	snop  }
0x14f: {  	[tilespmem:s24], [sflag:$0x2] =	stream.indirect.gather [spmem:s2], $0x80, s23, s21, $0xb8;
	[tilespmem:$0x1C2F8] =	vst v63  }
0x150: {  	_ =	swait.ge [sflag:s25], $0x4000  }
0x151: {  	[sflag:s25] =	ssyncset.done $0x0  }
0x152: {  	s9 =	sadd.s32 s9, s12;
	[sflag:s25] =	ssyncadd.s32 $0xFFFFC000  }
0x153: {  	[hbm4b:s9+s8] =	stream.linear.scatter [tilespmem:s22], [sflag:$0x3], $0x4000, $0x38;
	[tilespmem:$0x1C2F8] =	vst v63  }
0x154: {  	_ =	swait.ge [sflag:s26], $0x4000  }
0x155: {  	[sflag:s26] =	ssyncset.done $0x0  }
0x156: {  	[sflag:s26] =	ssyncadd.s32 $0xFFFFC000  }
0x157: {  	[tilespmem:s22], [sflag:$0x1] =	stream.indirect.gather [spmem:s2], $0x80, s28, s21, $0xb8;
	[tilespmem:$0x1C2F8] =	vst v63  }
0x158: {  	_ =	swait.ge [sflag:s29], $0x4000  }
0x159: {  	[sflag:s29] =	ssyncset.done $0x0  }
0x15a: {  	s16 =	sadd.s32 $0x800, s9;
	[sflag:s29] =	ssyncadd.s32 $0xFFFFC000  }
0x15b: {  	[hbm4b:s16+s8] =	stream.linear.scatter [tilespmem:s24], [sflag:$0x4], $0x4000, $0x38;
	[tilespmem:$0x1C2F8] =	vst v63  }
0x15c: {  	_ =	swait.ge [sflag:s30], $0x4000  }
0x15d: {  	[sflag:s30] =	ssyncset.done $0x0  }
0x15e: {  	[sflag:s30] =	ssyncadd.s32 $0xFFFFC000  }
0x15f: {  	[tilespmem:s24], [sflag:$0x2] =	stream.indirect.gather [spmem:s2], $0x80, s11, s21, $0xb8;
	[tilespmem:$0x1C2F8] =	vst v63  }
0x160: {  	_ =	swait.ge [sflag:s25], $0x4000  }
0x161: {  	[sflag:s25] =	ssyncset.done $0x0  }
0x162: {  	s16 =	sadd.s32 $0x1000, s9;
	[sflag:s25] =	ssyncadd.s32 $0xFFFFC000  }
0x163: {  	[hbm4b:s16+s8] =	stream.linear.scatter [tilespmem:s22], [sflag:$0x3], $0x4000, $0x38;
	[tilespmem:$0x1C2F8] =	vst v63  }
0x164: {  	_ =	swait.ge [sflag:s26], $0x4000  }
0x165: {  	[sflag:s26] =	ssyncset.done $0x0  }
0x166: {  	[sflag:s26] =	ssyncadd.s32 $0xFFFFC000  }
0x167: {  	[tilespmem:s22], [sflag:$0x1] =	stream.indirect.gather [spmem:s2], $0x80, s0, s21, $0xb8;
	[tilespmem:$0x1C2F8] =	vst v63  }
0x168: {  	_ =	swait.ge [sflag:s29], $0x4000  }
0x169: {  	[sflag:s29] =	ssyncset.done $0x0  }
0x16a: {  	s16 =	sadd.s32 $0x1800, s9;
	[sflag:s29] =	ssyncadd.s32 $0xFFFFC000  }
0x16b: {  	[hbm4b:s16+s8] =	stream.linear.scatter [tilespmem:s24], [sflag:$0x4], $0x4000, $0x38;
	[tilespmem:$0x1C2F8] =	vst v63  }
0x16c: {  	_ =	swait.ge [sflag:s30], $0x4000  }
0x16d: {  	[sflag:s30] =	ssyncset.done $0x0  }
0x16e: {  	[sflag:s30] =	ssyncadd.s32 $0xFFFFC000  }
0x16f: {  	[tilespmem:s24], [sflag:$0x2] =	stream.indirect.gather [spmem:s2], $0x80, s1, s21, $0xb8;
	[tilespmem:$0x1C2F8] =	vst v63  }
0x170: {  	_ =	swait.ge [sflag:s25], $0x4000  }
0x171: {  	[sflag:s25] =	ssyncset.done $0x0  }
0x172: {  	s16 =	sadd.s32 $0x2000, s9;
	[sflag:s25] =	ssyncadd.s32 $0xFFFFC000  }
0x173: {  	[hbm4b:s16+s8] =	stream.linear.scatter [tilespmem:s22], [sflag:$0x3], $0x4000, $0x38;
	[tilespmem:$0x1C2F8] =	vst v63  }
0x174: {  	_ =	swait.ge [sflag:s26], $0x4000  }
0x175: {  	[sflag:s26] =	ssyncset.done $0x0  }
0x176: {  	[sflag:s26] =	ssyncadd.s32 $0xFFFFC000  }
0x177: {  	[tilespmem:s22], [sflag:$0x1] =	stream.indirect.gather [spmem:s2], $0x80, s5, s21, $0xb8;
	[tilespmem:$0x1C2F8] =	vst v63  }
0x178: {  	_ =	swait.ge [sflag:s29], $0x4000  }
0x179: {  	[sflag:s29] =	ssyncset.done $0x0  }
0x17a: {  	s16 =	sadd.s32 $0x2800, s9;
	[sflag:s29] =	ssyncadd.s32 $0xFFFFC000  }
0x17b: {  	[hbm4b:s16+s8] =	stream.linear.scatter [tilespmem:s24], [sflag:$0x4], $0x4000, $0x38;
	[tilespmem:$0x1C2F8] =	vst v63  }
0x17c: {  	_ =	swait.ge [sflag:s30], $0x4000  }
0x17d: {  	[sflag:s30] =	ssyncset.done $0x0  }
0x17e: {  	[sflag:s30] =	ssyncadd.s32 $0xFFFFC000  }
0x17f: {  	[tilespmem:s24], [sflag:$0x2] =	stream.indirect.gather [spmem:s2], $0x80, s6, s21, $0xb8;
	[tilespmem:$0x1C2F8] =	vst v63  }
0x180: {  	_ =	swait.ge [sflag:s25], $0x4000  }
0x181: {  	[sflag:s25] =	ssyncset.done $0x0  }
0x182: {  	s16 =	sadd.s32 $0x3000, s9;
	[sflag:s25] =	ssyncadd.s32 $0xFFFFC000  }
0x183: {  	[hbm4b:s16+s8] =	stream.linear.scatter [tilespmem:s22], [sflag:$0x3], $0x4000, $0x38;
	[tilespmem:$0x1C2F8] =	vst v63  }
0x184: {  	_ =	swait.ge [sflag:s29], $0x4000  }
0x185: {  	[sflag:s29] =	ssyncset.done $0x0  }
0x186: {  	s9 =	sadd.s32 $0x3800, s9;
	[sflag:s29] =	ssyncadd.s32 $0xFFFFC000  }
0x187: {  	[hbm4b:s9+s8] =	stream.linear.scatter [tilespmem:s24], [sflag:$0x4], $0x4000, $0x38;
	[tilespmem:$0x1C2F8] =	vst v63  }
.Ltmp2:
0x188: {  	_ =	swait.ge [sflag:s26], $0x4000;
	(pc) =	sbr.rel @p2 .LBB2_4-.Ltmp2, $4  }
0x189: {  	[sflag:s26] =	ssyncset.done $0x0  }
0x18a: {  	[sflag:s26] =	ssyncadd.s32 $0xFFFFC000  }
0x18b: {  	_ =	swait.ge [sflag:s30], $0x4000  }
0x18c: {  	[sflag:s30] =	ssyncset.done $0x0  }
.LBB2_5:
0x18d: {  	p3 =	por $0x1, $0x1  }
.Ltmp3:
0x18e: {  	_ = 	snop;
	(pc) =	sbr.rel @!p3 .LBB2_10-.Ltmp3, $3  }
0x18f: {  	_ =	sdelay $0x1  }
0x190: {  	[sflag:s30] =	ssyncadd.s32 $0xFFFFC000;
	s15 =	simm.s32 $0x80  }
0x191: {  	p2 =	por $0x0, $0x0;
	s17 =	simm.s32 $0x1BF78;
	s16 =	rddreg [dreg:$0x12]  }
0x192: {  	s8 =	sadd.s32 $0x0, s14  }
0x193: {  	[tilespmem:s19], [sflag:$0x5] =	stream.linear.gather [hbm4b:s8+s4], $0x400, $0x38;
	[tilespmem:$0x1C2F8] =	vst v63  }
0x194: {  	_ =	swait.ge [sflag:s20], $0x400  }
0x195: {  	[sflag:s20] =	ssyncset.done $0x0  }
0x196: {  	[sflag:s20] =	ssyncadd.s32 $0xFFFFFC00  }
0x197: {  	[tilespmem:s7], [sflag:$0x1] =	stream.indirect.gather [spmem:s3], $0x1, s19, s21, $0xb8;
	[tilespmem:$0x1C2F8] =	vst v63  }
0x198: {  	_ = 	snop  }
0x199: {  	[tilespmem:s17], [sflag:$0x1] =	stream.indirect.gather [spmem:s3], $0x1, s23, s21, $0xb8;
	[tilespmem:$0x1C2F8] =	vst v63  }
0x19a: {  	s9 =	simm.s32 $0x1BFF8  }
0x19b: {  	[tilespmem:s9], [sflag:$0x1] =	stream.indirect.gather [spmem:s3], $0x1, s28, s21, $0xb8;
	[tilespmem:$0x1C2F8] =	vst v63  }
0x19c: {  	s1 =	simm.s32 $0x1C078  }
0x19d: {  	[tilespmem:s1], [sflag:$0x1] =	stream.indirect.gather [spmem:s3], $0x1, s11, s21, $0xb8;
	[tilespmem:$0x1C2F8] =	vst v63  }
0x19e: {  	s12 =	simm.s32 $0x1C0F8  }
0x19f: {  	[tilespmem:s12], [sflag:$0x1] =	stream.indirect.gather [spmem:s3], $0x1, s0, s21, $0xb8;
	[tilespmem:$0x1C2F8] =	vst v63  }
0x1a0: {  	s5 =	simm.s32 $0x13D78;
	s16 =	simm.s32 $0x1C178  }
0x1a1: {  	[tilespmem:s16], [sflag:$0x1] =	stream.indirect.gather [spmem:s3], $0x1, s5, s21, $0xb8;
	[tilespmem:$0x1C2F8] =	vst v63  }
0x1a2: {  	s6 =	simm.s32 $0x13DF8;
	s4 =	simm.s32 $0x1C1F8  }
0x1a3: {  	[tilespmem:s4], [sflag:$0x1] =	stream.indirect.gather [spmem:s3], $0x1, s6, s21, $0xb8;
	[tilespmem:$0x1C2F8] =	vst v63  }
0x1a4: {  	s18 =	simm.s32 $0x13E78;
	s11 =	simm.s32 $0x1C278  }
0x1a5: {  	[tilespmem:s11], [sflag:$0x1] =	stream.indirect.gather [spmem:s3], $0x1, s18, s21, $0xb8;
	[tilespmem:$0x1C2F8] =	vst v63  }
0x1a6: {  	_ =	swait.ge [sflag:s25], $0x80  }
0x1a7: {  	[sflag:s25] =	ssyncset.done $0x0  }
0x1a8: {  	[sflag:s25] =	ssyncadd.s32 $0xFFFFFF80  }
0x1a9: {  	_ =	swait.ge [sflag:s25], $0x80  }
0x1aa: {  	[sflag:s25] =	ssyncset.done $0x0  }
0x1ab: {  	[sflag:s25] =	ssyncadd.s32 $0xFFFFFF80  }
0x1ac: {  	_ =	swait.ge [sflag:s25], $0x80  }
0x1ad: {  	[sflag:s25] =	ssyncset.done $0x0  }
0x1ae: {  	[sflag:s25] =	ssyncadd.s32 $0xFFFFFF80  }
0x1af: {  	_ =	swait.ge [sflag:s25], $0x80  }
0x1b0: {  	[sflag:s25] =	ssyncset.done $0x0  }
0x1b1: {  	[sflag:s25] =	ssyncadd.s32 $0xFFFFFF80  }
0x1b2: {  	_ =	swait.ge [sflag:s25], $0x80  }
0x1b3: {  	[sflag:s25] =	ssyncset.done $0x0  }
0x1b4: {  	[sflag:s25] =	ssyncadd.s32 $0xFFFFFF80  }
0x1b5: {  	_ =	swait.ge [sflag:s25], $0x80  }
0x1b6: {  	[sflag:s25] =	ssyncset.done $0x0  }
0x1b7: {  	[sflag:s25] =	ssyncadd.s32 $0xFFFFFF80  }
0x1b8: {  	_ =	swait.ge [sflag:s25], $0x80  }
0x1b9: {  	s10 =	simm.s32 $0x0;
	[sflag:s25] =	ssyncset.done $0x0  }
0x1ba: {  	s31 =	simm.s32 $0x1BFF8;
	p3 =	por $0x1, $0x1;
	[sflag:s25] =	ssyncadd.s32 $0xFFFFFF80  }
0x1bb: {  	p2 =	por $0x1, $0x1;
	s7 =	simm.s32 $0x1C078;
	_ =	swait.ge [sflag:s25], $0x80  }
.Ltmp4:
0x1bc: {  	s23 =	simm.s32 $0x1BEF8;
	[sflag:s25] =	ssyncset.done $0x0;
	(pc) =	sbr.rel @!p3 .LBB2_7-.Ltmp4, $4  }
0x1bd: {  	s17 =	sadd.s32 $0x0, s13;
	s28 =	simm.s32 $0x1C0F8;
	[sflag:s25] =	ssyncadd.s32 $0xFFFFFF80  }
0x1be: {  	[hbm4b:s17+s10] =	stream.linear.scatter [tilespmem:s23], [sflag:$0x5], $0x400, $0x38;
	[tilespmem:$0x1C2F8] =	vst v63  }
0x1bf: {  	s1 =	simm.s32 $0x1C178;
	s0 =	simm.s32 $0x13C78;
	_ =	swait.ge [sflag:s20], $0x400  }
0x1c0: {  	s12 =	simm.s32 $0x1BF78;
	s17 =	simm.s32 $0x100;
	[sflag:s20] =	ssyncset.done $0x0  }
.LBB2_8:
0x1c1: {  	s16 =	sadd.s32 s15, s14  }
0x1c2: {  	[sflag:s20] =	ssyncadd.s32 $0xFFFFFC00;
	s9 =	smov.u32 s17;
	s8 =	sadd.s32 $0x80, s17  }
0x1c3: {  	[tilespmem:s19], [sflag:$0x5] =	stream.linear.gather [hbm4b:s16+s10], $0x400, $0x38;
	[tilespmem:$0x1C2F8] =	vst v63  }
0x1c4: {  	p3 =	sne.s32 s17, $0x480;
	_ =	swait.ge [sflag:s20], $0x400  }
0x1c5: {  	[sflag:s20] =	ssyncset.done $0x0  }
0x1c6: {  	[sflag:s20] =	ssyncadd.s32 $0xFFFFFC00  }
0x1c7: {  	[tilespmem:s23], [sflag:$0x1] =	stream.indirect.gather [spmem:s3], $0x1, s19, s21, $0xb8;
	[tilespmem:$0x1C2F8] =	vst v63  }
0x1c8: {  	s16 =	simm.s32 $0x13B78  }
0x1c9: {  	[tilespmem:s12], [sflag:$0x1] =	stream.indirect.gather [spmem:s3], $0x1, s16, s21, $0xb8;
	[tilespmem:$0x1C2F8] =	vst v63  }
0x1ca: {  	s16 =	simm.s32 $0x13BF8  }
0x1cb: {  	[tilespmem:s31], [sflag:$0x1] =	stream.indirect.gather [spmem:s3], $0x1, s16, s21, $0xb8;
	[tilespmem:$0x1C2F8] =	vst v63  }
0x1cc: {  	_ = 	snop  }
0x1cd: {  	[tilespmem:s7], [sflag:$0x1] =	stream.indirect.gather [spmem:s3], $0x1, s0, s21, $0xb8;
	[tilespmem:$0x1C2F8] =	vst v63  }
0x1ce: {  	s16 =	simm.s32 $0x13CF8  }
0x1cf: {  	[tilespmem:s28], [sflag:$0x1] =	stream.indirect.gather [spmem:s3], $0x1, s16, s21, $0xb8;
	[tilespmem:$0x1C2F8] =	vst v63  }
0x1d0: {  	_ = 	snop  }
0x1d1: {  	[tilespmem:s1], [sflag:$0x1] =	stream.indirect.gather [spmem:s3], $0x1, s5, s21, $0xb8;
	[tilespmem:$0x1C2F8] =	vst v63  }
0x1d2: {  	_ = 	snop  }
0x1d3: {  	[tilespmem:s4], [sflag:$0x1] =	stream.indirect.gather [spmem:s3], $0x1, s6, s21, $0xb8;
	[tilespmem:$0x1C2F8] =	vst v63  }
0x1d4: {  	_ = 	snop  }
0x1d5: {  	[tilespmem:s11], [sflag:$0x1] =	stream.indirect.gather [spmem:s3], $0x1, s18, s21, $0xb8;
	[tilespmem:$0x1C2F8] =	vst v63  }
0x1d6: {  	_ =	swait.ge [sflag:s25], $0x80  }
0x1d7: {  	[sflag:s25] =	ssyncset.done $0x0  }
0x1d8: {  	[sflag:s25] =	ssyncadd.s32 $0xFFFFFF80  }
0x1d9: {  	_ =	swait.ge [sflag:s25], $0x80  }
0x1da: {  	[sflag:s25] =	ssyncset.done $0x0  }
0x1db: {  	[sflag:s25] =	ssyncadd.s32 $0xFFFFFF80  }
0x1dc: {  	_ =	swait.ge [sflag:s25], $0x80  }
0x1dd: {  	[sflag:s25] =	ssyncset.done $0x0  }
0x1de: {  	[sflag:s25] =	ssyncadd.s32 $0xFFFFFF80  }
0x1df: {  	_ =	swait.ge [sflag:s25], $0x80  }
0x1e0: {  	[sflag:s25] =	ssyncset.done $0x0  }
0x1e1: {  	[sflag:s25] =	ssyncadd.s32 $0xFFFFFF80  }
0x1e2: {  	_ =	swait.ge [sflag:s25], $0x80  }
0x1e3: {  	[sflag:s25] =	ssyncset.done $0x0  }
0x1e4: {  	[sflag:s25] =	ssyncadd.s32 $0xFFFFFF80  }
0x1e5: {  	_ =	swait.ge [sflag:s25], $0x80  }
0x1e6: {  	[sflag:s25] =	ssyncset.done $0x0  }
0x1e7: {  	[sflag:s25] =	ssyncadd.s32 $0xFFFFFF80  }
0x1e8: {  	_ =	swait.ge [sflag:s25], $0x80  }
0x1e9: {  	[sflag:s25] =	ssyncset.done $0x0  }
0x1ea: {  	[sflag:s25] =	ssyncadd.s32 $0xFFFFFF80  }
0x1eb: {  	_ =	swait.ge [sflag:s25], $0x80  }
.Ltmp5:
0x1ec: {  	[sflag:s25] =	ssyncset.done $0x0;
	(pc) =	sbr.rel @p3 .LBB2_8-.Ltmp5, $4  }
0x1ed: {  	s16 =	sadd.s32 s15, s13;
	s15 =	smov.u32 s9;
	[sflag:s25] =	ssyncadd.s32 $0xFFFFFF80  }
0x1ee: {  	[hbm4b:s16+s10] =	stream.linear.scatter [tilespmem:s23], [sflag:$0x5], $0x400, $0x38;
	[tilespmem:$0x1C2F8] =	vst v63  }
0x1ef: {  	_ =	swait.ge [sflag:s20], $0x400  }
0x1f0: {  	s17 =	smov.u32 s8;
	[sflag:s20] =	ssyncset.done $0x0  }
0x1f1: {  	s8 =	smov.u32 s15;
	s31 =	simm.s32 $0x1C078;
	s10 =	rddreg [dreg:$0x10]  }
0x1f2: {  	s4 =	simm.s32 $0x0;
	s12 =	rddreg [dreg:$0x11];
	s7 =	simm.s32 $0x1BEF8  }
0x1f3: {  	s23 =	simm.s32 $0x13B78;
	s28 =	simm.s32 $0x13BF8;
	s11 =	simm.s32 $0x13C78  }
0x1f4: {  	s0 =	simm.s32 $0x13CF8;
	s1 =	simm.s32 $0x13D78;
	s5 =	simm.s32 $0x13DF8  }
0x1f5: {  	s6 =	simm.s32 $0x13E78;
	s16 =	rddreg [dreg:$0x12];
	s17 =	simm.s32 $0x1BF78  }
.LBB2_10:
0x1f6: {  	s9 =	sadd.s32 s8, s14;
	[sflag:s20] =	ssyncadd.s32 @p2 $0xFFFFFC00  }
0x1f7: {  	[tilespmem:s19], [sflag:$0x5] =	stream.linear.gather [hbm4b:s9+s4], $0x400, $0x38;
	[tilespmem:$0x1C2F8] =	vst v63  }
0x1f8: {  	_ =	swait.ge [sflag:s20], $0x400  }
0x1f9: {  	[sflag:s20] =	ssyncset.done $0x0  }
0x1fa: {  	[sflag:s20] =	ssyncadd.s32 $0xFFFFFC00  }
0x1fb: {  	[tilespmem:s7], [sflag:$0x1] =	stream.indirect.gather [spmem:s3], $0x1, s19, s21, $0xb8;
	[tilespmem:$0x1C2F8] =	vst v63  }
0x1fc: {  	_ = 	snop  }
0x1fd: {  	[tilespmem:s17], [sflag:$0x1] =	stream.indirect.gather [spmem:s3], $0x1, s23, s21, $0xb8;
	[tilespmem:$0x1C2F8] =	vst v63  }
0x1fe: {  	s18 =	simm.s32 $0x1BFF8  }
0x1ff: {  	[tilespmem:s18], [sflag:$0x1] =	stream.indirect.gather [spmem:s3], $0x1, s28, s21, $0xb8;
	[tilespmem:$0x1C2F8] =	vst v63  }
0x200: {  	_ = 	snop  }
0x201: {  	[tilespmem:s31], [sflag:$0x1] =	stream.indirect.gather [spmem:s3], $0x1, s11, s21, $0xb8;
	[tilespmem:$0x1C2F8] =	vst v63  }
0x202: {  	s15 =	simm.s32 $0x1C0F8  }
0x203: {  	[tilespmem:s15], [sflag:$0x1] =	stream.indirect.gather [spmem:s3], $0x1, s0, s21, $0xb8;
	[tilespmem:$0x1C2F8] =	vst v63  }
0x204: {  	s17 =	simm.s32 $0x1C178  }
0x205: {  	[tilespmem:s17], [sflag:$0x1] =	stream.indirect.gather [spmem:s3], $0x1, s1, s21, $0xb8;
	[tilespmem:$0x1C2F8] =	vst v63  }
0x206: {  	s18 =	simm.s32 $0x1C1F8  }
0x207: {  	[tilespmem:s18], [sflag:$0x1] =	stream.indirect.gather [spmem:s3], $0x1, s5, s21, $0xb8;
	[tilespmem:$0x1C2F8] =	vst v63  }
0x208: {  	s15 =	simm.s32 $0x1C278  }
0x209: {  	[tilespmem:s15], [sflag:$0x1] =	stream.indirect.gather [spmem:s3], $0x1, s6, s21, $0xb8;
	[tilespmem:$0x1C2F8] =	vst v63  }
0x20a: {  	_ =	swait.ge [sflag:s25], $0x80  }
0x20b: {  	[sflag:s25] =	ssyncset.done $0x0  }
0x20c: {  	[sflag:s25] =	ssyncadd.s32 $0xFFFFFF80  }
0x20d: {  	_ =	swait.ge [sflag:s25], $0x80  }
0x20e: {  	[sflag:s25] =	ssyncset.done $0x0  }
0x20f: {  	[sflag:s25] =	ssyncadd.s32 $0xFFFFFF80  }
0x210: {  	_ =	swait.ge [sflag:s25], $0x80  }
0x211: {  	[sflag:s25] =	ssyncset.done $0x0  }
0x212: {  	[sflag:s25] =	ssyncadd.s32 $0xFFFFFF80  }
0x213: {  	_ =	swait.ge [sflag:s25], $0x80  }
0x214: {  	[sflag:s25] =	ssyncset.done $0x0  }
0x215: {  	[sflag:s25] =	ssyncadd.s32 $0xFFFFFF80  }
0x216: {  	_ =	swait.ge [sflag:s25], $0x80  }
0x217: {  	[sflag:s25] =	ssyncset.done $0x0  }
0x218: {  	[sflag:s25] =	ssyncadd.s32 $0xFFFFFF80  }
0x219: {  	_ =	swait.ge [sflag:s25], $0x80  }
0x21a: {  	[sflag:s25] =	ssyncset.done $0x0  }
0x21b: {  	[sflag:s25] =	ssyncadd.s32 $0xFFFFFF80  }
0x21c: {  	_ =	swait.ge [sflag:s25], $0x80  }
0x21d: {  	[sflag:s25] =	ssyncset.done $0x0  }
0x21e: {  	[sflag:s25] =	ssyncadd.s32 $0xFFFFFF80  }
0x21f: {  	_ =	swait.ge [sflag:s25], $0x80  }
0x220: {  	[sflag:s25] =	ssyncset.done $0x0  }
0x221: {  	s17 =	sadd.s32 s8, s13;
	[sflag:s25] =	ssyncadd.s32 $0xFFFFFF80  }
0x222: {  	[hbm4b:s17+s4] =	stream.linear.scatter [tilespmem:s7], [sflag:$0x5], $0x400, $0x38;
	[tilespmem:$0x1C2F8] =	vst v63  }
0x223: {  	_ =	swait.ge [sflag:s20], $0x400  }
0x224: {  	s16 =	sadd.s32 $0x1, s16;
	s18 =	rddreg [dreg:$0x9]  }
0x225: {  	p2 =	sne.s32 s16, s18  }
.Ltmp6:
0x226: {  	_ = 	snop;
	(pc) =	sbr.rel @p2 .LBB2_1-.Ltmp6, $4  }
.Ltmp7:
0x227: {  	_ = 	snop;
	(pc) =	sbr.rel @!p2 .LBB2_11-.Ltmp7, $4  }
0x228: {  	_ = 	snop  }
0x229: {  	[sflag:s20] =	ssyncset.done $0x0  }
0x22a: {  	[sflag:s20] =	ssyncadd.s32 $0xFFFFFC00  }
0x22b: {  	_ = 	snop  }
.LBB2_7:
0x22c: {  	s8 =	simm.s32 $0x80  }
.Ltmp8:
0x22d: {  	s31 =	simm.s32 $0x1C078;
	s10 =	rddreg [dreg:$0x10];
	(pc) =	sbr.rel .LBB2_10-.Ltmp8, $4  }
0x22e: {  	s4 =	simm.s32 $0x0;
	s12 =	rddreg [dreg:$0x11];
	s7 =	simm.s32 $0x1BEF8  }
0x22f: {  	s23 =	simm.s32 $0x13B78;
	s28 =	simm.s32 $0x13BF8;
	s11 =	simm.s32 $0x13C78  }
0x230: {  	s0 =	simm.s32 $0x13CF8;
	s1 =	simm.s32 $0x13D78;
	s5 =	simm.s32 $0x13DF8  }
0x231: {  	s6 =	simm.s32 $0x13E78;
	s16 =	rddreg [dreg:$0x12];
	s17 =	simm.s32 $0x1BF78  }
.LBB2_11:
0x232: {  	_ =	sfence.sel $0x180000  }
0x233: {  	[bflag:$0x0] =	sbarrier.arrive $0xFFFF  }
0x234: {  	_ =	strace $0x90000047  }
0x235: {  	s0 =	stileid.u32;
	[bflag:$0x2] =	sbarrier.arrive $0xFFFF  }
0x236: {  	p0 =	sne.s32 s0, $0x0;
	s0 =	rddreg [dreg:$0x5]  }
0x237: {  	s0 =	sadd.s32 @!p0 $0x100000, s0  }
0x238: {  	[sflag:s0] =	ssyncadd.tile.s32 @!p0 $0x1;
	_ =	shalt  }
.Lfunc_end2:
_tile_overlayer_lowered:
.L_overlay_start_2:
0x239: {  	(tag) =	ssettag $0x2  }
0x23a: {  	s0 =	rddreg [dreg:$0x0];
	s2 =	stileid.u32  }
0x23b: {  	s1 =	rddreg [dreg:$0x1];
	p0 =	sne.s32 s2, $0x0  }
0x23c: {  	s3 =	rddreg [dreg:$0x2];
	[bflag:$0x3] =	sbarrier.arrive $0xFFFF;
	s2 =	simm.s32 @!p0 $0x1C05  }
0x23d: {  	[timem:s3], [sflag:s2] =	dma.local @!p0 [hbm:s0], s1  }
0x23e: {  	s0 =	simm.s32 @!p0 $0x5  }
0x23f: {  	_ =	swait.ge @!p0 [sflag:s0], s1  }
0x240: {  	s1 =	ssub.s32 @!p0 $0x0, s1;
	[sflag:s0] =	ssyncset.done @!p0 $0x0  }
0x241: {  	[sflag:s0] =	ssyncadd.s32 @!p0 s1  }
0x242: {  	[bflag:$0x3] =	sbarrier.arrive $0xFFFF  }
0x243: {  	_ =	shalt  }

</sc_bundles>
